<compile_context>
chip_gen: v7x
topology: tpu7x:2x2x1
jax: 0.10.2.dev20260603
libtpu: 0.0.44.dev20260713+nightly
codegen_flags: <defaults>
</compile_context>

<pallas_src>
import functools

import jax
import jax.numpy as jnp
from jax import lax
from jax.experimental import pallas as pl
from jax.experimental.pallas import tpu as pltpu
from jax.experimental.pallas import tpu_sc as plsc

N_ROWS = 8192
N_CH = 2048
NC = 2
NS = 16
L = 16
NW = NC * NS
ROWS_PER_W = N_ROWS // NW
RB = 4
NBLK = ROWS_PER_W // RB
NBUF = 4
NG = NBLK // NBUF
NJ = N_CH // L

_mesh = plsc.VectorSubcoreMesh(
    core_axis_name="c", subcore_axis_name="s", num_cores=NC, num_subcores=NS
)


@functools.partial(
    pl.kernel,
    mesh=_mesh,
    compiler_params=pltpu.CompilerParams(needs_layout_passes=False),
    out_type=jax.ShapeDtypeStruct((N_ROWS, N_CH), jnp.float32),
    scratch_types=(
        [pltpu.VMEM((N_CH,), jnp.int32)]
        + [pltpu.VMEM((RB, N_CH), jnp.float32) for _ in range(2 * NBUF)]
        + [pltpu.SemaphoreType.DMA for _ in range(2 * NBUF)]
    ),
)
def _permute(x_hbm, perm_hbm, out_hbm, perm_v, *bufs):
    wid = lax.axis_index("s") * NC + lax.axis_index("c")
    base = wid * ROWS_PER_W

    ins = bufs[:NBUF]
    outs = bufs[NBUF:2 * NBUF]
    sins = bufs[2 * NBUF:3 * NBUF]
    souts = bufs[3 * NBUF:]

    def start_in(blk, b):
        src = x_hbm.at[pl.ds(base + blk * RB, RB)]
        pltpu.make_async_copy(src, ins[b], sins[b]).start()

    def wait_in(b):
        src = x_hbm.at[pl.ds(base, RB)]
        pltpu.make_async_copy(src, ins[b], sins[b]).wait()

    def start_out(blk, b):
        dst = out_hbm.at[pl.ds(base + blk * RB, RB)]
        pltpu.make_async_copy(outs[b], dst, souts[b]).start()

    def wait_out(b):
        dst = out_hbm.at[pl.ds(base, RB)]
        pltpu.make_async_copy(outs[b], dst, souts[b]).wait()

    def compute(b):
        in_v = ins[b]
        out_v = outs[b]

        @plsc.parallel_loop(0, NJ, 1, unroll=2)
        def jloop(jc):
            idx = perm_v[pl.ds(jc * L, L)]
            vals = [
                plsc.load_gather(
                    in_v, [jnp.full((L,), r, jnp.int32), idx])
                for r in range(RB)
            ]
            for r in range(RB):
                out_v[r, pl.ds(jc * L, L)] = vals[r]

    for b in range(NBUF):
        start_in(b, b)
    pltpu.sync_copy(perm_hbm, perm_v)

    for b in range(NBUF):
        wait_in(b)
        compute(b)
        start_out(b, b)
        start_in(NBUF + b, b)

    def steady(g, carry):
        for b in range(NBUF):
            blk = g * NBUF + b
            wait_in(b)
            wait_out(b)
            compute(b)
            start_out(blk, b)
            start_in(blk + NBUF, b)
        return carry

    lax.fori_loop(1, NG - 1, steady, 0)

    for b in range(NBUF):
        blk = (NG - 1) * NBUF + b
        wait_in(b)
        wait_out(b)
        compute(b)
        start_out(blk, b)

    for b in range(NBUF):
        wait_out(b)


def kernel(x, perm):
    return _permute(x, perm.astype(jnp.int32))

# --- scband reference (transcript-rebuilt; emitter-appended) ---
"""Pipeline reference for scband-permutation-layer-73839077753181 (READ-ONLY COPY).

The authoritative reference and input builder live on the scoring server;
editing this copy changes nothing except your own understanding.
"""

import jax, jax.numpy as jnp
import numpy as np

N_CHANNELS = 2048


def setup_inputs(seed: int = 0) -> dict:
    key = jax.random.key(seed)
    k1, k2 = jax.random.split(key)
    x = jax.random.normal(k1, (8192, N_CHANNELS), dtype=jnp.float32)
    # buffer from __init__: torch.randperm(n_channels)
    perm = jax.random.permutation(k2, jnp.arange(N_CHANNELS, dtype=jnp.int64))
    return {"x": x, "perm": perm}


def reference(x, perm):
    # forward: x[:, self.perm] -> gather along channel axis
    return jnp.take(x, perm, axis=1)

if __name__ == "__main__":
    import jax
    _d = setup_inputs()
    print(jax.jit(kernel)(*tuple(_d.values())))

</pallas_src>

<mosaic_0001>
#map = affine_map<(d0, d1) -> (0, 0)>
#map1 = affine_map<(d0, d1) -> (0)>
module attributes {stable_mosaic.version = 14 : i64} {
  func.func @_permute(%arg0: i32, %arg1: i32, %arg2: memref<8192x2048xf32, #tpu.memory_space<hbm>>, %arg3: memref<2048xi32, #tpu.memory_space<hbm>>, %arg4: memref<8192x2048xf32, #tpu.memory_space<hbm>>, %arg5: memref<2048xi32, #tpu.memory_space<vmem>>, %arg6: memref<4x2048xf32, #tpu.memory_space<vmem>>, %arg7: memref<4x2048xf32, #tpu.memory_space<vmem>>, %arg8: memref<4x2048xf32, #tpu.memory_space<vmem>>, %arg9: memref<4x2048xf32, #tpu.memory_space<vmem>>, %arg10: memref<4x2048xf32, #tpu.memory_space<vmem>>, %arg11: memref<4x2048xf32, #tpu.memory_space<vmem>>, %arg12: memref<4x2048xf32, #tpu.memory_space<vmem>>, %arg13: memref<4x2048xf32, #tpu.memory_space<vmem>>, %arg14: memref<!tpu.dma_semaphore, #tpu.memory_space<semaphore_mem>>, %arg15: memref<!tpu.dma_semaphore, #tpu.memory_space<semaphore_mem>>, %arg16: memref<!tpu.dma_semaphore, #tpu.memory_space<semaphore_mem>>, %arg17: memref<!tpu.dma_semaphore, #tpu.memory_space<semaphore_mem>>, %arg18: memref<!tpu.dma_semaphore, #tpu.memory_space<semaphore_mem>>, %arg19: memref<!tpu.dma_semaphore, #tpu.memory_space<semaphore_mem>>, %arg20: memref<!tpu.dma_semaphore, #tpu.memory_space<semaphore_mem>>, %arg21: memref<!tpu.dma_semaphore, #tpu.memory_space<semaphore_mem>>) attributes {dimension_semantics = [#tpu.dimension_semantics<core_parallel>, #tpu.dimension_semantics<subcore_parallel>], iteration_bounds = array<i64: 2, 16>, scalar_prefetch = 0 : i64, scratch_operands = 17 : i64, tpu.core_type = #tpu.core_type<sc_vector_subcore>, window_params = [{transform_indices = #map}, {transform_indices = #map1}, {transform_indices = #map}]} {
    %mul3A = arith.constant 2 : i32
    %mul3A_0 = arith.muli %arg1, %mul3A : i32
    %add3A = arith.addi %mul3A_0, %arg0 : i32
    %mul3A_1 = arith.constant 256 : i32
    %mul3A_2 = arith.muli %add3A, %mul3A_1 : i32
    %add3A_3 = arith.constant 0 : i32
    %add3A_4 = arith.addi %mul3A_2, %add3A_3 : i32
    %dma_start3A = arith.constant 0 : i32
    %dma_start3A_5 = tpu.memref_slice %arg2[%add3A_4, %dma_start3A] : memref<8192x2048xf32, #tpu.memory_space<hbm>> -> memref<4x2048xf32, #tpu.memory_space<hbm>>
    %dma_start3A_6 = arith.constant 0 : i32
    %dma_start3A_7 = tpu.memref_slice %arg2[%add3A_4, %dma_start3A_6] : memref<8192x2048xf32, #tpu.memory_space<hbm>> -> memref<4x2048xf32, #tpu.memory_space<hbm>>
    tpu.enqueue_dma source(%dma_start3A_7 : memref<4x2048xf32, #tpu.memory_space<hbm>>) target(%arg6 : memref<4x2048xf32, #tpu.memory_space<vmem>>) target_semaphore(%arg14 : memref<!tpu.dma_semaphore, #tpu.memory_space<semaphore_mem>>)
    %add3A_8 = arith.constant 4 : i32
    %add3A_9 = arith.addi %mul3A_2, %add3A_8 : i32
    %dma_start3A_10 = arith.constant 0 : i32
    %dma_start3A_11 = tpu.memref_slice %arg2[%add3A_9, %dma_start3A_10] : memref<8192x2048xf32, #tpu.memory_space<hbm>> -> memref<4x2048xf32, #tpu.memory_space<hbm>>
    %dma_start3A_12 = arith.constant 0 : i32
    %dma_start3A_13 = tpu.memref_slice %arg2[%add3A_9, %dma_start3A_12] : memref<8192x2048xf32, #tpu.memory_space<hbm>> -> memref<4x2048xf32, #tpu.memory_space<hbm>>
    tpu.enqueue_dma source(%dma_start3A_13 : memref<4x2048xf32, #tpu.memory_space<hbm>>) target(%arg7 : memref<4x2048xf32, #tpu.memory_space<vmem>>) target_semaphore(%arg15 : memref<!tpu.dma_semaphore, #tpu.memory_space<semaphore_mem>>)
    %add3A_14 = arith.constant 8 : i32
    %add3A_15 = arith.addi %mul3A_2, %add3A_14 : i32
    %dma_start3A_16 = arith.constant 0 : i32
    %dma_start3A_17 = tpu.memref_slice %arg2[%add3A_15, %dma_start3A_16] : memref<8192x2048xf32, #tpu.memory_space<hbm>> -> memref<4x2048xf32, #tpu.memory_space<hbm>>
    %dma_start3A_18 = arith.constant 0 : i32
    %dma_start3A_19 = tpu.memref_slice %arg2[%add3A_15, %dma_start3A_18] : memref<8192x2048xf32, #tpu.memory_space<hbm>> -> memref<4x2048xf32, #tpu.memory_space<hbm>>
    tpu.enqueue_dma source(%dma_start3A_19 : memref<4x2048xf32, #tpu.memory_space<hbm>>) target(%arg8 : memref<4x2048xf32, #tpu.memory_space<vmem>>) target_semaphore(%arg16 : memref<!tpu.dma_semaphore, #tpu.memory_space<semaphore_mem>>)
    %add3A_20 = arith.constant 12 : i32
    %add3A_21 = arith.addi %mul3A_2, %add3A_20 : i32
    %dma_start3A_22 = arith.constant 0 : i32
    %dma_start3A_23 = tpu.memref_slice %arg2[%add3A_21, %dma_start3A_22] : memref<8192x2048xf32, #tpu.memory_space<hbm>> -> memref<4x2048xf32, #tpu.memory_space<hbm>>
    %dma_start3A_24 = arith.constant 0 : i32
    %dma_start3A_25 = tpu.memref_slice %arg2[%add3A_21, %dma_start3A_24] : memref<8192x2048xf32, #tpu.memory_space<hbm>> -> memref<4x2048xf32, #tpu.memory_space<hbm>>
    tpu.enqueue_dma source(%dma_start3A_25 : memref<4x2048xf32, #tpu.memory_space<hbm>>) target(%arg9 : memref<4x2048xf32, #tpu.memory_space<vmem>>) target_semaphore(%arg17 : memref<!tpu.dma_semaphore, #tpu.memory_space<semaphore_mem>>)
    "tpu.region"() ({
      %run_scoped3A = tpu.sem_alloc : memref<!tpu.dma_semaphore, #tpu.memory_space<semaphore_mem>>
      tpu.enqueue_dma source(%arg3 : memref<2048xi32, #tpu.memory_space<hbm>>) target(%arg5 : memref<2048xi32, #tpu.memory_space<vmem>>) target_semaphore(%run_scoped3A : memref<!tpu.dma_semaphore, #tpu.memory_space<semaphore_mem>>)
      tpu.wait_dma2 semaphore(%run_scoped3A : memref<!tpu.dma_semaphore, #tpu.memory_space<semaphore_mem>>) src(%arg3 : memref<2048xi32, #tpu.memory_space<hbm>>) dst(%arg5 : memref<2048xi32, #tpu.memory_space<vmem>>)
      tpu.yield
    }) : () -> ()
    %dma_wait3A = arith.constant 0 : i32
    %dma_wait3A_26 = tpu.memref_slice %arg2[%mul3A_2, %dma_wait3A] : memref<8192x2048xf32, #tpu.memory_space<hbm>> -> memref<4x2048xf32, #tpu.memory_space<hbm>>
    %dma_wait3A_27 = arith.constant 0 : i32
    %dma_wait3A_28 = tpu.memref_slice %arg2[%mul3A_2, %dma_wait3A_27] : memref<8192x2048xf32, #tpu.memory_space<hbm>> -> memref<4x2048xf32, #tpu.memory_space<hbm>>
    tpu.wait_dma2 semaphore(%arg14 : memref<!tpu.dma_semaphore, #tpu.memory_space<semaphore_mem>>) src(%dma_wait3A_28 : memref<4x2048xf32, #tpu.memory_space<hbm>>) dst(%arg6 : memref<4x2048xf32, #tpu.memory_space<vmem>>)
    %parallel_loop3A = arith.constant 0 : i32
    %parallel_loop3A_29 = arith.constant 128 : i32
    %parallel_loop3A_30 = arith.constant 1 : i32
    scf.for %parallel_loop3A_189 = %parallel_loop3A to %parallel_loop3A_29 step %parallel_loop3A_30  : i32 {
      %parallel_loop3A_190 = arith.constant 16 : i32
      %parallel_loop3A_191 = arith.muli %parallel_loop3A_189, %parallel_loop3A_190 : i32
      %parallel_loop3A_192 = arith.index_cast %parallel_loop3A_191 : i32 to index
      %parallel_loop3A_193 = tpu.vector_load %arg5[%parallel_loop3A_192] {strides = array<i32>} : memref<2048xi32, #tpu.memory_space<vmem>>, vector<16xi32>,
      %parallel_loop3A_194 = arith.constant 0 : i32
      %parallel_loop3A_195 = vector.broadcast %parallel_loop3A_194 : i32 to vector<16xi32>
      %parallel_loop3A_196 = tpu.vector_load_idx %arg6[%parallel_loop3A_195, %parallel_loop3A_193] : memref<4x2048xf32, #tpu.memory_space<vmem>>[vector<16xi32>, vector<16xi32>], vector<16xf32>,
      %parallel_loop3A_197 = arith.constant 1 : i32
      %parallel_loop3A_198 = vector.broadcast %parallel_loop3A_197 : i32 to vector<16xi32>
      %parallel_loop3A_199 = tpu.vector_load_idx %arg6[%parallel_loop3A_198, %parallel_loop3A_193] : memref<4x2048xf32, #tpu.memory_space<vmem>>[vector<16xi32>, vector<16xi32>], vector<16xf32>,
      %parallel_loop3A_200 = arith.constant 2 : i32
      %parallel_loop3A_201 = vector.broadcast %parallel_loop3A_200 : i32 to vector<16xi32>
      %parallel_loop3A_202 = tpu.vector_load_idx %arg6[%parallel_loop3A_201, %parallel_loop3A_193] : memref<4x2048xf32, #tpu.memory_space<vmem>>[vector<16xi32>, vector<16xi32>], vector<16xf32>,
      %parallel_loop3A_203 = arith.constant 3 : i32
      %parallel_loop3A_204 = vector.broadcast %parallel_loop3A_203 : i32 to vector<16xi32>
      %parallel_loop3A_205 = tpu.vector_load_idx %arg6[%parallel_loop3A_204, %parallel_loop3A_193] : memref<4x2048xf32, #tpu.memory_space<vmem>>[vector<16xi32>, vector<16xi32>], vector<16xf32>,
      %parallel_loop3A_206 = arith.constant 16 : i32
      %parallel_loop3A_207 = arith.muli %parallel_loop3A_189, %parallel_loop3A_206 : i32
      %parallel_loop3A_208 = arith.constant 0 : i32
      %parallel_loop3A_209 = arith.index_cast %parallel_loop3A_208 : i32 to index
      %parallel_loop3A_210 = arith.index_cast %parallel_loop3A_207 : i32 to index
      %parallel_loop3A_211 = tpu.vector_load %arg10[%parallel_loop3A_209, %parallel_loop3A_210] {strides = array<i32>} : memref<4x2048xf32, #tpu.memory_space<vmem>>, vector<16xf32>,
      tpu.vector_store %arg10[%parallel_loop3A_209, %parallel_loop3A_210], %parallel_loop3A_196 {strides = array<i32>} : memref<4x2048xf32, #tpu.memory_space<vmem>>, vector<16xf32>,
      %parallel_loop3A_212 = arith.constant 16 : i32
      %parallel_loop3A_213 = arith.muli %parallel_loop3A_189, %parallel_loop3A_212 : i32
      %parallel_loop3A_214 = arith.constant 1 : i32
      %parallel_loop3A_215 = arith.index_cast %parallel_loop3A_214 : i32 to index
      %parallel_loop3A_216 = arith.index_cast %parallel_loop3A_213 : i32 to index
      %parallel_loop3A_217 = tpu.vector_load %arg10[%parallel_loop3A_215, %parallel_loop3A_216] {strides = array<i32>} : memref<4x2048xf32, #tpu.memory_space<vmem>>, vector<16xf32>,
      tpu.vector_store %arg10[%parallel_loop3A_215, %parallel_loop3A_216], %parallel_loop3A_199 {strides = array<i32>} : memref<4x2048xf32, #tpu.memory_space<vmem>>, vector<16xf32>,
      %parallel_loop3A_218 = arith.constant 16 : i32
      %parallel_loop3A_219 = arith.muli %parallel_loop3A_189, %parallel_loop3A_218 : i32
      %parallel_loop3A_220 = arith.constant 2 : i32
      %parallel_loop3A_221 = arith.index_cast %parallel_loop3A_220 : i32 to index
      %parallel_loop3A_222 = arith.index_cast %parallel_loop3A_219 : i32 to index
      %parallel_loop3A_223 = tpu.vector_load %arg10[%parallel_loop3A_221, %parallel_loop3A_222] {strides = array<i32>} : memref<4x2048xf32, #tpu.memory_space<vmem>>, vector<16xf32>,
      tpu.vector_store %arg10[%parallel_loop3A_221, %parallel_loop3A_222], %parallel_loop3A_202 {strides = array<i32>} : memref<4x2048xf32, #tpu.memory_space<vmem>>, vector<16xf32>,
      %parallel_loop3A_224 = arith.constant 16 : i32
      %parallel_loop3A_225 = arith.muli %parallel_loop3A_189, %parallel_loop3A_224 : i32
      %parallel_loop3A_226 = arith.constant 3 : i32
      %parallel_loop3A_227 = arith.index_cast %parallel_loop3A_226 : i32 to index
      %parallel_loop3A_228 = arith.index_cast %parallel_loop3A_225 : i32 to index
      %parallel_loop3A_229 = tpu.vector_load %arg10[%parallel_loop3A_227, %parallel_loop3A_228] {strides = array<i32>} : memref<4x2048xf32, #tpu.memory_space<vmem>>, vector<16xf32>,
      tpu.vector_store %arg10[%parallel_loop3A_227, %parallel_loop3A_228], %parallel_loop3A_205 {strides = array<i32>} : memref<4x2048xf32, #tpu.memory_space<vmem>>, vector<16xf32>,
    } {sc.loop_unroll_factor = 2 : i64, sc.parallel_access}
    %add3A_31 = arith.constant 0 : i32
    %add3A_32 = arith.addi %mul3A_2, %add3A_31 : i32
    %dma_start3A_33 = arith.constant 0 : i32
    %dma_start3A_34 = tpu.memref_slice %arg4[%add3A_32, %dma_start3A_33] : memref<8192x2048xf32, #tpu.memory_space<hbm>> -> memref<4x2048xf32, #tpu.memory_space<hbm>>
    %dma_start3A_35 = arith.constant 0 : i32
    %dma_start3A_36 = tpu.memref_slice %arg4[%add3A_32, %dma_start3A_35] : memref<8192x2048xf32, #tpu.memory_space<hbm>> -> memref<4x2048xf32, #tpu.memory_space<hbm>>
    tpu.enqueue_dma source(%arg10 : memref<4x2048xf32, #tpu.memory_space<vmem>>) target(%dma_start3A_36 : memref<4x2048xf32, #tpu.memory_space<hbm>>) target_semaphore(%arg18 : memref<!tpu.dma_semaphore, #tpu.memory_space<semaphore_mem>>)
    %add3A_37 = arith.constant 16 : i32
    %add3A_38 = arith.addi %mul3A_2, %add3A_37 : i32
    %dma_start3A_39 = arith.constant 0 : i32
    %dma_start3A_40 = tpu.memref_slice %arg2[%add3A_38, %dma_start3A_39] : memref<8192x2048xf32, #tpu.memory_space<hbm>> -> memref<4x2048xf32, #tpu.memory_space<hbm>>
    %dma_start3A_41 = arith.constant 0 : i32
    %dma_start3A_42 = tpu.memref_slice %arg2[%add3A_38, %dma_start3A_41] : memref<8192x2048xf32, #tpu.memory_space<hbm>> -> memref<4x2048xf32, #tpu.memory_space<hbm>>
    tpu.enqueue_dma source(%dma_start3A_42 : memref<4x2048xf32, #tpu.memory_space<hbm>>) target(%arg6 : memref<4x2048xf32, #tpu.memory_space<vmem>>) target_semaphore(%arg14 : memref<!tpu.dma_semaphore, #tpu.memory_space<semaphore_mem>>)
    %dma_wait3A_43 = arith.constant 0 : i32
    %dma_wait3A_44 = tpu.memref_slice %arg2[%mul3A_2, %dma_wait3A_43] : memref<8192x2048xf32, #tpu.memory_space<hbm>> -> memref<4x2048xf32, #tpu.memory_space<hbm>>
    %dma_wait3A_45 = arith.constant 0 : i32
    %dma_wait3A_46 = tpu.memref_slice %arg2[%mul3A_2, %dma_wait3A_45] : memref<8192x2048xf32, #tpu.memory_space<hbm>> -> memref<4x2048xf32, #tpu.memory_space<hbm>>
    tpu.wait_dma2 semaphore(%arg15 : memref<!tpu.dma_semaphore, #tpu.memory_space<semaphore_mem>>) src(%dma_wait3A_46 : memref<4x2048xf32, #tpu.memory_space<hbm>>) dst(%arg7 : memref<4x2048xf32, #tpu.memory_space<vmem>>)
    %parallel_loop3A_47 = arith.constant 0 : i32
    %parallel_loop3A_48 = arith.constant 128 : i32
    %parallel_loop3A_49 = arith.constant 1 : i32
    scf.for %parallel_loop3A_189 = %parallel_loop3A_47 to %parallel_loop3A_48 step %parallel_loop3A_49  : i32 {
      %parallel_loop3A_190 = arith.constant 16 : i32
      %parallel_loop3A_191 = arith.muli %parallel_loop3A_189, %parallel_loop3A_190 : i32
      %parallel_loop3A_192 = arith.index_cast %parallel_loop3A_191 : i32 to index
      %parallel_loop3A_193 = tpu.vector_load %arg5[%parallel_loop3A_192] {strides = array<i32>} : memref<2048xi32, #tpu.memory_space<vmem>>, vector<16xi32>,
      %parallel_loop3A_194 = arith.constant 0 : i32
      %parallel_loop3A_195 = vector.broadcast %parallel_loop3A_194 : i32 to vector<16xi32>
      %parallel_loop3A_196 = tpu.vector_load_idx %arg7[%parallel_loop3A_195, %parallel_loop3A_193] : memref<4x2048xf32, #tpu.memory_space<vmem>>[vector<16xi32>, vector<16xi32>], vector<16xf32>,
      %parallel_loop3A_197 = arith.constant 1 : i32
      %parallel_loop3A_198 = vector.broadcast %parallel_loop3A_197 : i32 to vector<16xi32>
      %parallel_loop3A_199 = tpu.vector_load_idx %arg7[%parallel_loop3A_198, %parallel_loop3A_193] : memref<4x2048xf32, #tpu.memory_space<vmem>>[vector<16xi32>, vector<16xi32>], vector<16xf32>,
      %parallel_loop3A_200 = arith.constant 2 : i32
      %parallel_loop3A_201 = vector.broadcast %parallel_loop3A_200 : i32 to vector<16xi32>
      %parallel_loop3A_202 = tpu.vector_load_idx %arg7[%parallel_loop3A_201, %parallel_loop3A_193] : memref<4x2048xf32, #tpu.memory_space<vmem>>[vector<16xi32>, vector<16xi32>], vector<16xf32>,
      %parallel_loop3A_203 = arith.constant 3 : i32
      %parallel_loop3A_204 = vector.broadcast %parallel_loop3A_203 : i32 to vector<16xi32>
      %parallel_loop3A_205 = tpu.vector_load_idx %arg7[%parallel_loop3A_204, %parallel_loop3A_193] : memref<4x2048xf32, #tpu.memory_space<vmem>>[vector<16xi32>, vector<16xi32>], vector<16xf32>,
      %parallel_loop3A_206 = arith.constant 16 : i32
      %parallel_loop3A_207 = arith.muli %parallel_loop3A_189, %parallel_loop3A_206 : i32
      %parallel_loop3A_208 = arith.constant 0 : i32
      %parallel_loop3A_209 = arith.index_cast %parallel_loop3A_208 : i32 to index
      %parallel_loop3A_210 = arith.index_cast %parallel_loop3A_207 : i32 to index
      %parallel_loop3A_211 = tpu.vector_load %arg11[%parallel_loop3A_209, %parallel_loop3A_210] {strides = array<i32>} : memref<4x2048xf32, #tpu.memory_space<vmem>>, vector<16xf32>,
      tpu.vector_store %arg11[%parallel_loop3A_209, %parallel_loop3A_210], %parallel_loop3A_196 {strides = array<i32>} : memref<4x2048xf32, #tpu.memory_space<vmem>>, vector<16xf32>,
      %parallel_loop3A_212 = arith.constant 16 : i32
      %parallel_loop3A_213 = arith.muli %parallel_loop3A_189, %parallel_loop3A_212 : i32
      %parallel_loop3A_214 = arith.constant 1 : i32
      %parallel_loop3A_215 = arith.index_cast %parallel_loop3A_214 : i32 to index
      %parallel_loop3A_216 = arith.index_cast %parallel_loop3A_213 : i32 to index
      %parallel_loop3A_217 = tpu.vector_load %arg11[%parallel_loop3A_215, %parallel_loop3A_216] {strides = array<i32>} : memref<4x2048xf32, #tpu.memory_space<vmem>>, vector<16xf32>,
      tpu.vector_store %arg11[%parallel_loop3A_215, %parallel_loop3A_216], %parallel_loop3A_199 {strides = array<i32>} : memref<4x2048xf32, #tpu.memory_space<vmem>>, vector<16xf32>,
      %parallel_loop3A_218 = arith.constant 16 : i32
      %parallel_loop3A_219 = arith.muli %parallel_loop3A_189, %parallel_loop3A_218 : i32
      %parallel_loop3A_220 = arith.constant 2 : i32
      %parallel_loop3A_221 = arith.index_cast %parallel_loop3A_220 : i32 to index
      %parallel_loop3A_222 = arith.index_cast %parallel_loop3A_219 : i32 to index
      %parallel_loop3A_223 = tpu.vector_load %arg11[%parallel_loop3A_221, %parallel_loop3A_222] {strides = array<i32>} : memref<4x2048xf32, #tpu.memory_space<vmem>>, vector<16xf32>,
      tpu.vector_store %arg11[%parallel_loop3A_221, %parallel_loop3A_222], %parallel_loop3A_202 {strides = array<i32>} : memref<4x2048xf32, #tpu.memory_space<vmem>>, vector<16xf32>,
      %parallel_loop3A_224 = arith.constant 16 : i32
      %parallel_loop3A_225 = arith.muli %parallel_loop3A_189, %parallel_loop3A_224 : i32
      %parallel_loop3A_226 = arith.constant 3 : i32
      %parallel_loop3A_227 = arith.index_cast %parallel_loop3A_226 : i32 to index
      %parallel_loop3A_228 = arith.index_cast %parallel_loop3A_225 : i32 to index
      %parallel_loop3A_229 = tpu.vector_load %arg11[%parallel_loop3A_227, %parallel_loop3A_228] {strides = array<i32>} : memref<4x2048xf32, #tpu.memory_space<vmem>>, vector<16xf32>,
      tpu.vector_store %arg11[%parallel_loop3A_227, %parallel_loop3A_228], %parallel_loop3A_205 {strides = array<i32>} : memref<4x2048xf32, #tpu.memory_space<vmem>>, vector<16xf32>,
    } {sc.loop_unroll_factor = 2 : i64, sc.parallel_access}
    %add3A_50 = arith.constant 4 : i32
    %add3A_51 = arith.addi %mul3A_2, %add3A_50 : i32
    %dma_start3A_52 = arith.constant 0 : i32
    %dma_start3A_53 = tpu.memref_slice %arg4[%add3A_51, %dma_start3A_52] : memref<8192x2048xf32, #tpu.memory_space<hbm>> -> memref<4x2048xf32, #tpu.memory_space<hbm>>
    %dma_start3A_54 = arith.constant 0 : i32
    %dma_start3A_55 = tpu.memref_slice %arg4[%add3A_51, %dma_start3A_54] : memref<8192x2048xf32, #tpu.memory_space<hbm>> -> memref<4x2048xf32, #tpu.memory_space<hbm>>
    tpu.enqueue_dma source(%arg11 : memref<4x2048xf32, #tpu.memory_space<vmem>>) target(%dma_start3A_55 : memref<4x2048xf32, #tpu.memory_space<hbm>>) target_semaphore(%arg19 : memref<!tpu.dma_semaphore, #tpu.memory_space<semaphore_mem>>)
    %add3A_56 = arith.constant 20 : i32
    %add3A_57 = arith.addi %mul3A_2, %add3A_56 : i32
    %dma_start3A_58 = arith.constant 0 : i32
    %dma_start3A_59 = tpu.memref_slice %arg2[%add3A_57, %dma_start3A_58] : memref<8192x2048xf32, #tpu.memory_space<hbm>> -> memref<4x2048xf32, #tpu.memory_space<hbm>>
    %dma_start3A_60 = arith.constant 0 : i32
    %dma_start3A_61 = tpu.memref_slice %arg2[%add3A_57, %dma_start3A_60] : memref<8192x2048xf32, #tpu.memory_space<hbm>> -> memref<4x2048xf32, #tpu.memory_space<hbm>>
    tpu.enqueue_dma source(%dma_start3A_61 : memref<4x2048xf32, #tpu.memory_space<hbm>>) target(%arg7 : memref<4x2048xf32, #tpu.memory_space<vmem>>) target_semaphore(%arg15 : memref<!tpu.dma_semaphore, #tpu.memory_space<semaphore_mem>>)
    %dma_wait3A_62 = arith.constant 0 : i32
    %dma_wait3A_63 = tpu.memref_slice %arg2[%mul3A_2, %dma_wait3A_62] : memref<8192x2048xf32, #tpu.memory_space<hbm>> -> memref<4x2048xf32, #tpu.memory_space<hbm>>
    %dma_wait3A_64 = arith.constant 0 : i32
    %dma_wait3A_65 = tpu.memref_slice %arg2[%mul3A_2, %dma_wait3A_64] : memref<8192x2048xf32, #tpu.memory_space<hbm>> -> memref<4x2048xf32, #tpu.memory_space<hbm>>
    tpu.wait_dma2 semaphore(%arg16 : memref<!tpu.dma_semaphore, #tpu.memory_space<semaphore_mem>>) src(%dma_wait3A_65 : memref<4x2048xf32, #tpu.memory_space<hbm>>) dst(%arg8 : memref<4x2048xf32, #tpu.memory_space<vmem>>)
    %parallel_loop3A_66 = arith.constant 0 : i32
    %parallel_loop3A_67 = arith.constant 128 : i32
    %parallel_loop3A_68 = arith.constant 1 : i32
    scf.for %parallel_loop3A_189 = %parallel_loop3A_66 to %parallel_loop3A_67 step %parallel_loop3A_68  : i32 {
      %parallel_loop3A_190 = arith.constant 16 : i32
      %parallel_loop3A_191 = arith.muli %parallel_loop3A_189, %parallel_loop3A_190 : i32
      %parallel_loop3A_192 = arith.index_cast %parallel_loop3A_191 : i32 to index
      %parallel_loop3A_193 = tpu.vector_load %arg5[%parallel_loop3A_192] {strides = array<i32>} : memref<2048xi32, #tpu.memory_space<vmem>>, vector<16xi32>,
      %parallel_loop3A_194 = arith.constant 0 : i32
      %parallel_loop3A_195 = vector.broadcast %parallel_loop3A_194 : i32 to vector<16xi32>
      %parallel_loop3A_196 = tpu.vector_load_idx %arg8[%parallel_loop3A_195, %parallel_loop3A_193] : memref<4x2048xf32, #tpu.memory_space<vmem>>[vector<16xi32>, vector<16xi32>], vector<16xf32>,
      %parallel_loop3A_197 = arith.constant 1 : i32
      %parallel_loop3A_198 = vector.broadcast %parallel_loop3A_197 : i32 to vector<16xi32>
      %parallel_loop3A_199 = tpu.vector_load_idx %arg8[%parallel_loop3A_198, %parallel_loop3A_193] : memref<4x2048xf32, #tpu.memory_space<vmem>>[vector<16xi32>, vector<16xi32>], vector<16xf32>,
      %parallel_loop3A_200 = arith.constant 2 : i32
      %parallel_loop3A_201 = vector.broadcast %parallel_loop3A_200 : i32 to vector<16xi32>
      %parallel_loop3A_202 = tpu.vector_load_idx %arg8[%parallel_loop3A_201, %parallel_loop3A_193] : memref<4x2048xf32, #tpu.memory_space<vmem>>[vector<16xi32>, vector<16xi32>], vector<16xf32>,
      %parallel_loop3A_203 = arith.constant 3 : i32
      %parallel_loop3A_204 = vector.broadcast %parallel_loop3A_203 : i32 to vector<16xi32>
      %parallel_loop3A_205 = tpu.vector_load_idx %arg8[%parallel_loop3A_204, %parallel_loop3A_193] : memref<4x2048xf32, #tpu.memory_space<vmem>>[vector<16xi32>, vector<16xi32>], vector<16xf32>,
      %parallel_loop3A_206 = arith.constant 16 : i32
      %parallel_loop3A_207 = arith.muli %parallel_loop3A_189, %parallel_loop3A_206 : i32
      %parallel_loop3A_208 = arith.constant 0 : i32
      %parallel_loop3A_209 = arith.index_cast %parallel_loop3A_208 : i32 to index
      %parallel_loop3A_210 = arith.index_cast %parallel_loop3A_207 : i32 to index
      %parallel_loop3A_211 = tpu.vector_load %arg12[%parallel_loop3A_209, %parallel_loop3A_210] {strides = array<i32>} : memref<4x2048xf32, #tpu.memory_space<vmem>>, vector<16xf32>,
      tpu.vector_store %arg12[%parallel_loop3A_209, %parallel_loop3A_210], %parallel_loop3A_196 {strides = array<i32>} : memref<4x2048xf32, #tpu.memory_space<vmem>>, vector<16xf32>,
      %parallel_loop3A_212 = arith.constant 16 : i32
      %parallel_loop3A_213 = arith.muli %parallel_loop3A_189, %parallel_loop3A_212 : i32
      %parallel_loop3A_214 = arith.constant 1 : i32
      %parallel_loop3A_215 = arith.index_cast %parallel_loop3A_214 : i32 to index
      %parallel_loop3A_216 = arith.index_cast %parallel_loop3A_213 : i32 to index
      %parallel_loop3A_217 = tpu.vector_load %arg12[%parallel_loop3A_215, %parallel_loop3A_216] {strides = array<i32>} : memref<4x2048xf32, #tpu.memory_space<vmem>>, vector<16xf32>,
      tpu.vector_store %arg12[%parallel_loop3A_215, %parallel_loop3A_216], %parallel_loop3A_199 {strides = array<i32>} : memref<4x2048xf32, #tpu.memory_space<vmem>>, vector<16xf32>,
      %parallel_loop3A_218 = arith.constant 16 : i32
      %parallel_loop3A_219 = arith.muli %parallel_loop3A_189, %parallel_loop3A_218 : i32
      %parallel_loop3A_220 = arith.constant 2 : i32
      %parallel_loop3A_221 = arith.index_cast %parallel_loop3A_220 : i32 to index
      %parallel_loop3A_222 = arith.index_cast %parallel_loop3A_219 : i32 to index
      %parallel_loop3A_223 = tpu.vector_load %arg12[%parallel_loop3A_221, %parallel_loop3A_222] {strides = array<i32>} : memref<4x2048xf32, #tpu.memory_space<vmem>>, vector<16xf32>,
      tpu.vector_store %arg12[%parallel_loop3A_221, %parallel_loop3A_222], %parallel_loop3A_202 {strides = array<i32>} : memref<4x2048xf32, #tpu.memory_space<vmem>>, vector<16xf32>,
      %parallel_loop3A_224 = arith.constant 16 : i32
      %parallel_loop3A_225 = arith.muli %parallel_loop3A_189, %parallel_loop3A_224 : i32
      %parallel_loop3A_226 = arith.constant 3 : i32
      %parallel_loop3A_227 = arith.index_cast %parallel_loop3A_226 : i32 to index
      %parallel_loop3A_228 = arith.index_cast %parallel_loop3A_225 : i32 to index
      %parallel_loop3A_229 = tpu.vector_load %arg12[%parallel_loop3A_227, %parallel_loop3A_228] {strides = array<i32>} : memref<4x2048xf32, #tpu.memory_space<vmem>>, vector<16xf32>,
      tpu.vector_store %arg12[%parallel_loop3A_227, %parallel_loop3A_228], %parallel_loop3A_205 {strides = array<i32>} : memref<4x2048xf32, #tpu.memory_space<vmem>>, vector<16xf32>,
    } {sc.loop_unroll_factor = 2 : i64, sc.parallel_access}
    %add3A_69 = arith.constant 8 : i32
    %add3A_70 = arith.addi %mul3A_2, %add3A_69 : i32
    %dma_start3A_71 = arith.constant 0 : i32
    %dma_start3A_72 = tpu.memref_slice %arg4[%add3A_70, %dma_start3A_71] : memref<8192x2048xf32, #tpu.memory_space<hbm>> -> memref<4x2048xf32, #tpu.memory_space<hbm>>
    %dma_start3A_73 = arith.constant 0 : i32
    %dma_start3A_74 = tpu.memref_slice %arg4[%add3A_70, %dma_start3A_73] : memref<8192x2048xf32, #tpu.memory_space<hbm>> -> memref<4x2048xf32, #tpu.memory_space<hbm>>
    tpu.enqueue_dma source(%arg12 : memref<4x2048xf32, #tpu.memory_space<vmem>>) target(%dma_start3A_74 : memref<4x2048xf32, #tpu.memory_space<hbm>>) target_semaphore(%arg20 : memref<!tpu.dma_semaphore, #tpu.memory_space<semaphore_mem>>)
    %add3A_75 = arith.constant 24 : i32
    %add3A_76 = arith.addi %mul3A_2, %add3A_75 : i32
    %dma_start3A_77 = arith.constant 0 : i32
    %dma_start3A_78 = tpu.memref_slice %arg2[%add3A_76, %dma_start3A_77] : memref<8192x2048xf32, #tpu.memory_space<hbm>> -> memref<4x2048xf32, #tpu.memory_space<hbm>>
    %dma_start3A_79 = arith.constant 0 : i32
    %dma_start3A_80 = tpu.memref_slice %arg2[%add3A_76, %dma_start3A_79] : memref<8192x2048xf32, #tpu.memory_space<hbm>> -> memref<4x2048xf32, #tpu.memory_space<hbm>>
    tpu.enqueue_dma source(%dma_start3A_80 : memref<4x2048xf32, #tpu.memory_space<hbm>>) target(%arg8 : memref<4x2048xf32, #tpu.memory_space<vmem>>) target_semaphore(%arg16 : memref<!tpu.dma_semaphore, #tpu.memory_space<semaphore_mem>>)
    %dma_wait3A_81 = arith.constant 0 : i32
    %dma_wait3A_82 = tpu.memref_slice %arg2[%mul3A_2, %dma_wait3A_81] : memref<8192x2048xf32, #tpu.memory_space<hbm>> -> memref<4x2048xf32, #tpu.memory_space<hbm>>
    %dma_wait3A_83 = arith.constant 0 : i32
    %dma_wait3A_84 = tpu.memref_slice %arg2[%mul3A_2, %dma_wait3A_83] : memref<8192x2048xf32, #tpu.memory_space<hbm>> -> memref<4x2048xf32, #tpu.memory_space<hbm>>
    tpu.wait_dma2 semaphore(%arg17 : memref<!tpu.dma_semaphore, #tpu.memory_space<semaphore_mem>>) src(%dma_wait3A_84 : memref<4x2048xf32, #tpu.memory_space<hbm>>) dst(%arg9 : memref<4x2048xf32, #tpu.memory_space<vmem>>)
    %parallel_loop3A_85 = arith.constant 0 : i32
    %parallel_loop3A_86 = arith.constant 128 : i32
    %parallel_loop3A_87 = arith.constant 1 : i32
    scf.for %parallel_loop3A_189 = %parallel_loop3A_85 to %parallel_loop3A_86 step %parallel_loop3A_87  : i32 {
      %parallel_loop3A_190 = arith.constant 16 : i32
      %parallel_loop3A_191 = arith.muli %parallel_loop3A_189, %parallel_loop3A_190 : i32
      %parallel_loop3A_192 = arith.index_cast %parallel_loop3A_191 : i32 to index
      %parallel_loop3A_193 = tpu.vector_load %arg5[%parallel_loop3A_192] {strides = array<i32>} : memref<2048xi32, #tpu.memory_space<vmem>>, vector<16xi32>,
      %parallel_loop3A_194 = arith.constant 0 : i32
      %parallel_loop3A_195 = vector.broadcast %parallel_loop3A_194 : i32 to vector<16xi32>
      %parallel_loop3A_196 = tpu.vector_load_idx %arg9[%parallel_loop3A_195, %parallel_loop3A_193] : memref<4x2048xf32, #tpu.memory_space<vmem>>[vector<16xi32>, vector<16xi32>], vector<16xf32>,
      %parallel_loop3A_197 = arith.constant 1 : i32
      %parallel_loop3A_198 = vector.broadcast %parallel_loop3A_197 : i32 to vector<16xi32>
      %parallel_loop3A_199 = tpu.vector_load_idx %arg9[%parallel_loop3A_198, %parallel_loop3A_193] : memref<4x2048xf32, #tpu.memory_space<vmem>>[vector<16xi32>, vector<16xi32>], vector<16xf32>,
      %parallel_loop3A_200 = arith.constant 2 : i32
      %parallel_loop3A_201 = vector.broadcast %parallel_loop3A_200 : i32 to vector<16xi32>
      %parallel_loop3A_202 = tpu.vector_load_idx %arg9[%parallel_loop3A_201, %parallel_loop3A_193] : memref<4x2048xf32, #tpu.memory_space<vmem>>[vector<16xi32>, vector<16xi32>], vector<16xf32>,
      %parallel_loop3A_203 = arith.constant 3 : i32
      %parallel_loop3A_204 = vector.broadcast %parallel_loop3A_203 : i32 to vector<16xi32>
      %parallel_loop3A_205 = tpu.vector_load_idx %arg9[%parallel_loop3A_204, %parallel_loop3A_193] : memref<4x2048xf32, #tpu.memory_space<vmem>>[vector<16xi32>, vector<16xi32>], vector<16xf32>,
      %parallel_loop3A_206 = arith.constant 16 : i32
      %parallel_loop3A_207 = arith.muli %parallel_loop3A_189, %parallel_loop3A_206 : i32
      %parallel_loop3A_208 = arith.constant 0 : i32
      %parallel_loop3A_209 = arith.index_cast %parallel_loop3A_208 : i32 to index
      %parallel_loop3A_210 = arith.index_cast %parallel_loop3A_207 : i32 to index
      %parallel_loop3A_211 = tpu.vector_load %arg13[%parallel_loop3A_209, %parallel_loop3A_210] {strides = array<i32>} : memref<4x2048xf32, #tpu.memory_space<vmem>>, vector<16xf32>,
      tpu.vector_store %arg13[%parallel_loop3A_209, %parallel_loop3A_210], %parallel_loop3A_196 {strides = array<i32>} : memref<4x2048xf32, #tpu.memory_space<vmem>>, vector<16xf32>,
      %parallel_loop3A_212 = arith.constant 16 : i32
      %parallel_loop3A_213 = arith.muli %parallel_loop3A_189, %parallel_loop3A_212 : i32
      %parallel_loop3A_214 = arith.constant 1 : i32
      %parallel_loop3A_215 = arith.index_cast %parallel_loop3A_214 : i32 to index
      %parallel_loop3A_216 = arith.index_cast %parallel_loop3A_213 : i32 to index
      %parallel_loop3A_217 = tpu.vector_load %arg13[%parallel_loop3A_215, %parallel_loop3A_216] {strides = array<i32>} : memref<4x2048xf32, #tpu.memory_space<vmem>>, vector<16xf32>,
      tpu.vector_store %arg13[%parallel_loop3A_215, %parallel_loop3A_216], %parallel_loop3A_199 {strides = array<i32>} : memref<4x2048xf32, #tpu.memory_space<vmem>>, vector<16xf32>,
      %parallel_loop3A_218 = arith.constant 16 : i32
      %parallel_loop3A_219 = arith.muli %parallel_loop3A_189, %parallel_loop3A_218 : i32
      %parallel_loop3A_220 = arith.constant 2 : i32
      %parallel_loop3A_221 = arith.index_cast %parallel_loop3A_220 : i32 to index
      %parallel_loop3A_222 = arith.index_cast %parallel_loop3A_219 : i32 to index
      %parallel_loop3A_223 = tpu.vector_load %arg13[%parallel_loop3A_221, %parallel_loop3A_222] {strides = array<i32>} : memref<4x2048xf32, #tpu.memory_space<vmem>>, vector<16xf32>,
      tpu.vector_store %arg13[%parallel_loop3A_221, %parallel_loop3A_222], %parallel_loop3A_202 {strides = array<i32>} : memref<4x2048xf32, #tpu.memory_space<vmem>>, vector<16xf32>,
      %parallel_loop3A_224 = arith.constant 16 : i32
      %parallel_loop3A_225 = arith.muli %parallel_loop3A_189, %parallel_loop3A_224 : i32
      %parallel_loop3A_226 = arith.constant 3 : i32
      %parallel_loop3A_227 = arith.index_cast %parallel_loop3A_226 : i32 to index
      %parallel_loop3A_228 = arith.index_cast %parallel_loop3A_225 : i32 to index
      %parallel_loop3A_229 = tpu.vector_load %arg13[%parallel_loop3A_227, %parallel_loop3A_228] {strides = array<i32>} : memref<4x2048xf32, #tpu.memory_space<vmem>>, vector<16xf32>,
      tpu.vector_store %arg13[%parallel_loop3A_227, %parallel_loop3A_228], %parallel_loop3A_205 {strides = array<i32>} : memref<4x2048xf32, #tpu.memory_space<vmem>>, vector<16xf32>,
    } {sc.loop_unroll_factor = 2 : i64, sc.parallel_access}
    %add3A_88 = arith.constant 12 : i32
    %add3A_89 = arith.addi %mul3A_2, %add3A_88 : i32
    %dma_start3A_90 = arith.constant 0 : i32
    %dma_start3A_91 = tpu.memref_slice %arg4[%add3A_89, %dma_start3A_90] : memref<8192x2048xf32, #tpu.memory_space<hbm>> -> memref<4x2048xf32, #tpu.memory_space<hbm>>
    %dma_start3A_92 = arith.constant 0 : i32
    %dma_start3A_93 = tpu.memref_slice %arg4[%add3A_89, %dma_start3A_92] : memref<8192x2048xf32, #tpu.memory_space<hbm>> -> memref<4x2048xf32, #tpu.memory_space<hbm>>
    tpu.enqueue_dma source(%arg13 : memref<4x2048xf32, #tpu.memory_space<vmem>>) target(%dma_start3A_93 : memref<4x2048xf32, #tpu.memory_space<hbm>>) target_semaphore(%arg21 : memref<!tpu.dma_semaphore, #tpu.memory_space<semaphore_mem>>)
    %add3A_94 = arith.constant 28 : i32
    %add3A_95 = arith.addi %mul3A_2, %add3A_94 : i32
    %dma_start3A_96 = arith.constant 0 : i32
    %dma_start3A_97 = tpu.memref_slice %arg2[%add3A_95, %dma_start3A_96] : memref<8192x2048xf32, #tpu.memory_space<hbm>> -> memref<4x2048xf32, #tpu.memory_space<hbm>>
    %dma_start3A_98 = arith.constant 0 : i32
    %dma_start3A_99 = tpu.memref_slice %arg2[%add3A_95, %dma_start3A_98] : memref<8192x2048xf32, #tpu.memory_space<hbm>> -> memref<4x2048xf32, #tpu.memory_space<hbm>>
    tpu.enqueue_dma source(%dma_start3A_99 : memref<4x2048xf32, #tpu.memory_space<hbm>>) target(%arg9 : memref<4x2048xf32, #tpu.memory_space<vmem>>) target_semaphore(%arg17 : memref<!tpu.dma_semaphore, #tpu.memory_space<semaphore_mem>>)
    %scan3A = arith.constant 0 : i32
    %scan3A_100 = arith.constant 1 : i32
    %scan3A_101 = arith.constant 14 : i32
    %scan3A_102 = arith.addi %scan3A_100, %scan3A_101 : i32
    %scan3A_103 = arith.constant 1 : i32
    scf.for %scan3A_189 = %scan3A_100 to %scan3A_102 step %scan3A_103  : i32 {
      %mul3A_190 = arith.constant 4 : i32
      %mul3A_191 = arith.muli %scan3A_189, %mul3A_190 : i32
      %add3A_192 = arith.constant 0 : i32
      %add3A_193 = arith.addi %mul3A_191, %add3A_192 : i32
      %dma_wait3A_194 = arith.constant 0 : i32
      %dma_wait3A_195 = tpu.memref_slice %arg2[%mul3A_2, %dma_wait3A_194] : memref<8192x2048xf32, #tpu.memory_space<hbm>> -> memref<4x2048xf32, #tpu.memory_space<hbm>>
      %dma_wait3A_196 = arith.constant 0 : i32
      %dma_wait3A_197 = tpu.memref_slice %arg2[%mul3A_2, %dma_wait3A_196] : memref<8192x2048xf32, #tpu.memory_space<hbm>> -> memref<4x2048xf32, #tpu.memory_space<hbm>>
      tpu.wait_dma2 semaphore(%arg14 : memref<!tpu.dma_semaphore, #tpu.memory_space<semaphore_mem>>) src(%dma_wait3A_197 : memref<4x2048xf32, #tpu.memory_space<hbm>>) dst(%arg6 : memref<4x2048xf32, #tpu.memory_space<vmem>>)
      %dma_wait3A_198 = arith.constant 0 : i32
      %dma_wait3A_199 = tpu.memref_slice %arg4[%mul3A_2, %dma_wait3A_198] : memref<8192x2048xf32, #tpu.memory_space<hbm>> -> memref<4x2048xf32, #tpu.memory_space<hbm>>
      %dma_wait3A_200 = arith.constant 0 : i32
      %dma_wait3A_201 = tpu.memref_slice %arg4[%mul3A_2, %dma_wait3A_200] : memref<8192x2048xf32, #tpu.memory_space<hbm>> -> memref<4x2048xf32, #tpu.memory_space<hbm>>
      tpu.wait_dma2 semaphore(%arg18 : memref<!tpu.dma_semaphore, #tpu.memory_space<semaphore_mem>>) src(%arg10 : memref<4x2048xf32, #tpu.memory_space<vmem>>) dst(%dma_wait3A_201 : memref<4x2048xf32, #tpu.memory_space<hbm>>)
      %parallel_loop3A_202 = arith.constant 0 : i32
      %parallel_loop3A_203 = arith.constant 128 : i32
      %parallel_loop3A_204 = arith.constant 1 : i32
      scf.for %parallel_loop3A_314 = %parallel_loop3A_202 to %parallel_loop3A_203 step %parallel_loop3A_204  : i32 {
        %parallel_loop3A_315 = arith.constant 16 : i32
        %parallel_loop3A_316 = arith.muli %parallel_loop3A_314, %parallel_loop3A_315 : i32
        %parallel_loop3A_317 = arith.index_cast %parallel_loop3A_316 : i32 to index
        %parallel_loop3A_318 = tpu.vector_load %arg5[%parallel_loop3A_317] {strides = array<i32>} : memref<2048xi32, #tpu.memory_space<vmem>>, vector<16xi32>,
        %parallel_loop3A_319 = arith.constant 0 : i32
        %parallel_loop3A_320 = vector.broadcast %parallel_loop3A_319 : i32 to vector<16xi32>
        %parallel_loop3A_321 = tpu.vector_load_idx %arg6[%parallel_loop3A_320, %parallel_loop3A_318] : memref<4x2048xf32, #tpu.memory_space<vmem>>[vector<16xi32>, vector<16xi32>], vector<16xf32>,
        %parallel_loop3A_322 = arith.constant 1 : i32
        %parallel_loop3A_323 = vector.broadcast %parallel_loop3A_322 : i32 to vector<16xi32>
        %parallel_loop3A_324 = tpu.vector_load_idx %arg6[%parallel_loop3A_323, %parallel_loop3A_318] : memref<4x2048xf32, #tpu.memory_space<vmem>>[vector<16xi32>, vector<16xi32>], vector<16xf32>,
        %parallel_loop3A_325 = arith.constant 2 : i32
        %parallel_loop3A_326 = vector.broadcast %parallel_loop3A_325 : i32 to vector<16xi32>
        %parallel_loop3A_327 = tpu.vector_load_idx %arg6[%parallel_loop3A_326, %parallel_loop3A_318] : memref<4x2048xf32, #tpu.memory_space<vmem>>[vector<16xi32>, vector<16xi32>], vector<16xf32>,
        %parallel_loop3A_328 = arith.constant 3 : i32
        %parallel_loop3A_329 = vector.broadcast %parallel_loop3A_328 : i32 to vector<16xi32>
        %parallel_loop3A_330 = tpu.vector_load_idx %arg6[%parallel_loop3A_329, %parallel_loop3A_318] : memref<4x2048xf32, #tpu.memory_space<vmem>>[vector<16xi32>, vector<16xi32>], vector<16xf32>,
        %parallel_loop3A_331 = arith.constant 16 : i32
        %parallel_loop3A_332 = arith.muli %parallel_loop3A_314, %parallel_loop3A_331 : i32
        %parallel_loop3A_333 = arith.constant 0 : i32
        %parallel_loop3A_334 = arith.index_cast %parallel_loop3A_333 : i32 to index
        %parallel_loop3A_335 = arith.index_cast %parallel_loop3A_332 : i32 to index
        %parallel_loop3A_336 = tpu.vector_load %arg10[%parallel_loop3A_334, %parallel_loop3A_335] {strides = array<i32>} : memref<4x2048xf32, #tpu.memory_space<vmem>>, vector<16xf32>,
        tpu.vector_store %arg10[%parallel_loop3A_334, %parallel_loop3A_335], %parallel_loop3A_321 {strides = array<i32>} : memref<4x2048xf32, #tpu.memory_space<vmem>>, vector<16xf32>,
        %parallel_loop3A_337 = arith.constant 16 : i32
        %parallel_loop3A_338 = arith.muli %parallel_loop3A_314, %parallel_loop3A_337 : i32
        %parallel_loop3A_339 = arith.constant 1 : i32
        %parallel_loop3A_340 = arith.index_cast %parallel_loop3A_339 : i32 to index
        %parallel_loop3A_341 = arith.index_cast %parallel_loop3A_338 : i32 to index
        %parallel_loop3A_342 = tpu.vector_load %arg10[%parallel_loop3A_340, %parallel_loop3A_341] {strides = array<i32>} : memref<4x2048xf32, #tpu.memory_space<vmem>>, vector<16xf32>,
        tpu.vector_store %arg10[%parallel_loop3A_340, %parallel_loop3A_341], %parallel_loop3A_324 {strides = array<i32>} : memref<4x2048xf32, #tpu.memory_space<vmem>>, vector<16xf32>,
        %parallel_loop3A_343 = arith.constant 16 : i32
        %parallel_loop3A_344 = arith.muli %parallel_loop3A_314, %parallel_loop3A_343 : i32
        %parallel_loop3A_345 = arith.constant 2 : i32
        %parallel_loop3A_346 = arith.index_cast %parallel_loop3A_345 : i32 to index
        %parallel_loop3A_347 = arith.index_cast %parallel_loop3A_344 : i32 to index
        %parallel_loop3A_348 = tpu.vector_load %arg10[%parallel_loop3A_346, %parallel_loop3A_347] {strides = array<i32>} : memref<4x2048xf32, #tpu.memory_space<vmem>>, vector<16xf32>,
        tpu.vector_store %arg10[%parallel_loop3A_346, %parallel_loop3A_347], %parallel_loop3A_327 {strides = array<i32>} : memref<4x2048xf32, #tpu.memory_space<vmem>>, vector<16xf32>,
        %parallel_loop3A_349 = arith.constant 16 : i32
        %parallel_loop3A_350 = arith.muli %parallel_loop3A_314, %parallel_loop3A_349 : i32
        %parallel_loop3A_351 = arith.constant 3 : i32
        %parallel_loop3A_352 = arith.index_cast %parallel_loop3A_351 : i32 to index
        %parallel_loop3A_353 = arith.index_cast %parallel_loop3A_350 : i32 to index
        %parallel_loop3A_354 = tpu.vector_load %arg10[%parallel_loop3A_352, %parallel_loop3A_353] {strides = array<i32>} : memref<4x2048xf32, #tpu.memory_space<vmem>>, vector<16xf32>,
        tpu.vector_store %arg10[%parallel_loop3A_352, %parallel_loop3A_353], %parallel_loop3A_330 {strides = array<i32>} : memref<4x2048xf32, #tpu.memory_space<vmem>>, vector<16xf32>,
      } {sc.loop_unroll_factor = 2 : i64, sc.parallel_access}
      %mul3A_205 = arith.constant 4 : i32
      %mul3A_206 = arith.muli %add3A_193, %mul3A_205 : i32
      %add3A_207 = arith.addi %mul3A_2, %mul3A_206 : i32
      %dma_start3A_208 = arith.constant 0 : i32
      %dma_start3A_209 = tpu.memref_slice %arg4[%add3A_207, %dma_start3A_208] : memref<8192x2048xf32, #tpu.memory_space<hbm>> -> memref<4x2048xf32, #tpu.memory_space<hbm>>
      %dma_start3A_210 = arith.constant 0 : i32
      %dma_start3A_211 = tpu.memref_slice %arg4[%add3A_207, %dma_start3A_210] : memref<8192x2048xf32, #tpu.memory_space<hbm>> -> memref<4x2048xf32, #tpu.memory_space<hbm>>
      tpu.enqueue_dma source(%arg10 : memref<4x2048xf32, #tpu.memory_space<vmem>>) target(%dma_start3A_211 : memref<4x2048xf32, #tpu.memory_space<hbm>>) target_semaphore(%arg18 : memref<!tpu.dma_semaphore, #tpu.memory_space<semaphore_mem>>)
      %add3A_212 = arith.constant 4 : i32
      %add3A_213 = arith.addi %add3A_193, %add3A_212 : i32
      %mul3A_214 = arith.constant 4 : i32
      %mul3A_215 = arith.muli %add3A_213, %mul3A_214 : i32
      %add3A_216 = arith.addi %mul3A_2, %mul3A_215 : i32
      %dma_start3A_217 = arith.constant 0 : i32
      %dma_start3A_218 = tpu.memref_slice %arg2[%add3A_216, %dma_start3A_217] : memref<8192x2048xf32, #tpu.memory_space<hbm>> -> memref<4x2048xf32, #tpu.memory_space<hbm>>
      %dma_start3A_219 = arith.constant 0 : i32
      %dma_start3A_220 = tpu.memref_slice %arg2[%add3A_216, %dma_start3A_219] : memref<8192x2048xf32, #tpu.memory_space<hbm>> -> memref<4x2048xf32, #tpu.memory_space<hbm>>
      tpu.enqueue_dma source(%dma_start3A_220 : memref<4x2048xf32, #tpu.memory_space<hbm>>) target(%arg6 : memref<4x2048xf32, #tpu.memory_space<vmem>>) target_semaphore(%arg14 : memref<!tpu.dma_semaphore, #tpu.memory_space<semaphore_mem>>)
      %mul3A_221 = arith.constant 4 : i32
      %mul3A_222 = arith.muli %scan3A_189, %mul3A_221 : i32
      %add3A_223 = arith.constant 1 : i32
      %add3A_224 = arith.addi %mul3A_222, %add3A_223 : i32
      %dma_wait3A_225 = arith.constant 0 : i32
      %dma_wait3A_226 = tpu.memref_slice %arg2[%mul3A_2, %dma_wait3A_225] : memref<8192x2048xf32, #tpu.memory_space<hbm>> -> memref<4x2048xf32, #tpu.memory_space<hbm>>
      %dma_wait3A_227 = arith.constant 0 : i32
      %dma_wait3A_228 = tpu.memref_slice %arg2[%mul3A_2, %dma_wait3A_227] : memref<8192x2048xf32, #tpu.memory_space<hbm>> -> memref<4x2048xf32, #tpu.memory_space<hbm>>
      tpu.wait_dma2 semaphore(%arg15 : memref<!tpu.dma_semaphore, #tpu.memory_space<semaphore_mem>>) src(%dma_wait3A_228 : memref<4x2048xf32, #tpu.memory_space<hbm>>) dst(%arg7 : memref<4x2048xf32, #tpu.memory_space<vmem>>)
      %dma_wait3A_229 = arith.constant 0 : i32
      %dma_wait3A_230 = tpu.memref_slice %arg4[%mul3A_2, %dma_wait3A_229] : memref<8192x2048xf32, #tpu.memory_space<hbm>> -> memref<4x2048xf32, #tpu.memory_space<hbm>>
      %dma_wait3A_231 = arith.constant 0 : i32
      %dma_wait3A_232 = tpu.memref_slice %arg4[%mul3A_2, %dma_wait3A_231] : memref<8192x2048xf32, #tpu.memory_space<hbm>> -> memref<4x2048xf32, #tpu.memory_space<hbm>>
      tpu.wait_dma2 semaphore(%arg19 : memref<!tpu.dma_semaphore, #tpu.memory_space<semaphore_mem>>) src(%arg11 : memref<4x2048xf32, #tpu.memory_space<vmem>>) dst(%dma_wait3A_232 : memref<4x2048xf32, #tpu.memory_space<hbm>>)
      %parallel_loop3A_233 = arith.constant 0 : i32
      %parallel_loop3A_234 = arith.constant 128 : i32
      %parallel_loop3A_235 = arith.constant 1 : i32
      scf.for %parallel_loop3A_314 = %parallel_loop3A_233 to %parallel_loop3A_234 step %parallel_loop3A_235  : i32 {
        %parallel_loop3A_315 = arith.constant 16 : i32
        %parallel_loop3A_316 = arith.muli %parallel_loop3A_314, %parallel_loop3A_315 : i32
        %parallel_loop3A_317 = arith.index_cast %parallel_loop3A_316 : i32 to index
        %parallel_loop3A_318 = tpu.vector_load %arg5[%parallel_loop3A_317] {strides = array<i32>} : memref<2048xi32, #tpu.memory_space<vmem>>, vector<16xi32>,
        %parallel_loop3A_319 = arith.constant 0 : i32
        %parallel_loop3A_320 = vector.broadcast %parallel_loop3A_319 : i32 to vector<16xi32>
        %parallel_loop3A_321 = tpu.vector_load_idx %arg7[%parallel_loop3A_320, %parallel_loop3A_318] : memref<4x2048xf32, #tpu.memory_space<vmem>>[vector<16xi32>, vector<16xi32>], vector<16xf32>,
        %parallel_loop3A_322 = arith.constant 1 : i32
        %parallel_loop3A_323 = vector.broadcast %parallel_loop3A_322 : i32 to vector<16xi32>
        %parallel_loop3A_324 = tpu.vector_load_idx %arg7[%parallel_loop3A_323, %parallel_loop3A_318] : memref<4x2048xf32, #tpu.memory_space<vmem>>[vector<16xi32>, vector<16xi32>], vector<16xf32>,
        %parallel_loop3A_325 = arith.constant 2 : i32
        %parallel_loop3A_326 = vector.broadcast %parallel_loop3A_325 : i32 to vector<16xi32>
        %parallel_loop3A_327 = tpu.vector_load_idx %arg7[%parallel_loop3A_326, %parallel_loop3A_318] : memref<4x2048xf32, #tpu.memory_space<vmem>>[vector<16xi32>, vector<16xi32>], vector<16xf32>,
        %parallel_loop3A_328 = arith.constant 3 : i32
        %parallel_loop3A_329 = vector.broadcast %parallel_loop3A_328 : i32 to vector<16xi32>
        %parallel_loop3A_330 = tpu.vector_load_idx %arg7[%parallel_loop3A_329, %parallel_loop3A_318] : memref<4x2048xf32, #tpu.memory_space<vmem>>[vector<16xi32>, vector<16xi32>], vector<16xf32>,
        %parallel_loop3A_331 = arith.constant 16 : i32
        %parallel_loop3A_332 = arith.muli %parallel_loop3A_314, %parallel_loop3A_331 : i32
        %parallel_loop3A_333 = arith.constant 0 : i32
        %parallel_loop3A_334 = arith.index_cast %parallel_loop3A_333 : i32 to index
        %parallel_loop3A_335 = arith.index_cast %parallel_loop3A_332 : i32 to index
        %parallel_loop3A_336 = tpu.vector_load %arg11[%parallel_loop3A_334, %parallel_loop3A_335] {strides = array<i32>} : memref<4x2048xf32, #tpu.memory_space<vmem>>, vector<16xf32>,
        tpu.vector_store %arg11[%parallel_loop3A_334, %parallel_loop3A_335], %parallel_loop3A_321 {strides = array<i32>} : memref<4x2048xf32, #tpu.memory_space<vmem>>, vector<16xf32>,
        %parallel_loop3A_337 = arith.constant 16 : i32
        %parallel_loop3A_338 = arith.muli %parallel_loop3A_314, %parallel_loop3A_337 : i32
        %parallel_loop3A_339 = arith.constant 1 : i32
        %parallel_loop3A_340 = arith.index_cast %parallel_loop3A_339 : i32 to index
        %parallel_loop3A_341 = arith.index_cast %parallel_loop3A_338 : i32 to index
        %parallel_loop3A_342 = tpu.vector_load %arg11[%parallel_loop3A_340, %parallel_loop3A_341] {strides = array<i32>} : memref<4x2048xf32, #tpu.memory_space<vmem>>, vector<16xf32>,
        tpu.vector_store %arg11[%parallel_loop3A_340, %parallel_loop3A_341], %parallel_loop3A_324 {strides = array<i32>} : memref<4x2048xf32, #tpu.memory_space<vmem>>, vector<16xf32>,
        %parallel_loop3A_343 = arith.constant 16 : i32
        %parallel_loop3A_344 = arith.muli %parallel_loop3A_314, %parallel_loop3A_343 : i32
        %parallel_loop3A_345 = arith.constant 2 : i32
        %parallel_loop3A_346 = arith.index_cast %parallel_loop3A_345 : i32 to index
        %parallel_loop3A_347 = arith.index_cast %parallel_loop3A_344 : i32 to index
        %parallel_loop3A_348 = tpu.vector_load %arg11[%parallel_loop3A_346, %parallel_loop3A_347] {strides = array<i32>} : memref<4x2048xf32, #tpu.memory_space<vmem>>, vector<16xf32>,
        tpu.vector_store %arg11[%parallel_loop3A_346, %parallel_loop3A_347], %parallel_loop3A_327 {strides = array<i32>} : memref<4x2048xf32, #tpu.memory_space<vmem>>, vector<16xf32>,
        %parallel_loop3A_349 = arith.constant 16 : i32
        %parallel_loop3A_350 = arith.muli %parallel_loop3A_314, %parallel_loop3A_349 : i32
        %parallel_loop3A_351 = arith.constant 3 : i32
        %parallel_loop3A_352 = arith.index_cast %parallel_loop3A_351 : i32 to index
        %parallel_loop3A_353 = arith.index_cast %parallel_loop3A_350 : i32 to index
        %parallel_loop3A_354 = tpu.vector_load %arg11[%parallel_loop3A_352, %parallel_loop3A_353] {strides = array<i32>} : memref<4x2048xf32, #tpu.memory_space<vmem>>, vector<16xf32>,
        tpu.vector_store %arg11[%parallel_loop3A_352, %parallel_loop3A_353], %parallel_loop3A_330 {strides = array<i32>} : memref<4x2048xf32, #tpu.memory_space<vmem>>, vector<16xf32>,
      } {sc.loop_unroll_factor = 2 : i64, sc.parallel_access}
      %mul3A_236 = arith.constant 4 : i32
      %mul3A_237 = arith.muli %add3A_224, %mul3A_236 : i32
      %add3A_238 = arith.addi %mul3A_2, %mul3A_237 : i32
      %dma_start3A_239 = arith.constant 0 : i32
      %dma_start3A_240 = tpu.memref_slice %arg4[%add3A_238, %dma_start3A_239] : memref<8192x2048xf32, #tpu.memory_space<hbm>> -> memref<4x2048xf32, #tpu.memory_space<hbm>>
      %dma_start3A_241 = arith.constant 0 : i32
      %dma_start3A_242 = tpu.memref_slice %arg4[%add3A_238, %dma_start3A_241] : memref<8192x2048xf32, #tpu.memory_space<hbm>> -> memref<4x2048xf32, #tpu.memory_space<hbm>>
      tpu.enqueue_dma source(%arg11 : memref<4x2048xf32, #tpu.memory_space<vmem>>) target(%dma_start3A_242 : memref<4x2048xf32, #tpu.memory_space<hbm>>) target_semaphore(%arg19 : memref<!tpu.dma_semaphore, #tpu.memory_space<semaphore_mem>>)
      %add3A_243 = arith.constant 4 : i32
      %add3A_244 = arith.addi %add3A_224, %add3A_243 : i32
      %mul3A_245 = arith.constant 4 : i32
      %mul3A_246 = arith.muli %add3A_244, %mul3A_245 : i32
      %add3A_247 = arith.addi %mul3A_2, %mul3A_246 : i32
      %dma_start3A_248 = arith.constant 0 : i32
      %dma_start3A_249 = tpu.memref_slice %arg2[%add3A_247, %dma_start3A_248] : memref<8192x2048xf32, #tpu.memory_space<hbm>> -> memref<4x2048xf32, #tpu.memory_space<hbm>>
      %dma_start3A_250 = arith.constant 0 : i32
      %dma_start3A_251 = tpu.memref_slice %arg2[%add3A_247, %dma_start3A_250] : memref<8192x2048xf32, #tpu.memory_space<hbm>> -> memref<4x2048xf32, #tpu.memory_space<hbm>>
      tpu.enqueue_dma source(%dma_start3A_251 : memref<4x2048xf32, #tpu.memory_space<hbm>>) target(%arg7 : memref<4x2048xf32, #tpu.memory_space<vmem>>) target_semaphore(%arg15 : memref<!tpu.dma_semaphore, #tpu.memory_space<semaphore_mem>>)
      %mul3A_252 = arith.constant 4 : i32
      %mul3A_253 = arith.muli %scan3A_189, %mul3A_252 : i32
      %add3A_254 = arith.constant 2 : i32
      %add3A_255 = arith.addi %mul3A_253, %add3A_254 : i32
      %dma_wait3A_256 = arith.constant 0 : i32
      %dma_wait3A_257 = tpu.memref_slice %arg2[%mul3A_2, %dma_wait3A_256] : memref<8192x2048xf32, #tpu.memory_space<hbm>> -> memref<4x2048xf32, #tpu.memory_space<hbm>>
      %dma_wait3A_258 = arith.constant 0 : i32
      %dma_wait3A_259 = tpu.memref_slice %arg2[%mul3A_2, %dma_wait3A_258] : memref<8192x2048xf32, #tpu.memory_space<hbm>> -> memref<4x2048xf32, #tpu.memory_space<hbm>>
      tpu.wait_dma2 semaphore(%arg16 : memref<!tpu.dma_semaphore, #tpu.memory_space<semaphore_mem>>) src(%dma_wait3A_259 : memref<4x2048xf32, #tpu.memory_space<hbm>>) dst(%arg8 : memref<4x2048xf32, #tpu.memory_space<vmem>>)
      %dma_wait3A_260 = arith.constant 0 : i32
      %dma_wait3A_261 = tpu.memref_slice %arg4[%mul3A_2, %dma_wait3A_260] : memref<8192x2048xf32, #tpu.memory_space<hbm>> -> memref<4x2048xf32, #tpu.memory_space<hbm>>
      %dma_wait3A_262 = arith.constant 0 : i32
      %dma_wait3A_263 = tpu.memref_slice %arg4[%mul3A_2, %dma_wait3A_262] : memref<8192x2048xf32, #tpu.memory_space<hbm>> -> memref<4x2048xf32, #tpu.memory_space<hbm>>
      tpu.wait_dma2 semaphore(%arg20 : memref<!tpu.dma_semaphore, #tpu.memory_space<semaphore_mem>>) src(%arg12 : memref<4x2048xf32, #tpu.memory_space<vmem>>) dst(%dma_wait3A_263 : memref<4x2048xf32, #tpu.memory_space<hbm>>)
      %parallel_loop3A_264 = arith.constant 0 : i32
      %parallel_loop3A_265 = arith.constant 128 : i32
      %parallel_loop3A_266 = arith.constant 1 : i32
      scf.for %parallel_loop3A_314 = %parallel_loop3A_264 to %parallel_loop3A_265 step %parallel_loop3A_266  : i32 {
        %parallel_loop3A_315 = arith.constant 16 : i32
        %parallel_loop3A_316 = arith.muli %parallel_loop3A_314, %parallel_loop3A_315 : i32
        %parallel_loop3A_317 = arith.index_cast %parallel_loop3A_316 : i32 to index
        %parallel_loop3A_318 = tpu.vector_load %arg5[%parallel_loop3A_317] {strides = array<i32>} : memref<2048xi32, #tpu.memory_space<vmem>>, vector<16xi32>,
        %parallel_loop3A_319 = arith.constant 0 : i32
        %parallel_loop3A_320 = vector.broadcast %parallel_loop3A_319 : i32 to vector<16xi32>
        %parallel_loop3A_321 = tpu.vector_load_idx %arg8[%parallel_loop3A_320, %parallel_loop3A_318] : memref<4x2048xf32, #tpu.memory_space<vmem>>[vector<16xi32>, vector<16xi32>], vector<16xf32>,
        %parallel_loop3A_322 = arith.constant 1 : i32
        %parallel_loop3A_323 = vector.broadcast %parallel_loop3A_322 : i32 to vector<16xi32>
        %parallel_loop3A_324 = tpu.vector_load_idx %arg8[%parallel_loop3A_323, %parallel_loop3A_318] : memref<4x2048xf32, #tpu.memory_space<vmem>>[vector<16xi32>, vector<16xi32>], vector<16xf32>,
        %parallel_loop3A_325 = arith.constant 2 : i32
        %parallel_loop3A_326 = vector.broadcast %parallel_loop3A_325 : i32 to vector<16xi32>
        %parallel_loop3A_327 = tpu.vector_load_idx %arg8[%parallel_loop3A_326, %parallel_loop3A_318] : memref<4x2048xf32, #tpu.memory_space<vmem>>[vector<16xi32>, vector<16xi32>], vector<16xf32>,
        %parallel_loop3A_328 = arith.constant 3 : i32
        %parallel_loop3A_329 = vector.broadcast %parallel_loop3A_328 : i32 to vector<16xi32>
        %parallel_loop3A_330 = tpu.vector_load_idx %arg8[%parallel_loop3A_329, %parallel_loop3A_318] : memref<4x2048xf32, #tpu.memory_space<vmem>>[vector<16xi32>, vector<16xi32>], vector<16xf32>,
        %parallel_loop3A_331 = arith.constant 16 : i32
        %parallel_loop3A_332 = arith.muli %parallel_loop3A_314, %parallel_loop3A_331 : i32
        %parallel_loop3A_333 = arith.constant 0 : i32
        %parallel_loop3A_334 = arith.index_cast %parallel_loop3A_333 : i32 to index
        %parallel_loop3A_335 = arith.index_cast %parallel_loop3A_332 : i32 to index
        %parallel_loop3A_336 = tpu.vector_load %arg12[%parallel_loop3A_334, %parallel_loop3A_335] {strides = array<i32>} : memref<4x2048xf32, #tpu.memory_space<vmem>>, vector<16xf32>,
        tpu.vector_store %arg12[%parallel_loop3A_334, %parallel_loop3A_335], %parallel_loop3A_321 {strides = array<i32>} : memref<4x2048xf32, #tpu.memory_space<vmem>>, vector<16xf32>,
        %parallel_loop3A_337 = arith.constant 16 : i32
        %parallel_loop3A_338 = arith.muli %parallel_loop3A_314, %parallel_loop3A_337 : i32
        %parallel_loop3A_339 = arith.constant 1 : i32
        %parallel_loop3A_340 = arith.index_cast %parallel_loop3A_339 : i32 to index
        %parallel_loop3A_341 = arith.index_cast %parallel_loop3A_338 : i32 to index
        %parallel_loop3A_342 = tpu.vector_load %arg12[%parallel_loop3A_340, %parallel_loop3A_341] {strides = array<i32>} : memref<4x2048xf32, #tpu.memory_space<vmem>>, vector<16xf32>,
        tpu.vector_store %arg12[%parallel_loop3A_340, %parallel_loop3A_341], %parallel_loop3A_324 {strides = array<i32>} : memref<4x2048xf32, #tpu.memory_space<vmem>>, vector<16xf32>,
        %parallel_loop3A_343 = arith.constant 16 : i32
        %parallel_loop3A_344 = arith.muli %parallel_loop3A_314, %parallel_loop3A_343 : i32
        %parallel_loop3A_345 = arith.constant 2 : i32
        %parallel_loop3A_346 = arith.index_cast %parallel_loop3A_345 : i32 to index
        %parallel_loop3A_347 = arith.index_cast %parallel_loop3A_344 : i32 to index
        %parallel_loop3A_348 = tpu.vector_load %arg12[%parallel_loop3A_346, %parallel_loop3A_347] {strides = array<i32>} : memref<4x2048xf32, #tpu.memory_space<vmem>>, vector<16xf32>,
        tpu.vector_store %arg12[%parallel_loop3A_346, %parallel_loop3A_347], %parallel_loop3A_327 {strides = array<i32>} : memref<4x2048xf32, #tpu.memory_space<vmem>>, vector<16xf32>,
        %parallel_loop3A_349 = arith.constant 16 : i32
        %parallel_loop3A_350 = arith.muli %parallel_loop3A_314, %parallel_loop3A_349 : i32
        %parallel_loop3A_351 = arith.constant 3 : i32
        %parallel_loop3A_352 = arith.index_cast %parallel_loop3A_351 : i32 to index
        %parallel_loop3A_353 = arith.index_cast %parallel_loop3A_350 : i32 to index
        %parallel_loop3A_354 = tpu.vector_load %arg12[%parallel_loop3A_352, %parallel_loop3A_353] {strides = array<i32>} : memref<4x2048xf32, #tpu.memory_space<vmem>>, vector<16xf32>,
        tpu.vector_store %arg12[%parallel_loop3A_352, %parallel_loop3A_353], %parallel_loop3A_330 {strides = array<i32>} : memref<4x2048xf32, #tpu.memory_space<vmem>>, vector<16xf32>,
      } {sc.loop_unroll_factor = 2 : i64, sc.parallel_access}
      %mul3A_267 = arith.constant 4 : i32
      %mul3A_268 = arith.muli %add3A_255, %mul3A_267 : i32
      %add3A_269 = arith.addi %mul3A_2, %mul3A_268 : i32
      %dma_start3A_270 = arith.constant 0 : i32
      %dma_start3A_271 = tpu.memref_slice %arg4[%add3A_269, %dma_start3A_270] : memref<8192x2048xf32, #tpu.memory_space<hbm>> -> memref<4x2048xf32, #tpu.memory_space<hbm>>
      %dma_start3A_272 = arith.constant 0 : i32
      %dma_start3A_273 = tpu.memref_slice %arg4[%add3A_269, %dma_start3A_272] : memref<8192x2048xf32, #tpu.memory_space<hbm>> -> memref<4x2048xf32, #tpu.memory_space<hbm>>
      tpu.enqueue_dma source(%arg12 : memref<4x2048xf32, #tpu.memory_space<vmem>>) target(%dma_start3A_273 : memref<4x2048xf32, #tpu.memory_space<hbm>>) target_semaphore(%arg20 : memref<!tpu.dma_semaphore, #tpu.memory_space<semaphore_mem>>)
      %add3A_274 = arith.constant 4 : i32
      %add3A_275 = arith.addi %add3A_255, %add3A_274 : i32
      %mul3A_276 = arith.constant 4 : i32
      %mul3A_277 = arith.muli %add3A_275, %mul3A_276 : i32
      %add3A_278 = arith.addi %mul3A_2, %mul3A_277 : i32
      %dma_start3A_279 = arith.constant 0 : i32
      %dma_start3A_280 = tpu.memref_slice %arg2[%add3A_278, %dma_start3A_279] : memref<8192x2048xf32, #tpu.memory_space<hbm>> -> memref<4x2048xf32, #tpu.memory_space<hbm>>
      %dma_start3A_281 = arith.constant 0 : i32
      %dma_start3A_282 = tpu.memref_slice %arg2[%add3A_278, %dma_start3A_281] : memref<8192x2048xf32, #tpu.memory_space<hbm>> -> memref<4x2048xf32, #tpu.memory_space<hbm>>
      tpu.enqueue_dma source(%dma_start3A_282 : memref<4x2048xf32, #tpu.memory_space<hbm>>) target(%arg8 : memref<4x2048xf32, #tpu.memory_space<vmem>>) target_semaphore(%arg16 : memref<!tpu.dma_semaphore, #tpu.memory_space<semaphore_mem>>)
      %mul3A_283 = arith.constant 4 : i32
      %mul3A_284 = arith.muli %scan3A_189, %mul3A_283 : i32
      %add3A_285 = arith.constant 3 : i32
      %add3A_286 = arith.addi %mul3A_284, %add3A_285 : i32
      %dma_wait3A_287 = arith.constant 0 : i32
      %dma_wait3A_288 = tpu.memref_slice %arg2[%mul3A_2, %dma_wait3A_287] : memref<8192x2048xf32, #tpu.memory_space<hbm>> -> memref<4x2048xf32, #tpu.memory_space<hbm>>
      %dma_wait3A_289 = arith.constant 0 : i32
      %dma_wait3A_290 = tpu.memref_slice %arg2[%mul3A_2, %dma_wait3A_289] : memref<8192x2048xf32, #tpu.memory_space<hbm>> -> memref<4x2048xf32, #tpu.memory_space<hbm>>
      tpu.wait_dma2 semaphore(%arg17 : memref<!tpu.dma_semaphore, #tpu.memory_space<semaphore_mem>>) src(%dma_wait3A_290 : memref<4x2048xf32, #tpu.memory_space<hbm>>) dst(%arg9 : memref<4x2048xf32, #tpu.memory_space<vmem>>)
      %dma_wait3A_291 = arith.constant 0 : i32
      %dma_wait3A_292 = tpu.memref_slice %arg4[%mul3A_2, %dma_wait3A_291] : memref<8192x2048xf32, #tpu.memory_space<hbm>> -> memref<4x2048xf32, #tpu.memory_space<hbm>>
      %dma_wait3A_293 = arith.constant 0 : i32
      %dma_wait3A_294 = tpu.memref_slice %arg4[%mul3A_2, %dma_wait3A_293] : memref<8192x2048xf32, #tpu.memory_space<hbm>> -> memref<4x2048xf32, #tpu.memory_space<hbm>>
      tpu.wait_dma2 semaphore(%arg21 : memref<!tpu.dma_semaphore, #tpu.memory_space<semaphore_mem>>) src(%arg13 : memref<4x2048xf32, #tpu.memory_space<vmem>>) dst(%dma_wait3A_294 : memref<4x2048xf32, #tpu.memory_space<hbm>>)
      %parallel_loop3A_295 = arith.constant 0 : i32
      %parallel_loop3A_296 = arith.constant 128 : i32
      %parallel_loop3A_297 = arith.constant 1 : i32
      scf.for %parallel_loop3A_314 = %parallel_loop3A_295 to %parallel_loop3A_296 step %parallel_loop3A_297  : i32 {
        %parallel_loop3A_315 = arith.constant 16 : i32
        %parallel_loop3A_316 = arith.muli %parallel_loop3A_314, %parallel_loop3A_315 : i32
        %parallel_loop3A_317 = arith.index_cast %parallel_loop3A_316 : i32 to index
        %parallel_loop3A_318 = tpu.vector_load %arg5[%parallel_loop3A_317] {strides = array<i32>} : memref<2048xi32, #tpu.memory_space<vmem>>, vector<16xi32>,
        %parallel_loop3A_319 = arith.constant 0 : i32
        %parallel_loop3A_320 = vector.broadcast %parallel_loop3A_319 : i32 to vector<16xi32>
        %parallel_loop3A_321 = tpu.vector_load_idx %arg9[%parallel_loop3A_320, %parallel_loop3A_318] : memref<4x2048xf32, #tpu.memory_space<vmem>>[vector<16xi32>, vector<16xi32>], vector<16xf32>,
        %parallel_loop3A_322 = arith.constant 1 : i32
        %parallel_loop3A_323 = vector.broadcast %parallel_loop3A_322 : i32 to vector<16xi32>
        %parallel_loop3A_324 = tpu.vector_load_idx %arg9[%parallel_loop3A_323, %parallel_loop3A_318] : memref<4x2048xf32, #tpu.memory_space<vmem>>[vector<16xi32>, vector<16xi32>], vector<16xf32>,
        %parallel_loop3A_325 = arith.constant 2 : i32
        %parallel_loop3A_326 = vector.broadcast %parallel_loop3A_325 : i32 to vector<16xi32>
        %parallel_loop3A_327 = tpu.vector_load_idx %arg9[%parallel_loop3A_326, %parallel_loop3A_318] : memref<4x2048xf32, #tpu.memory_space<vmem>>[vector<16xi32>, vector<16xi32>], vector<16xf32>,
        %parallel_loop3A_328 = arith.constant 3 : i32
        %parallel_loop3A_329 = vector.broadcast %parallel_loop3A_328 : i32 to vector<16xi32>
        %parallel_loop3A_330 = tpu.vector_load_idx %arg9[%parallel_loop3A_329, %parallel_loop3A_318] : memref<4x2048xf32, #tpu.memory_space<vmem>>[vector<16xi32>, vector<16xi32>], vector<16xf32>,
        %parallel_loop3A_331 = arith.constant 16 : i32
        %parallel_loop3A_332 = arith.muli %parallel_loop3A_314, %parallel_loop3A_331 : i32
        %parallel_loop3A_333 = arith.constant 0 : i32
        %parallel_loop3A_334 = arith.index_cast %parallel_loop3A_333 : i32 to index
        %parallel_loop3A_335 = arith.index_cast %parallel_loop3A_332 : i32 to index
        %parallel_loop3A_336 = tpu.vector_load %arg13[%parallel_loop3A_334, %parallel_loop3A_335] {strides = array<i32>} : memref<4x2048xf32, #tpu.memory_space<vmem>>, vector<16xf32>,
        tpu.vector_store %arg13[%parallel_loop3A_334, %parallel_loop3A_335], %parallel_loop3A_321 {strides = array<i32>} : memref<4x2048xf32, #tpu.memory_space<vmem>>, vector<16xf32>,
        %parallel_loop3A_337 = arith.constant 16 : i32
        %parallel_loop3A_338 = arith.muli %parallel_loop3A_314, %parallel_loop3A_337 : i32
        %parallel_loop3A_339 = arith.constant 1 : i32
        %parallel_loop3A_340 = arith.index_cast %parallel_loop3A_339 : i32 to index
        %parallel_loop3A_341 = arith.index_cast %parallel_loop3A_338 : i32 to index
        %parallel_loop3A_342 = tpu.vector_load %arg13[%parallel_loop3A_340, %parallel_loop3A_341] {strides = array<i32>} : memref<4x2048xf32, #tpu.memory_space<vmem>>, vector<16xf32>,
        tpu.vector_store %arg13[%parallel_loop3A_340, %parallel_loop3A_341], %parallel_loop3A_324 {strides = array<i32>} : memref<4x2048xf32, #tpu.memory_space<vmem>>, vector<16xf32>,
        %parallel_loop3A_343 = arith.constant 16 : i32
        %parallel_loop3A_344 = arith.muli %parallel_loop3A_314, %parallel_loop3A_343 : i32
        %parallel_loop3A_345 = arith.constant 2 : i32
        %parallel_loop3A_346 = arith.index_cast %parallel_loop3A_345 : i32 to index
        %parallel_loop3A_347 = arith.index_cast %parallel_loop3A_344 : i32 to index
        %parallel_loop3A_348 = tpu.vector_load %arg13[%parallel_loop3A_346, %parallel_loop3A_347] {strides = array<i32>} : memref<4x2048xf32, #tpu.memory_space<vmem>>, vector<16xf32>,
        tpu.vector_store %arg13[%parallel_loop3A_346, %parallel_loop3A_347], %parallel_loop3A_327 {strides = array<i32>} : memref<4x2048xf32, #tpu.memory_space<vmem>>, vector<16xf32>,
        %parallel_loop3A_349 = arith.constant 16 : i32
        %parallel_loop3A_350 = arith.muli %parallel_loop3A_314, %parallel_loop3A_349 : i32
        %parallel_loop3A_351 = arith.constant 3 : i32
        %parallel_loop3A_352 = arith.index_cast %parallel_loop3A_351 : i32 to index
        %parallel_loop3A_353 = arith.index_cast %parallel_loop3A_350 : i32 to index
        %parallel_loop3A_354 = tpu.vector_load %arg13[%parallel_loop3A_352, %parallel_loop3A_353] {strides = array<i32>} : memref<4x2048xf32, #tpu.memory_space<vmem>>, vector<16xf32>,
        tpu.vector_store %arg13[%parallel_loop3A_352, %parallel_loop3A_353], %parallel_loop3A_330 {strides = array<i32>} : memref<4x2048xf32, #tpu.memory_space<vmem>>, vector<16xf32>,
      } {sc.loop_unroll_factor = 2 : i64, sc.parallel_access}
      %mul3A_298 = arith.constant 4 : i32
      %mul3A_299 = arith.muli %add3A_286, %mul3A_298 : i32
      %add3A_300 = arith.addi %mul3A_2, %mul3A_299 : i32
      %dma_start3A_301 = arith.constant 0 : i32
      %dma_start3A_302 = tpu.memref_slice %arg4[%add3A_300, %dma_start3A_301] : memref<8192x2048xf32, #tpu.memory_space<hbm>> -> memref<4x2048xf32, #tpu.memory_space<hbm>>
      %dma_start3A_303 = arith.constant 0 : i32
      %dma_start3A_304 = tpu.memref_slice %arg4[%add3A_300, %dma_start3A_303] : memref<8192x2048xf32, #tpu.memory_space<hbm>> -> memref<4x2048xf32, #tpu.memory_space<hbm>>
      tpu.enqueue_dma source(%arg13 : memref<4x2048xf32, #tpu.memory_space<vmem>>) target(%dma_start3A_304 : memref<4x2048xf32, #tpu.memory_space<hbm>>) target_semaphore(%arg21 : memref<!tpu.dma_semaphore, #tpu.memory_space<semaphore_mem>>)
      %add3A_305 = arith.constant 4 : i32
      %add3A_306 = arith.addi %add3A_286, %add3A_305 : i32
      %mul3A_307 = arith.constant 4 : i32
      %mul3A_308 = arith.muli %add3A_306, %mul3A_307 : i32
      %add3A_309 = arith.addi %mul3A_2, %mul3A_308 : i32
      %dma_start3A_310 = arith.constant 0 : i32
      %dma_start3A_311 = tpu.memref_slice %arg2[%add3A_309, %dma_start3A_310] : memref<8192x2048xf32, #tpu.memory_space<hbm>> -> memref<4x2048xf32, #tpu.memory_space<hbm>>
      %dma_start3A_312 = arith.constant 0 : i32
      %dma_start3A_313 = tpu.memref_slice %arg2[%add3A_309, %dma_start3A_312] : memref<8192x2048xf32, #tpu.memory_space<hbm>> -> memref<4x2048xf32, #tpu.memory_space<hbm>>
      tpu.enqueue_dma source(%dma_start3A_313 : memref<4x2048xf32, #tpu.memory_space<hbm>>) target(%arg9 : memref<4x2048xf32, #tpu.memory_space<vmem>>) target_semaphore(%arg17 : memref<!tpu.dma_semaphore, #tpu.memory_space<semaphore_mem>>)
    }
    %scan3A_104 = arith.constant 14 : i32
    %dma_wait3A_105 = arith.constant 0 : i32
    %dma_wait3A_106 = tpu.memref_slice %arg2[%mul3A_2, %dma_wait3A_105] : memref<8192x2048xf32, #tpu.memory_space<hbm>> -> memref<4x2048xf32, #tpu.memory_space<hbm>>
    %dma_wait3A_107 = arith.constant 0 : i32
    %dma_wait3A_108 = tpu.memref_slice %arg2[%mul3A_2, %dma_wait3A_107] : memref<8192x2048xf32, #tpu.memory_space<hbm>> -> memref<4x2048xf32, #tpu.memory_space<hbm>>
    tpu.wait_dma2 semaphore(%arg14 : memref<!tpu.dma_semaphore, #tpu.memory_space<semaphore_mem>>) src(%dma_wait3A_108 : memref<4x2048xf32, #tpu.memory_space<hbm>>) dst(%arg6 : memref<4x2048xf32, #tpu.memory_space<vmem>>)
    %dma_wait3A_109 = arith.constant 0 : i32
    %dma_wait3A_110 = tpu.memref_slice %arg4[%mul3A_2, %dma_wait3A_109] : memref<8192x2048xf32, #tpu.memory_space<hbm>> -> memref<4x2048xf32, #tpu.memory_space<hbm>>
    %dma_wait3A_111 = arith.constant 0 : i32
    %dma_wait3A_112 = tpu.memref_slice %arg4[%mul3A_2, %dma_wait3A_111] : memref<8192x2048xf32, #tpu.memory_space<hbm>> -> memref<4x2048xf32, #tpu.memory_space<hbm>>
    tpu.wait_dma2 semaphore(%arg18 : memref<!tpu.dma_semaphore, #tpu.memory_space<semaphore_mem>>) src(%arg10 : memref<4x2048xf32, #tpu.memory_space<vmem>>) dst(%dma_wait3A_112 : memref<4x2048xf32, #tpu.memory_space<hbm>>)
    %parallel_loop3A_113 = arith.constant 0 : i32
    %parallel_loop3A_114 = arith.constant 128 : i32
    %parallel_loop3A_115 = arith.constant 1 : i32
    scf.for %parallel_loop3A_189 = %parallel_loop3A_113 to %parallel_loop3A_114 step %parallel_loop3A_115  : i32 {
      %parallel_loop3A_190 = arith.constant 16 : i32
      %parallel_loop3A_191 = arith.muli %parallel_loop3A_189, %parallel_loop3A_190 : i32
      %parallel_loop3A_192 = arith.index_cast %parallel_loop3A_191 : i32 to index
      %parallel_loop3A_193 = tpu.vector_load %arg5[%parallel_loop3A_192] {strides = array<i32>} : memref<2048xi32, #tpu.memory_space<vmem>>, vector<16xi32>,
      %parallel_loop3A_194 = arith.constant 0 : i32
      %parallel_loop3A_195 = vector.broadcast %parallel_loop3A_194 : i32 to vector<16xi32>
      %parallel_loop3A_196 = tpu.vector_load_idx %arg6[%parallel_loop3A_195, %parallel_loop3A_193] : memref<4x2048xf32, #tpu.memory_space<vmem>>[vector<16xi32>, vector<16xi32>], vector<16xf32>,
      %parallel_loop3A_197 = arith.constant 1 : i32
      %parallel_loop3A_198 = vector.broadcast %parallel_loop3A_197 : i32 to vector<16xi32>
      %parallel_loop3A_199 = tpu.vector_load_idx %arg6[%parallel_loop3A_198, %parallel_loop3A_193] : memref<4x2048xf32, #tpu.memory_space<vmem>>[vector<16xi32>, vector<16xi32>], vector<16xf32>,
      %parallel_loop3A_200 = arith.constant 2 : i32
      %parallel_loop3A_201 = vector.broadcast %parallel_loop3A_200 : i32 to vector<16xi32>
      %parallel_loop3A_202 = tpu.vector_load_idx %arg6[%parallel_loop3A_201, %parallel_loop3A_193] : memref<4x2048xf32, #tpu.memory_space<vmem>>[vector<16xi32>, vector<16xi32>], vector<16xf32>,
      %parallel_loop3A_203 = arith.constant 3 : i32
      %parallel_loop3A_204 = vector.broadcast %parallel_loop3A_203 : i32 to vector<16xi32>
      %parallel_loop3A_205 = tpu.vector_load_idx %arg6[%parallel_loop3A_204, %parallel_loop3A_193] : memref<4x2048xf32, #tpu.memory_space<vmem>>[vector<16xi32>, vector<16xi32>], vector<16xf32>,
      %parallel_loop3A_206 = arith.constant 16 : i32
      %parallel_loop3A_207 = arith.muli %parallel_loop3A_189, %parallel_loop3A_206 : i32
      %parallel_loop3A_208 = arith.constant 0 : i32
      %parallel_loop3A_209 = arith.index_cast %parallel_loop3A_208 : i32 to index
      %parallel_loop3A_210 = arith.index_cast %parallel_loop3A_207 : i32 to index
      %parallel_loop3A_211 = tpu.vector_load %arg10[%parallel_loop3A_209, %parallel_loop3A_210] {strides = array<i32>} : memref<4x2048xf32, #tpu.memory_space<vmem>>, vector<16xf32>,
      tpu.vector_store %arg10[%parallel_loop3A_209, %parallel_loop3A_210], %parallel_loop3A_196 {strides = array<i32>} : memref<4x2048xf32, #tpu.memory_space<vmem>>, vector<16xf32>,
      %parallel_loop3A_212 = arith.constant 16 : i32
      %parallel_loop3A_213 = arith.muli %parallel_loop3A_189, %parallel_loop3A_212 : i32
      %parallel_loop3A_214 = arith.constant 1 : i32
      %parallel_loop3A_215 = arith.index_cast %parallel_loop3A_214 : i32 to index
      %parallel_loop3A_216 = arith.index_cast %parallel_loop3A_213 : i32 to index
      %parallel_loop3A_217 = tpu.vector_load %arg10[%parallel_loop3A_215, %parallel_loop3A_216] {strides = array<i32>} : memref<4x2048xf32, #tpu.memory_space<vmem>>, vector<16xf32>,
      tpu.vector_store %arg10[%parallel_loop3A_215, %parallel_loop3A_216], %parallel_loop3A_199 {strides = array<i32>} : memref<4x2048xf32, #tpu.memory_space<vmem>>, vector<16xf32>,
      %parallel_loop3A_218 = arith.constant 16 : i32
      %parallel_loop3A_219 = arith.muli %parallel_loop3A_189, %parallel_loop3A_218 : i32
      %parallel_loop3A_220 = arith.constant 2 : i32
      %parallel_loop3A_221 = arith.index_cast %parallel_loop3A_220 : i32 to index
      %parallel_loop3A_222 = arith.index_cast %parallel_loop3A_219 : i32 to index
      %parallel_loop3A_223 = tpu.vector_load %arg10[%parallel_loop3A_221, %parallel_loop3A_222] {strides = array<i32>} : memref<4x2048xf32, #tpu.memory_space<vmem>>, vector<16xf32>,
      tpu.vector_store %arg10[%parallel_loop3A_221, %parallel_loop3A_222], %parallel_loop3A_202 {strides = array<i32>} : memref<4x2048xf32, #tpu.memory_space<vmem>>, vector<16xf32>,
      %parallel_loop3A_224 = arith.constant 16 : i32
      %parallel_loop3A_225 = arith.muli %parallel_loop3A_189, %parallel_loop3A_224 : i32
      %parallel_loop3A_226 = arith.constant 3 : i32
      %parallel_loop3A_227 = arith.index_cast %parallel_loop3A_226 : i32 to index
      %parallel_loop3A_228 = arith.index_cast %parallel_loop3A_225 : i32 to index
      %parallel_loop3A_229 = tpu.vector_load %arg10[%parallel_loop3A_227, %parallel_loop3A_228] {strides = array<i32>} : memref<4x2048xf32, #tpu.memory_space<vmem>>, vector<16xf32>,
      tpu.vector_store %arg10[%parallel_loop3A_227, %parallel_loop3A_228], %parallel_loop3A_205 {strides = array<i32>} : memref<4x2048xf32, #tpu.memory_space<vmem>>, vector<16xf32>,
    } {sc.loop_unroll_factor = 2 : i64, sc.parallel_access}
    %add3A_116 = arith.constant 240 : i32
    %add3A_117 = arith.addi %mul3A_2, %add3A_116 : i32
    %dma_start3A_118 = arith.constant 0 : i32
    %dma_start3A_119 = tpu.memref_slice %arg4[%add3A_117, %dma_start3A_118] : memref<8192x2048xf32, #tpu.memory_space<hbm>> -> memref<4x2048xf32, #tpu.memory_space<hbm>>
    %dma_start3A_120 = arith.constant 0 : i32
    %dma_start3A_121 = tpu.memref_slice %arg4[%add3A_117, %dma_start3A_120] : memref<8192x2048xf32, #tpu.memory_space<hbm>> -> memref<4x2048xf32, #tpu.memory_space<hbm>>
    tpu.enqueue_dma source(%arg10 : memref<4x2048xf32, #tpu.memory_space<vmem>>) target(%dma_start3A_121 : memref<4x2048xf32, #tpu.memory_space<hbm>>) target_semaphore(%arg18 : memref<!tpu.dma_semaphore, #tpu.memory_space<semaphore_mem>>)
    %dma_wait3A_122 = arith.constant 0 : i32
    %dma_wait3A_123 = tpu.memref_slice %arg2[%mul3A_2, %dma_wait3A_122] : memref<8192x2048xf32, #tpu.memory_space<hbm>> -> memref<4x2048xf32, #tpu.memory_space<hbm>>
    %dma_wait3A_124 = arith.constant 0 : i32
    %dma_wait3A_125 = tpu.memref_slice %arg2[%mul3A_2, %dma_wait3A_124] : memref<8192x2048xf32, #tpu.memory_space<hbm>> -> memref<4x2048xf32, #tpu.memory_space<hbm>>
    tpu.wait_dma2 semaphore(%arg15 : memref<!tpu.dma_semaphore, #tpu.memory_space<semaphore_mem>>) src(%dma_wait3A_125 : memref<4x2048xf32, #tpu.memory_space<hbm>>) dst(%arg7 : memref<4x2048xf32, #tpu.memory_space<vmem>>)
    %dma_wait3A_126 = arith.constant 0 : i32
    %dma_wait3A_127 = tpu.memref_slice %arg4[%mul3A_2, %dma_wait3A_126] : memref<8192x2048xf32, #tpu.memory_space<hbm>> -> memref<4x2048xf32, #tpu.memory_space<hbm>>
    %dma_wait3A_128 = arith.constant 0 : i32
    %dma_wait3A_129 = tpu.memref_slice %arg4[%mul3A_2, %dma_wait3A_128] : memref<8192x2048xf32, #tpu.memory_space<hbm>> -> memref<4x2048xf32, #tpu.memory_space<hbm>>
    tpu.wait_dma2 semaphore(%arg19 : memref<!tpu.dma_semaphore, #tpu.memory_space<semaphore_mem>>) src(%arg11 : memref<4x2048xf32, #tpu.memory_space<vmem>>) dst(%dma_wait3A_129 : memref<4x2048xf32, #tpu.memory_space<hbm>>)
    %parallel_loop3A_130 = arith.constant 0 : i32
    %parallel_loop3A_131 = arith.constant 128 : i32
    %parallel_loop3A_132 = arith.constant 1 : i32
    scf.for %parallel_loop3A_189 = %parallel_loop3A_130 to %parallel_loop3A_131 step %parallel_loop3A_132  : i32 {
      %parallel_loop3A_190 = arith.constant 16 : i32
      %parallel_loop3A_191 = arith.muli %parallel_loop3A_189, %parallel_loop3A_190 : i32
      %parallel_loop3A_192 = arith.index_cast %parallel_loop3A_191 : i32 to index
      %parallel_loop3A_193 = tpu.vector_load %arg5[%parallel_loop3A_192] {strides = array<i32>} : memref<2048xi32, #tpu.memory_space<vmem>>, vector<16xi32>,
      %parallel_loop3A_194 = arith.constant 0 : i32
      %parallel_loop3A_195 = vector.broadcast %parallel_loop3A_194 : i32 to vector<16xi32>
      %parallel_loop3A_196 = tpu.vector_load_idx %arg7[%parallel_loop3A_195, %parallel_loop3A_193] : memref<4x2048xf32, #tpu.memory_space<vmem>>[vector<16xi32>, vector<16xi32>], vector<16xf32>,
      %parallel_loop3A_197 = arith.constant 1 : i32
      %parallel_loop3A_198 = vector.broadcast %parallel_loop3A_197 : i32 to vector<16xi32>
      %parallel_loop3A_199 = tpu.vector_load_idx %arg7[%parallel_loop3A_198, %parallel_loop3A_193] : memref<4x2048xf32, #tpu.memory_space<vmem>>[vector<16xi32>, vector<16xi32>], vector<16xf32>,
      %parallel_loop3A_200 = arith.constant 2 : i32
      %parallel_loop3A_201 = vector.broadcast %parallel_loop3A_200 : i32 to vector<16xi32>
      %parallel_loop3A_202 = tpu.vector_load_idx %arg7[%parallel_loop3A_201, %parallel_loop3A_193] : memref<4x2048xf32, #tpu.memory_space<vmem>>[vector<16xi32>, vector<16xi32>], vector<16xf32>,
      %parallel_loop3A_203 = arith.constant 3 : i32
      %parallel_loop3A_204 = vector.broadcast %parallel_loop3A_203 : i32 to vector<16xi32>
      %parallel_loop3A_205 = tpu.vector_load_idx %arg7[%parallel_loop3A_204, %parallel_loop3A_193] : memref<4x2048xf32, #tpu.memory_space<vmem>>[vector<16xi32>, vector<16xi32>], vector<16xf32>,
      %parallel_loop3A_206 = arith.constant 16 : i32
      %parallel_loop3A_207 = arith.muli %parallel_loop3A_189, %parallel_loop3A_206 : i32
      %parallel_loop3A_208 = arith.constant 0 : i32
      %parallel_loop3A_209 = arith.index_cast %parallel_loop3A_208 : i32 to index
      %parallel_loop3A_210 = arith.index_cast %parallel_loop3A_207 : i32 to index
      %parallel_loop3A_211 = tpu.vector_load %arg11[%parallel_loop3A_209, %parallel_loop3A_210] {strides = array<i32>} : memref<4x2048xf32, #tpu.memory_space<vmem>>, vector<16xf32>,
      tpu.vector_store %arg11[%parallel_loop3A_209, %parallel_loop3A_210], %parallel_loop3A_196 {strides = array<i32>} : memref<4x2048xf32, #tpu.memory_space<vmem>>, vector<16xf32>,
      %parallel_loop3A_212 = arith.constant 16 : i32
      %parallel_loop3A_213 = arith.muli %parallel_loop3A_189, %parallel_loop3A_212 : i32
      %parallel_loop3A_214 = arith.constant 1 : i32
      %parallel_loop3A_215 = arith.index_cast %parallel_loop3A_214 : i32 to index
      %parallel_loop3A_216 = arith.index_cast %parallel_loop3A_213 : i32 to index
      %parallel_loop3A_217 = tpu.vector_load %arg11[%parallel_loop3A_215, %parallel_loop3A_216] {strides = array<i32>} : memref<4x2048xf32, #tpu.memory_space<vmem>>, vector<16xf32>,
      tpu.vector_store %arg11[%parallel_loop3A_215, %parallel_loop3A_216], %parallel_loop3A_199 {strides = array<i32>} : memref<4x2048xf32, #tpu.memory_space<vmem>>, vector<16xf32>,
      %parallel_loop3A_218 = arith.constant 16 : i32
      %parallel_loop3A_219 = arith.muli %parallel_loop3A_189, %parallel_loop3A_218 : i32
      %parallel_loop3A_220 = arith.constant 2 : i32
      %parallel_loop3A_221 = arith.index_cast %parallel_loop3A_220 : i32 to index
      %parallel_loop3A_222 = arith.index_cast %parallel_loop3A_219 : i32 to index
      %parallel_loop3A_223 = tpu.vector_load %arg11[%parallel_loop3A_221, %parallel_loop3A_222] {strides = array<i32>} : memref<4x2048xf32, #tpu.memory_space<vmem>>, vector<16xf32>,
      tpu.vector_store %arg11[%parallel_loop3A_221, %parallel_loop3A_222], %parallel_loop3A_202 {strides = array<i32>} : memref<4x2048xf32, #tpu.memory_space<vmem>>, vector<16xf32>,
      %parallel_loop3A_224 = arith.constant 16 : i32
      %parallel_loop3A_225 = arith.muli %parallel_loop3A_189, %parallel_loop3A_224 : i32
      %parallel_loop3A_226 = arith.constant 3 : i32
      %parallel_loop3A_227 = arith.index_cast %parallel_loop3A_226 : i32 to index
      %parallel_loop3A_228 = arith.index_cast %parallel_loop3A_225 : i32 to index
      %parallel_loop3A_229 = tpu.vector_load %arg11[%parallel_loop3A_227, %parallel_loop3A_228] {strides = array<i32>} : memref<4x2048xf32, #tpu.memory_space<vmem>>, vector<16xf32>,
      tpu.vector_store %arg11[%parallel_loop3A_227, %parallel_loop3A_228], %parallel_loop3A_205 {strides = array<i32>} : memref<4x2048xf32, #tpu.memory_space<vmem>>, vector<16xf32>,
    } {sc.loop_unroll_factor = 2 : i64, sc.parallel_access}
    %add3A_133 = arith.constant 244 : i32
    %add3A_134 = arith.addi %mul3A_2, %add3A_133 : i32
    %dma_start3A_135 = arith.constant 0 : i32
    %dma_start3A_136 = tpu.memref_slice %arg4[%add3A_134, %dma_start3A_135] : memref<8192x2048xf32, #tpu.memory_space<hbm>> -> memref<4x2048xf32, #tpu.memory_space<hbm>>
    %dma_start3A_137 = arith.constant 0 : i32
    %dma_start3A_138 = tpu.memref_slice %arg4[%add3A_134, %dma_start3A_137] : memref<8192x2048xf32, #tpu.memory_space<hbm>> -> memref<4x2048xf32, #tpu.memory_space<hbm>>
    tpu.enqueue_dma source(%arg11 : memref<4x2048xf32, #tpu.memory_space<vmem>>) target(%dma_start3A_138 : memref<4x2048xf32, #tpu.memory_space<hbm>>) target_semaphore(%arg19 : memref<!tpu.dma_semaphore, #tpu.memory_space<semaphore_mem>>)
    %dma_wait3A_139 = arith.constant 0 : i32
    %dma_wait3A_140 = tpu.memref_slice %arg2[%mul3A_2, %dma_wait3A_139] : memref<8192x2048xf32, #tpu.memory_space<hbm>> -> memref<4x2048xf32, #tpu.memory_space<hbm>>
    %dma_wait3A_141 = arith.constant 0 : i32
    %dma_wait3A_142 = tpu.memref_slice %arg2[%mul3A_2, %dma_wait3A_141] : memref<8192x2048xf32, #tpu.memory_space<hbm>> -> memref<4x2048xf32, #tpu.memory_space<hbm>>
    tpu.wait_dma2 semaphore(%arg16 : memref<!tpu.dma_semaphore, #tpu.memory_space<semaphore_mem>>) src(%dma_wait3A_142 : memref<4x2048xf32, #tpu.memory_space<hbm>>) dst(%arg8 : memref<4x2048xf32, #tpu.memory_space<vmem>>)
    %dma_wait3A_143 = arith.constant 0 : i32
    %dma_wait3A_144 = tpu.memref_slice %arg4[%mul3A_2, %dma_wait3A_143] : memref<8192x2048xf32, #tpu.memory_space<hbm>> -> memref<4x2048xf32, #tpu.memory_space<hbm>>
    %dma_wait3A_145 = arith.constant 0 : i32
    %dma_wait3A_146 = tpu.memref_slice %arg4[%mul3A_2, %dma_wait3A_145] : memref<8192x2048xf32, #tpu.memory_space<hbm>> -> memref<4x2048xf32, #tpu.memory_space<hbm>>
    tpu.wait_dma2 semaphore(%arg20 : memref<!tpu.dma_semaphore, #tpu.memory_space<semaphore_mem>>) src(%arg12 : memref<4x2048xf32, #tpu.memory_space<vmem>>) dst(%dma_wait3A_146 : memref<4x2048xf32, #tpu.memory_space<hbm>>)
    %parallel_loop3A_147 = arith.constant 0 : i32
    %parallel_loop3A_148 = arith.constant 128 : i32
    %parallel_loop3A_149 = arith.constant 1 : i32
    scf.for %parallel_loop3A_189 = %parallel_loop3A_147 to %parallel_loop3A_148 step %parallel_loop3A_149  : i32 {
      %parallel_loop3A_190 = arith.constant 16 : i32
      %parallel_loop3A_191 = arith.muli %parallel_loop3A_189, %parallel_loop3A_190 : i32
      %parallel_loop3A_192 = arith.index_cast %parallel_loop3A_191 : i32 to index
      %parallel_loop3A_193 = tpu.vector_load %arg5[%parallel_loop3A_192] {strides = array<i32>} : memref<2048xi32, #tpu.memory_space<vmem>>, vector<16xi32>,
      %parallel_loop3A_194 = arith.constant 0 : i32
      %parallel_loop3A_195 = vector.broadcast %parallel_loop3A_194 : i32 to vector<16xi32>
      %parallel_loop3A_196 = tpu.vector_load_idx %arg8[%parallel_loop3A_195, %parallel_loop3A_193] : memref<4x2048xf32, #tpu.memory_space<vmem>>[vector<16xi32>, vector<16xi32>], vector<16xf32>,
      %parallel_loop3A_197 = arith.constant 1 : i32
      %parallel_loop3A_198 = vector.broadcast %parallel_loop3A_197 : i32 to vector<16xi32>
      %parallel_loop3A_199 = tpu.vector_load_idx %arg8[%parallel_loop3A_198, %parallel_loop3A_193] : memref<4x2048xf32, #tpu.memory_space<vmem>>[vector<16xi32>, vector<16xi32>], vector<16xf32>,
      %parallel_loop3A_200 = arith.constant 2 : i32
      %parallel_loop3A_201 = vector.broadcast %parallel_loop3A_200 : i32 to vector<16xi32>
      %parallel_loop3A_202 = tpu.vector_load_idx %arg8[%parallel_loop3A_201, %parallel_loop3A_193] : memref<4x2048xf32, #tpu.memory_space<vmem>>[vector<16xi32>, vector<16xi32>], vector<16xf32>,
      %parallel_loop3A_203 = arith.constant 3 : i32
      %parallel_loop3A_204 = vector.broadcast %parallel_loop3A_203 : i32 to vector<16xi32>
      %parallel_loop3A_205 = tpu.vector_load_idx %arg8[%parallel_loop3A_204, %parallel_loop3A_193] : memref<4x2048xf32, #tpu.memory_space<vmem>>[vector<16xi32>, vector<16xi32>], vector<16xf32>,
      %parallel_loop3A_206 = arith.constant 16 : i32
      %parallel_loop3A_207 = arith.muli %parallel_loop3A_189, %parallel_loop3A_206 : i32
      %parallel_loop3A_208 = arith.constant 0 : i32
      %parallel_loop3A_209 = arith.index_cast %parallel_loop3A_208 : i32 to index
      %parallel_loop3A_210 = arith.index_cast %parallel_loop3A_207 : i32 to index
      %parallel_loop3A_211 = tpu.vector_load %arg12[%parallel_loop3A_209, %parallel_loop3A_210] {strides = array<i32>} : memref<4x2048xf32, #tpu.memory_space<vmem>>, vector<16xf32>,
      tpu.vector_store %arg12[%parallel_loop3A_209, %parallel_loop3A_210], %parallel_loop3A_196 {strides = array<i32>} : memref<4x2048xf32, #tpu.memory_space<vmem>>, vector<16xf32>,
      %parallel_loop3A_212 = arith.constant 16 : i32
      %parallel_loop3A_213 = arith.muli %parallel_loop3A_189, %parallel_loop3A_212 : i32
      %parallel_loop3A_214 = arith.constant 1 : i32
      %parallel_loop3A_215 = arith.index_cast %parallel_loop3A_214 : i32 to index
      %parallel_loop3A_216 = arith.index_cast %parallel_loop3A_213 : i32 to index
      %parallel_loop3A_217 = tpu.vector_load %arg12[%parallel_loop3A_215, %parallel_loop3A_216] {strides = array<i32>} : memref<4x2048xf32, #tpu.memory_space<vmem>>, vector<16xf32>,
      tpu.vector_store %arg12[%parallel_loop3A_215, %parallel_loop3A_216], %parallel_loop3A_199 {strides = array<i32>} : memref<4x2048xf32, #tpu.memory_space<vmem>>, vector<16xf32>,
      %parallel_loop3A_218 = arith.constant 16 : i32
      %parallel_loop3A_219 = arith.muli %parallel_loop3A_189, %parallel_loop3A_218 : i32
      %parallel_loop3A_220 = arith.constant 2 : i32
      %parallel_loop3A_221 = arith.index_cast %parallel_loop3A_220 : i32 to index
      %parallel_loop3A_222 = arith.index_cast %parallel_loop3A_219 : i32 to index
      %parallel_loop3A_223 = tpu.vector_load %arg12[%parallel_loop3A_221, %parallel_loop3A_222] {strides = array<i32>} : memref<4x2048xf32, #tpu.memory_space<vmem>>, vector<16xf32>,
      tpu.vector_store %arg12[%parallel_loop3A_221, %parallel_loop3A_222], %parallel_loop3A_202 {strides = array<i32>} : memref<4x2048xf32, #tpu.memory_space<vmem>>, vector<16xf32>,
      %parallel_loop3A_224 = arith.constant 16 : i32
      %parallel_loop3A_225 = arith.muli %parallel_loop3A_189, %parallel_loop3A_224 : i32
      %parallel_loop3A_226 = arith.constant 3 : i32
      %parallel_loop3A_227 = arith.index_cast %parallel_loop3A_226 : i32 to index
      %parallel_loop3A_228 = arith.index_cast %parallel_loop3A_225 : i32 to index
      %parallel_loop3A_229 = tpu.vector_load %arg12[%parallel_loop3A_227, %parallel_loop3A_228] {strides = array<i32>} : memref<4x2048xf32, #tpu.memory_space<vmem>>, vector<16xf32>,
      tpu.vector_store %arg12[%parallel_loop3A_227, %parallel_loop3A_228], %parallel_loop3A_205 {strides = array<i32>} : memref<4x2048xf32, #tpu.memory_space<vmem>>, vector<16xf32>,
    } {sc.loop_unroll_factor = 2 : i64, sc.parallel_access}
    %add3A_150 = arith.constant 248 : i32
    %add3A_151 = arith.addi %mul3A_2, %add3A_150 : i32
    %dma_start3A_152 = arith.constant 0 : i32
    %dma_start3A_153 = tpu.memref_slice %arg4[%add3A_151, %dma_start3A_152] : memref<8192x2048xf32, #tpu.memory_space<hbm>> -> memref<4x2048xf32, #tpu.memory_space<hbm>>
    %dma_start3A_154 = arith.constant 0 : i32
    %dma_start3A_155 = tpu.memref_slice %arg4[%add3A_151, %dma_start3A_154] : memref<8192x2048xf32, #tpu.memory_space<hbm>> -> memref<4x2048xf32, #tpu.memory_space<hbm>>
    tpu.enqueue_dma source(%arg12 : memref<4x2048xf32, #tpu.memory_space<vmem>>) target(%dma_start3A_155 : memref<4x2048xf32, #tpu.memory_space<hbm>>) target_semaphore(%arg20 : memref<!tpu.dma_semaphore, #tpu.memory_space<semaphore_mem>>)
    %dma_wait3A_156 = arith.constant 0 : i32
    %dma_wait3A_157 = tpu.memref_slice %arg2[%mul3A_2, %dma_wait3A_156] : memref<8192x2048xf32, #tpu.memory_space<hbm>> -> memref<4x2048xf32, #tpu.memory_space<hbm>>
    %dma_wait3A_158 = arith.constant 0 : i32
    %dma_wait3A_159 = tpu.memref_slice %arg2[%mul3A_2, %dma_wait3A_158] : memref<8192x2048xf32, #tpu.memory_space<hbm>> -> memref<4x2048xf32, #tpu.memory_space<hbm>>
    tpu.wait_dma2 semaphore(%arg17 : memref<!tpu.dma_semaphore, #tpu.memory_space<semaphore_mem>>) src(%dma_wait3A_159 : memref<4x2048xf32, #tpu.memory_space<hbm>>) dst(%arg9 : memref<4x2048xf32, #tpu.memory_space<vmem>>)
    %dma_wait3A_160 = arith.constant 0 : i32
    %dma_wait3A_161 = tpu.memref_slice %arg4[%mul3A_2, %dma_wait3A_160] : memref<8192x2048xf32, #tpu.memory_space<hbm>> -> memref<4x2048xf32, #tpu.memory_space<hbm>>
    %dma_wait3A_162 = arith.constant 0 : i32
    %dma_wait3A_163 = tpu.memref_slice %arg4[%mul3A_2, %dma_wait3A_162] : memref<8192x2048xf32, #tpu.memory_space<hbm>> -> memref<4x2048xf32, #tpu.memory_space<hbm>>
    tpu.wait_dma2 semaphore(%arg21 : memref<!tpu.dma_semaphore, #tpu.memory_space<semaphore_mem>>) src(%arg13 : memref<4x2048xf32, #tpu.memory_space<vmem>>) dst(%dma_wait3A_163 : memref<4x2048xf32, #tpu.memory_space<hbm>>)
    %parallel_loop3A_164 = arith.constant 0 : i32
    %parallel_loop3A_165 = arith.constant 128 : i32
    %parallel_loop3A_166 = arith.constant 1 : i32
    scf.for %parallel_loop3A_189 = %parallel_loop3A_164 to %parallel_loop3A_165 step %parallel_loop3A_166  : i32 {
      %parallel_loop3A_190 = arith.constant 16 : i32
      %parallel_loop3A_191 = arith.muli %parallel_loop3A_189, %parallel_loop3A_190 : i32
      %parallel_loop3A_192 = arith.index_cast %parallel_loop3A_191 : i32 to index
      %parallel_loop3A_193 = tpu.vector_load %arg5[%parallel_loop3A_192] {strides = array<i32>} : memref<2048xi32, #tpu.memory_space<vmem>>, vector<16xi32>,
      %parallel_loop3A_194 = arith.constant 0 : i32
      %parallel_loop3A_195 = vector.broadcast %parallel_loop3A_194 : i32 to vector<16xi32>
      %parallel_loop3A_196 = tpu.vector_load_idx %arg9[%parallel_loop3A_195, %parallel_loop3A_193] : memref<4x2048xf32, #tpu.memory_space<vmem>>[vector<16xi32>, vector<16xi32>], vector<16xf32>,
      %parallel_loop3A_197 = arith.constant 1 : i32
      %parallel_loop3A_198 = vector.broadcast %parallel_loop3A_197 : i32 to vector<16xi32>
      %parallel_loop3A_199 = tpu.vector_load_idx %arg9[%parallel_loop3A_198, %parallel_loop3A_193] : memref<4x2048xf32, #tpu.memory_space<vmem>>[vector<16xi32>, vector<16xi32>], vector<16xf32>,
      %parallel_loop3A_200 = arith.constant 2 : i32
      %parallel_loop3A_201 = vector.broadcast %parallel_loop3A_200 : i32 to vector<16xi32>
      %parallel_loop3A_202 = tpu.vector_load_idx %arg9[%parallel_loop3A_201, %parallel_loop3A_193] : memref<4x2048xf32, #tpu.memory_space<vmem>>[vector<16xi32>, vector<16xi32>], vector<16xf32>,
      %parallel_loop3A_203 = arith.constant 3 : i32
      %parallel_loop3A_204 = vector.broadcast %parallel_loop3A_203 : i32 to vector<16xi32>
      %parallel_loop3A_205 = tpu.vector_load_idx %arg9[%parallel_loop3A_204, %parallel_loop3A_193] : memref<4x2048xf32, #tpu.memory_space<vmem>>[vector<16xi32>, vector<16xi32>], vector<16xf32>,
      %parallel_loop3A_206 = arith.constant 16 : i32
      %parallel_loop3A_207 = arith.muli %parallel_loop3A_189, %parallel_loop3A_206 : i32
      %parallel_loop3A_208 = arith.constant 0 : i32
      %parallel_loop3A_209 = arith.index_cast %parallel_loop3A_208 : i32 to index
      %parallel_loop3A_210 = arith.index_cast %parallel_loop3A_207 : i32 to index
      %parallel_loop3A_211 = tpu.vector_load %arg13[%parallel_loop3A_209, %parallel_loop3A_210] {strides = array<i32>} : memref<4x2048xf32, #tpu.memory_space<vmem>>, vector<16xf32>,
      tpu.vector_store %arg13[%parallel_loop3A_209, %parallel_loop3A_210], %parallel_loop3A_196 {strides = array<i32>} : memref<4x2048xf32, #tpu.memory_space<vmem>>, vector<16xf32>,
      %parallel_loop3A_212 = arith.constant 16 : i32
      %parallel_loop3A_213 = arith.muli %parallel_loop3A_189, %parallel_loop3A_212 : i32
      %parallel_loop3A_214 = arith.constant 1 : i32
      %parallel_loop3A_215 = arith.index_cast %parallel_loop3A_214 : i32 to index
      %parallel_loop3A_216 = arith.index_cast %parallel_loop3A_213 : i32 to index
      %parallel_loop3A_217 = tpu.vector_load %arg13[%parallel_loop3A_215, %parallel_loop3A_216] {strides = array<i32>} : memref<4x2048xf32, #tpu.memory_space<vmem>>, vector<16xf32>,
      tpu.vector_store %arg13[%parallel_loop3A_215, %parallel_loop3A_216], %parallel_loop3A_199 {strides = array<i32>} : memref<4x2048xf32, #tpu.memory_space<vmem>>, vector<16xf32>,
      %parallel_loop3A_218 = arith.constant 16 : i32
      %parallel_loop3A_219 = arith.muli %parallel_loop3A_189, %parallel_loop3A_218 : i32
      %parallel_loop3A_220 = arith.constant 2 : i32
      %parallel_loop3A_221 = arith.index_cast %parallel_loop3A_220 : i32 to index
      %parallel_loop3A_222 = arith.index_cast %parallel_loop3A_219 : i32 to index
      %parallel_loop3A_223 = tpu.vector_load %arg13[%parallel_loop3A_221, %parallel_loop3A_222] {strides = array<i32>} : memref<4x2048xf32, #tpu.memory_space<vmem>>, vector<16xf32>,
      tpu.vector_store %arg13[%parallel_loop3A_221, %parallel_loop3A_222], %parallel_loop3A_202 {strides = array<i32>} : memref<4x2048xf32, #tpu.memory_space<vmem>>, vector<16xf32>,
      %parallel_loop3A_224 = arith.constant 16 : i32
      %parallel_loop3A_225 = arith.muli %parallel_loop3A_189, %parallel_loop3A_224 : i32
      %parallel_loop3A_226 = arith.constant 3 : i32
      %parallel_loop3A_227 = arith.index_cast %parallel_loop3A_226 : i32 to index
      %parallel_loop3A_228 = arith.index_cast %parallel_loop3A_225 : i32 to index
      %parallel_loop3A_229 = tpu.vector_load %arg13[%parallel_loop3A_227, %parallel_loop3A_228] {strides = array<i32>} : memref<4x2048xf32, #tpu.memory_space<vmem>>, vector<16xf32>,
      tpu.vector_store %arg13[%parallel_loop3A_227, %parallel_loop3A_228], %parallel_loop3A_205 {strides = array<i32>} : memref<4x2048xf32, #tpu.memory_space<vmem>>, vector<16xf32>,
    } {sc.loop_unroll_factor = 2 : i64, sc.parallel_access}
    %add3A_167 = arith.constant 252 : i32
    %add3A_168 = arith.addi %mul3A_2, %add3A_167 : i32
    %dma_start3A_169 = arith.constant 0 : i32
    %dma_start3A_170 = tpu.memref_slice %arg4[%add3A_168, %dma_start3A_169] : memref<8192x2048xf32, #tpu.memory_space<hbm>> -> memref<4x2048xf32, #tpu.memory_space<hbm>>
    %dma_start3A_171 = arith.constant 0 : i32
    %dma_start3A_172 = tpu.memref_slice %arg4[%add3A_168, %dma_start3A_171] : memref<8192x2048xf32, #tpu.memory_space<hbm>> -> memref<4x2048xf32, #tpu.memory_space<hbm>>
    tpu.enqueue_dma source(%arg13 : memref<4x2048xf32, #tpu.memory_space<vmem>>) target(%dma_start3A_172 : memref<4x2048xf32, #tpu.memory_space<hbm>>) target_semaphore(%arg21 : memref<!tpu.dma_semaphore, #tpu.memory_space<semaphore_mem>>)
    %dma_wait3A_173 = arith.constant 0 : i32
    %dma_wait3A_174 = tpu.memref_slice %arg4[%mul3A_2, %dma_wait3A_173] : memref<8192x2048xf32, #tpu.memory_space<hbm>> -> memref<4x2048xf32, #tpu.memory_space<hbm>>
    %dma_wait3A_175 = arith.constant 0 : i32
    %dma_wait3A_176 = tpu.memref_slice %arg4[%mul3A_2, %dma_wait3A_175] : memref<8192x2048xf32, #tpu.memory_space<hbm>> -> memref<4x2048xf32, #tpu.memory_space<hbm>>
    tpu.wait_dma2 semaphore(%arg18 : memref<!tpu.dma_semaphore, #tpu.memory_space<semaphore_mem>>) src(%arg10 : memref<4x2048xf32, #tpu.memory_space<vmem>>) dst(%dma_wait3A_176 : memref<4x2048xf32, #tpu.memory_space<hbm>>)
    %dma_wait3A_177 = arith.constant 0 : i32
    %dma_wait3A_178 = tpu.memref_slice %arg4[%mul3A_2, %dma_wait3A_177] : memref<8192x2048xf32, #tpu.memory_space<hbm>> -> memref<4x2048xf32, #tpu.memory_space<hbm>>
    %dma_wait3A_179 = arith.constant 0 : i32
    %dma_wait3A_180 = tpu.memref_slice %arg4[%mul3A_2, %dma_wait3A_179] : memref<8192x2048xf32, #tpu.memory_space<hbm>> -> memref<4x2048xf32, #tpu.memory_space<hbm>>
    tpu.wait_dma2 semaphore(%arg19 : memref<!tpu.dma_semaphore, #tpu.memory_space<semaphore_mem>>) src(%arg11 : memref<4x2048xf32, #tpu.memory_space<vmem>>) dst(%dma_wait3A_180 : memref<4x2048xf32, #tpu.memory_space<hbm>>)
    %dma_wait3A_181 = arith.constant 0 : i32
    %dma_wait3A_182 = tpu.memref_slice %arg4[%mul3A_2, %dma_wait3A_181] : memref<8192x2048xf32, #tpu.memory_space<hbm>> -> memref<4x2048xf32, #tpu.memory_space<hbm>>
    %dma_wait3A_183 = arith.constant 0 : i32
    %dma_wait3A_184 = tpu.memref_slice %arg4[%mul3A_2, %dma_wait3A_183] : memref<8192x2048xf32, #tpu.memory_space<hbm>> -> memref<4x2048xf32, #tpu.memory_space<hbm>>
    tpu.wait_dma2 semaphore(%arg20 : memref<!tpu.dma_semaphore, #tpu.memory_space<semaphore_mem>>) src(%arg12 : memref<4x2048xf32, #tpu.memory_space<vmem>>) dst(%dma_wait3A_184 : memref<4x2048xf32, #tpu.memory_space<hbm>>)
    %dma_wait3A_185 = arith.constant 0 : i32
    %dma_wait3A_186 = tpu.memref_slice %arg4[%mul3A_2, %dma_wait3A_185] : memref<8192x2048xf32, #tpu.memory_space<hbm>> -> memref<4x2048xf32, #tpu.memory_space<hbm>>
    %dma_wait3A_187 = arith.constant 0 : i32
    %dma_wait3A_188 = tpu.memref_slice %arg4[%mul3A_2, %dma_wait3A_187] : memref<8192x2048xf32, #tpu.memory_space<hbm>> -> memref<4x2048xf32, #tpu.memory_space<hbm>>
    tpu.wait_dma2 semaphore(%arg21 : memref<!tpu.dma_semaphore, #tpu.memory_space<semaphore_mem>>) src(%arg13 : memref<4x2048xf32, #tpu.memory_space<vmem>>) dst(%dma_wait3A_188 : memref<4x2048xf32, #tpu.memory_space<hbm>>)
    return
  }
}

</mosaic_0001>

<sc_bundles>
// kernel: kernel.3.cloned.1.call-start
scs
__scs_entry_jumppad:
0x0: {  	(pc) =	sbr.rel $0x88, $3  }
0x1: {  	(tag) =	ssettag $0x0;
	lr =	simm.s32 $0x1  }
0x2: {  	[smem:$0x3F9F] =	sst lr;
	_ =	strace $0xD0000000  }
0x3: {  	_ = 	snop  }
0x4: {  	_ = 	snop  }
0x5: {  	_ = 	snop  }
0x6: {  	_ = 	snop  }
0x7: {  	_ = 	snop  }
__scs_overlays_trampoline_lowered:
0x8: {  	[smem:$0x3FAE] =	sst s0  }
0x9: {  	[smem:$0x3FAF] =	sst s1  }
0xa: {  	[smem:$0x3FB0] =	sst s2  }
0xb: {  	[smem:$0x3FB1] =	sst s3  }
0xc: {  	[smem:$0x3FB2] =	sst s4  }
0xd: {  	[smem:$0x3FB3] =	sst s5  }
0xe: {  	[smem:$0x3FB4] =	sst s6  }
0xf: {  	[smem:$0x3FB5] =	sst s7  }
0x10: {  	[smem:$0x3FB6] =	sst s8  }
0x11: {  	[smem:$0x3FB7] =	sst s9;
	s0 =	simm.s32 @!p0 $0x0  }
0x12: {  	s1 =	sld [smem:$0x3F9D];
	s0 =	simm.s32 @p0 $0x1  }
0x13: {  	[smem:$0x3FB8] =	sst s0;
	s0 =	simm.s32 @!p1 $0x0  }
0x14: {  	s2 =	sld [smem:$0x3F9C];
	s0 =	simm.s32 @p1 $0x1  }
0x15: {  	[smem:$0x3FB9] =	sst s0;
	s0 =	simm.s32 @!p2 $0x0  }
0x16: {  	s3 =	sld [smem:$0x3FDB];
	s0 =	simm.s32 @p2 $0x1  }
0x17: {  	s4 =	simm.s32 $0x1BF5;
	[smem:$0x3FBB] =	sst s0  }
0x18: {  	s0 =	sld [smem:$0x3F9E];
	_ =	swait.ge [sflag:s4], $0x0  }
0x19: {  	s7 =	sld [smem:$0x3F9F]  }
0x1a: {  	s8 =	sadd.s32 $0xFFFFE003, lr  }
0x1b: {  	s9 =	sadd.s32 $0xFFFFFEF7, lr;
	s5 =	simm.s32 $0xFFFFFFFF;
	p2 =	slt.u32 s8, $0xFFFFF086  }
0x1c: {  	p1 =	slt.u32 s9, $0xF7A;
	s5 =	simm.s32 @!p2 $0x0  }
0x1d: {  	s5 =	simm.s32 @p1 $0x1;
	p0 =	seq.s32 s7, s2  }
0x1e: {  	s7 =	smul.u32 @!p0 $0xF7A, s2;
	p2 =	seq.s32 @!p0 s5, $0x0  }
0x1f: {  	s9 =	smul.u32 $0xF7A, s1;
	s8 =	simm.s32 @!p0 $0x1BF5;
	p2 =	por !p2, p0  }
0x20: {  	[sflag:s8] =	ssyncset.s32 @!p0 $0xFFFFF086;
	s6 =	sadd.s32 @!p0 s3, s7;
	s7 =	simm.s32 @!p0 $0x108  }
0x21: {  	s3 =	sadd.s32 s3, s9;
	s6 =	sadd.s32 @!p0 $0x88, s6;
	s7 =	simm.s32 @p2 $0x1082  }
0x22: {  	[simem:s7], [sflag:s8] =	dma.local @!p0 [hbm:s6], $0xF7A  }
0x23: {  	s9 =	sor.u32 $0xD0000000, s2;
	s6 =	simm.s32 $0x108;
	_ =	swait.ge @!p0 [sflag:s8], $0x0  }
0x24: {  	s3 =	sadd.s32 $0x88, s3;
	s6 =	simm.s32 @!p1 $0x1082;
	[sflag:s4] =	ssyncset.s32 $0xFFFFF086  }
0x25: {  	[simem:s6], [sflag:s4] =	dma.local [hbm:s3], $0xF7A  }
0x26: {  	[smem:$0x3F9F] =	sst s1;
	(tag) =	ssettag s2;
	_ =	strace s9  }
0x27: {  	s1 =	sld [smem:$0x3FAF]  }
0x28: {  	s2 =	sld [smem:$0x3FB0]  }
0x29: {  	s4 =	sld [smem:$0x3FB2]  }
0x2a: {  	p0 =	seq.s32 s5, $0x0;
	s5 =	sld [smem:$0x3FB3]  }
0x2b: {  	s6 =	sld [smem:$0x3FB4]  }
0x2c: {  	s7 =	sld [smem:$0x3FB5]  }
0x2d: {  	s3 =	simm.s32 $0x108;
	s8 =	sld [smem:$0x3FB6]  }
0x2e: {  	s3 =	simm.s32 @!p0 $0x1082;
	s9 =	sld [smem:$0x3FB7]  }
0x2f: {  	lr =	sadd.s32 s0, s3;
	s0 =	sld [smem:$0x3FAE]  }
0x30: {  	s3 =	sld [smem:$0x3FB1]  }
0x31: {  	[smem:$0x3FBA] =	sst s10  }
0x32: {  	s10 =	sld [smem:$0x3FB8];
	_ =	sdelay $0x3  }
0x33: {  	p0 =	seq.s32 s10, $0x1;
	s10 =	sld [smem:$0x3FBA];
	_ =	sdelay $0x3  }
0x34: {  	[smem:$0x3FBA] =	sst s10  }
0x35: {  	s10 =	sld [smem:$0x3FB9];
	_ =	sdelay $0x3  }
0x36: {  	p1 =	seq.s32 s10, $0x1;
	s10 =	sld [smem:$0x3FBA];
	_ =	sdelay $0x3  }
0x37: {  	[smem:$0x3FBA] =	sst s10  }
0x38: {  	s10 =	sld [smem:$0x3FBB]  }
0x39: {  	_ = 	snop;
	(pc) =	sbr.ind lr, $3  }
0x3a: {  	_ = 	snop  }
0x3b: {  	_ = 	snop  }
0x3c: {  	p2 =	seq.s32 s10, $0x1;
	s10 =	sld [smem:$0x3FBA]  }
0x3d: {  	_ =	shalt  }
0x3e: {  	_ =	shalt  }
0x3f: {  	_ =	shalt  }
0x40: {  	_ =	shalt  }
0x41: {  	_ =	shalt  }
0x42: {  	_ =	shalt  }
0x43: {  	_ =	shalt  }
0x44: {  	_ =	shalt  }
0x45: {  	_ =	shalt  }
0x46: {  	_ =	shalt  }
0x47: {  	_ =	shalt  }
0x48: {  	_ =	shalt  }
0x49: {  	_ =	shalt  }
0x4a: {  	_ =	shalt  }
0x4b: {  	_ =	shalt  }
0x4c: {  	_ =	shalt  }
0x4d: {  	_ =	shalt  }
0x4e: {  	_ =	shalt  }
0x4f: {  	_ =	shalt  }
0x50: {  	_ =	shalt  }
0x51: {  	_ =	shalt  }
0x52: {  	_ =	shalt  }
0x53: {  	_ =	shalt  }
0x54: {  	_ =	shalt  }
0x55: {  	_ =	shalt  }
0x56: {  	_ =	shalt  }
0x57: {  	_ =	shalt  }
0x58: {  	_ =	shalt  }
0x59: {  	_ =	shalt  }
0x5a: {  	_ =	shalt  }
0x5b: {  	_ =	shalt  }
0x5c: {  	_ =	shalt  }
0x5d: {  	_ =	shalt  }
0x5e: {  	_ =	shalt  }
0x5f: {  	_ =	shalt  }
0x60: {  	_ =	shalt  }
0x61: {  	_ =	shalt  }
0x62: {  	_ =	shalt  }
0x63: {  	_ =	shalt  }
0x64: {  	_ =	shalt  }
0x65: {  	_ =	shalt  }
0x66: {  	_ =	shalt  }
0x67: {  	_ =	shalt  }
0x68: {  	_ =	shalt  }
0x69: {  	_ =	shalt  }
0x6a: {  	_ =	shalt  }
0x6b: {  	_ =	shalt  }
0x6c: {  	_ =	shalt  }
0x6d: {  	_ =	shalt  }
0x6e: {  	_ =	shalt  }
0x6f: {  	_ =	shalt  }
0x70: {  	_ =	shalt  }
0x71: {  	_ =	shalt  }
0x72: {  	_ =	shalt  }
0x73: {  	_ =	shalt  }
0x74: {  	_ =	shalt  }
0x75: {  	_ =	shalt  }
0x76: {  	_ =	shalt  }
0x77: {  	_ =	shalt  }
0x78: {  	_ =	shalt  }
0x79: {  	_ =	shalt  }
0x7a: {  	_ =	shalt  }
0x7b: {  	_ =	shalt  }
0x7c: {  	_ =	shalt  }
0x7d: {  	_ =	shalt  }
0x7e: {  	_ =	shalt  }
0x7f: {  	_ =	shalt  }
0x80: {  	_ =	shalt  }
0x81: {  	_ =	shalt  }
0x82: {  	_ =	shalt  }
0x83: {  	_ =	shalt  }
0x84: {  	_ =	shalt  }
0x85: {  	_ =	shalt  }
0x86: {  	_ =	shalt  }
0x87: {  	_ =	shalt  }
.Lfunc_end0:
.L_simem_size_0:
called_computation_lowered:
.L_overlay_start_0:
0x88: {  	s2 =	sld [smem:$0x3FD9]  }
0x89: {  	s3 =	sld [smem:$0x3FFE];
	_ =	sdelay $0x1  }
0x8a: {  	s1 =	srdreg.scid  }
0x8b: {  	s0 =	sand.u32 $0x1, s1  }
0x8c: {  	s18 =	sshll.u32 s0, $0xA;
	s2 =	sadd.s32 s3, s2  }
0x8d: {  	s2 =	sadd.s32 s2, s18  }
0x8e: {  	[smem:$0x3FC6] =	sst s2  }
0x8f: {  	_ = 	snop  }
0x90: {  	s2 =	sld [smem:$0x3FC9]  }
0x91: {  	s19 =	sld [smem:$0x3FC8]  }
0x92: {  	s4 =	sld [smem:$0x3FD0];
	(tm) =	ssettm $0x1  }
0x93: {  	s5 =	sld [smem:$0x3FFB];
	_ =	sdelay $0x3  }
0x94: {  	_ =	strace s5  }
0x95: {  	s5 =	sld [smem:$0x3FFC];
	_ =	sdelay $0x3  }
0x96: {  	_ =	strace s5  }
0x97: {  	s5 =	sld [smem:$0x3FFD];
	_ =	sdelay $0x3  }
0x98: {  	_ =	strace s5  }
0x99: {  	_ =	strace $0x8FFFFFFF  }
0x9a: {  	s20 =	sld [smem:$0x3FDB];
	_ =	sdelay $0x1  }
0x9b: {  	s6 =	simm.s32 $_scs_section_size  }
0x9c: {  	s7 =	simm.s32 $_size__tile_overlayer_lowered;
	s8 =	simm.s32 $_tile_overlayer_lowered  }
0x9d: {  	s23 =	simm.s32 $0x1BFF;
	s22 =	sshll.u32 s8, $0x1;
	s5 =	sadd.s32 s6, s20  }
0x9e: {  	s9 =	simm.s32 $0x0;
	s21 =	sshll.u32 s7, $0x1;
	s7 =	sadd.s32 s22, s5  }
0x9f: {  	[timem:s9], [sflag:s23] =	dma.local [hbm:s7], s21  }
0xa0: {  	_ =	swait.ge [sflag:s23], s21  }
0xa1: {  	s6 =	ssub.s32 $0x0, s21;
	[sflag:s23] =	ssyncset.done $0x0  }
0xa2: {  	[sflag:s23] =	ssyncadd.s32 s6;
	_ =	sdelay $0x1  }
0xa3: {  	s24 =	simm.s32 $0x1B8B  }
0xa4: {  	_ =	swait.ge [sflag:s24], $0x1  }
0xa5: {  	[sflag:s24] =	ssyncset.done $0x0  }
0xa6: {  	s25 =	simm.s32 $0x1B8E;
	[sflag:s24] =	ssyncadd.s32 $0xFFFFFFFF  }
0xa7: {  	s26 =	simm.s32 $execute0_lowered;
	[smem:$0x3FD2] =	sst s25  }
0xa8: {  	s6 =	sshll.u32 s26, $0x1;
	_ =	strace $0x80000046;
	[dreg:$0x1] =	wrdreg $0xFFFFFFFF  }
0xa9: {  	s28 =	simm.s32 $_size_execute0_lowered;
	s5 =	sadd.s32 s5, s6;
	[dreg:$0x0] =	wrdreg $0x0  }
0xaa: {  	s6 =	sshll.u32 s28, $0x1;
	[dreg:$0x2] =	wrdreg s5  }
0xab: {  	[dreg:$0x3] =	wrdreg s6  }
0xac: {  	[dreg:$0x4] =	wrdreg $0xC0  }
0xad: {  	_ =	task [dreg:s9], $0x5FFFF  }
0xae: {  	[dreg:$0x1] =	wrdreg $0xFFFFFFFF  }
0xaf: {  	[dreg:$0x0] =	wrdreg $0x60  }
0xb0: {  	[dreg:$0x2] =	wrdreg s2  }
0xb1: {  	[dreg:$0x3] =	wrdreg s19  }
0xb2: {  	[dreg:$0x4] =	wrdreg s4  }
0xb3: {  	[dreg:$0x5] =	wrdreg $0x9  }
0xb4: {  	_ =	task.clear_ibuf [dreg:s9], $0x6FFFF;
	_ =	strace $0x90000046  }
0xb5: {  	s29 =	simm.s32 $0x9;
	_ =	strace $0x80000048  }
0xb6: {  	_ =	swait.ge [sflag:s29], $0x1  }
0xb7: {  	[sflag:s29] =	ssyncadd.s32 $0xFFFFFFFF  }
0xb8: {  	_ =	strace $0x90000048  }
0xb9: {  	_ =	sfence  }
0xba: {  	s30 =	sld [smem:$0x0];
	_ =	sdelay $0x2  }
0xbb: {  	s31 =	sshll.u32 s1, $0xD;
	s1 =	sshrl.u32 s1, $0x2  }
0xbc: {  	s3 =	sand.u32 $0x4000, s31;
	s1 =	sadd.s32 s1, s30  }
0xbd: {  	s0 =	sor.u32 s3, s0;
	s1 =	sshll.u32 s1, $0x11  }
0xbe: {  	s0 =	sor.u32 s1, s0  }
0xbf: {  	s0 =	sadd.s32 $0x8F2B, s0  }
0xc0: {  	[sflag:s0] =	ssyncadd.remote.s32 $0x1  }
0xc1: {  	_ =	sfence.sel $0xFFFF  }
0xc2: {  	[dreg:$0x0] =	wrdreg $0xFFFFFFFF;
	(pc) =	sbr.abs _section_cstart, $3  }
0xc3: {  	[dreg:$0x1] =	wrdreg $0xFFFFFFFF  }
0xc4: {  	_ =	task.clear_ibuf [dreg:s9], $0x2FFFF;
	_ =	strace $0x9FFFFFFF  }
0xc5: {  	(tm) =	ssettm $0x7FFFFFFF  }
tec
execute0_lowered:
.L_overlay_start_1:
0x0: {  	(tag) =	ssettag $0x1  }
0x1: {  	s4 =	rddreg [dreg:$0x0];
	s0 =	srdreg.scid  }
0x2: {  	s5 =	rddreg [dreg:$0x2];
	s1 =	stileid.u32;
	s0 =	sand.u32 $0x1, s0  }
0x3: {  	s3 =	simm.s32 $0x0;
	s1 =	sshll.u32 s1, $0x9;
	s2 =	sshll.u32 s0, $0x8  }
0x4: {  	[smem:$0x7FF] =	sst s3;
	s0 =	ssub.s32 $0x2, s0;
	s6 =	sor.u32 s2, s1  }
0x5: {  	_ =	strace $0x80000047;
	s7 =	sshll.u32 s6, $0x8;
	[dreg:$0x4] =	wrdreg s6  }
0x6: {  	s10 =	sshrl.u32 s0, $0x1;
	s22 =	sor.u32 $0x10, s6;
	[dreg:$0x5] =	wrdreg s7  }
0x7: {  	s0 =	ssub.s32 s0, s10;
	s23 =	sor.u32 $0x18, s6;
	[dreg:$0x12] =	wrdreg s22  }
0x8: {  	s8 =	sadd.s32 s4, s7;
	s11 =	sor.u32 $0x40, s7;
	[dreg:$0x13] =	wrdreg s23  }
0x9: {  	s13 =	sor.u32 $0x800, s7;
	s0 =	smax.u32 s0, $0x1;
	[dreg:$0x6] =	wrdreg s8  }
0xa: {  	s14 =	sor.u32 $0x840, s7;
	s7 =	sadd.s32 s5, s7;
	[dreg:$0x15] =	wrdreg s0  }
0xb: {  	s12 =	sadd.s32 s4, s11;
	[dreg:$0xa] =	wrdreg s7  }
0xc: {  	s9 =	sadd.s32 s4, s13;
	[dreg:$0x7] =	wrdreg s12  }
0xd: {  	s15 =	sadd.s32 s4, s14;
	[dreg:$0x8] =	wrdreg s9  }
0xe: {  	s16 =	sadd.s32 $0x1000, s8;
	[dreg:$0x9] =	wrdreg s15  }
0xf: {  	s1 =	sadd.s32 s5, s11;
	[dreg:$0xb] =	wrdreg s16  }
0x10: {  	s17 =	sadd.s32 $0x1040, s8;
	[dreg:$0xc] =	wrdreg s1  }
0x11: {  	s30 =	simm.s32 $0x200;
	s18 =	sadd.s32 s5, s13;
	[dreg:$0xd] =	wrdreg s17  }
0x12: {  	s31 =	simm.s32 $0x400;
	s19 =	sadd.s32 $0x1800, s8;
	[dreg:$0xe] =	wrdreg s18  }
0x13: {  	s28 =	simm.s32 $0x8;
	s20 =	sadd.s32 s5, s14;
	[dreg:$0xf] =	wrdreg s19  }
0x14: {  	s3 =	simm.s32 $0x4800;
	s21 =	sadd.s32 $0x1840, s8;
	[dreg:$0x10] =	wrdreg s20  }
0x15: {  	s2 =	simm.s32 $0x2800;
	s24 =	sadd.s32 $0xF000, s7;
	[dreg:$0x11] =	wrdreg s21  }
0x16: {  	s22 =	sadd.s32 $0x40, s4;
	s25 =	sadd.s32 $0xF040, s7;
	[dreg:$0x14] =	wrdreg s24  }
0x17: {  	s26 =	sadd.s32 $0xF800, s7;
	s29 =	sadd.s32 $0xF840, s7;
	[dreg:$0x16] =	wrdreg s25  }
0x18: {  	s0 =	simm.s32 $0x800;
	s4 =	simm.s32 $0x0;
	[dreg:$0x17] =	wrdreg s26  }
0x19: {  	s21 =	sadd.s32 $0x40, s5;
	[dreg:$0x18] =	wrdreg s29;
	s9 =	simm.s32 $0x6800  }
.LBB2_1:
0x1a: {  	[dreg:$0x19] =	wrdreg s4  }
0x1b: {  	s1 =	rddreg [dreg:$0x6]  }
0x1c: {  	[tilespmem:s0], [sflag:$0x1] =	stream.strided.gather [hbm4b:s1+s30], $0x2000, s31, s30, $0x38;
	[tilespmem:$0x10800] =	vst v63  }
0x1d: {  	s20 =	rddreg [dreg:$0x7]  }
0x1e: {  	[tilespmem:s2], [sflag:$0x2] =	stream.strided.gather [hbm4b:s20+s30], $0x2000, s31, s30, $0x38;
	[tilespmem:$0x10800] =	vst v63  }
0x1f: {  	s23 =	rddreg [dreg:$0x8]  }
0x20: {  	[tilespmem:s3], [sflag:$0x3] =	stream.strided.gather [hbm4b:s23+s30], $0x2000, s31, s30, $0x38;
	[tilespmem:$0x10800] =	vst v63  }
0x21: {  	s24 =	rddreg [dreg:$0x9]  }
0x22: {  	[tilespmem:s9], [sflag:$0x4] =	stream.strided.gather [hbm4b:s24+s30], $0x2000, s31, s30, $0x38;
	[tilespmem:$0x10800] =	vst v63  }
0x23: {  	s25 =	rddreg [dreg:$0x1];
	s11 =	simm.s32 $0x0;
	s26 =	simm.s32 $0x9  }
0x24: {  	[tilespmem:s11], [sflag:$0x9] =	stream.linear.gather [hbm4b:s25+s11], $0x800, $0x38;
	[tilespmem:$0x10800] =	vst v63  }
0x25: {  	_ =	swait.ge [sflag:s26], $0x800  }
0x26: {  	[sflag:s26] =	ssyncset.done $0x0  }
0x27: {  	s5 =	simm.s32 $0x1;
	[sflag:s26] =	ssyncadd.s32 $0xFFFFF800  }
0x28: {  	s29 =	sand.u32 $0x60, s11;
	_ =	swait.ge [sflag:s5], $0x2000  }
0x29: {  	s14 =	sand.u32 $0x780, s11;
	s8 =	sor.u32 $0x10, s29;
	[sflag:s5] =	ssyncset.done $0x0  }
0x2a: {  	s4 =	sor.u32 s8, s14;
	[sflag:s5] =	ssyncadd.s32 $0xFFFFE000  }
0x2b: {  	v0 =	vld [tilespmem:s4+$0x0]  }
0x2c: {  	s15 =	simm.s32 $0x20  }
0x2d: {  	s6 =	sand.u32 $0x60, s15  }
0x2e: {  	s7 =	sor.u32 $0x10, s6;
	s4 =	sand.u32 $0x780, s15  }
0x2f: {  	s4 =	sor.u32 s7, s4  }
0x30: {  	v2 =	vld [tilespmem:s4+$0x0];
	v1 =	vshll.u32 v0, $0x2  }
0x31: {  	v0 =	vand.u32 $0x7F, v0;
	v1 =	vand.u32 $0xFFFFFE00, v1  }
0x32: {  	v0 =	vor.u32 v0, v1;
	_ =	sdelay $0x1  }
0x33: {  	s16 =	simm.s32 $0x0;
	s10 =	simm.s32 $0x40;
	v1 =	vor.u32 $0x80, v0  }
0x34: {  	s13 =	simm.s32 $0x60;
	s17 =	sand.u32 $0x1E00, s11;
	s5 =	sand.u32 $0x60, s10;
	v4 =	vshll.u32 v2, $0x2  }
0x35: {  	s12 =	sadd.s32 $0x8800, s17;
	s10 =	sand.u32 $0x780, s10;
	v5 =	vld [tilespmem:s16+$0x0];
	s4 =	sor.u32 $0x10, s5;
	v2 =	vand.u32 $0x7F, v2;
	v3 =	vor.u32 $0x100, v0;
	v4 =	vand.u32 $0xFFFFFE00, v4  }
0x36: {  	s14 =	sor.u32 s8, s12;
	s8 =	sand.u32 $0x60, s13;
	s10 =	sor.u32 s4, s10;
	v6 =	vor.u32 $0x180, v0;
	v7 =	vld.idx.msk [tilespmem:v0+s0+$0x0], $0xffff;
	v0 =	vor.u32 v2, v4  }
0x37: {  	s13 =	sand.u32 $0x780, s13;
	v8 =	vld [tilespmem:s10+$0x0];
	s10 =	sor.u32 $0x10, s8  }
0x38: {  	s13 =	sor.u32 s10, s13;
	v2 =	vld.idx.msk [tilespmem:v1+s0+$0x0], $0xffff;
	v1 =	vor.u32 $0x80, v0  }
0x39: {  	v15 =	vld [tilespmem:s13+$0x0];
	v4 =	vor.u32 $0x100, v0  }
0x3a: {  	v10 =	vshll.u32 v5, $0x2;
	v3 =	vld.idx.msk [tilespmem:v3+s0+$0x0], $0xffff  }
0x3b: {  	s19 =	simm.s32 $0x20;
	v5 =	vand.u32 $0x7F, v5;
	v10 =	vand.u32 $0xFFFFFE00, v10;
	v9 =	vor.u32 $0x180, v0;
	v11 =	vld.idx.msk [tilespmem:v0+s0+$0x0], $0xffff  }
0x3c: {  	v10 =	vor.u32 v5, v10;
	v5 =	vand.u32 $0x7F, v8;
	v0 =	vshll.u32 v8, $0x2;
	v8 =	vld [tilespmem:s19+$0x0]  }
0x3d: {  	v12 =	vld.idx.msk [tilespmem:v1+s0+$0x0], $0xffff;
	v1 =	vor.u32 $0x80, v10  }
0x3e: {  	v13 =	vld.idx.msk [tilespmem:v4+s0+$0x0], $0xffff;
	v4 =	vor.u32 $0x100, v10;
	v0 =	vand.u32 $0xFFFFFE00, v0  }
0x3f: {  	s11 =	sand.u32 $0x3, s11;
	v6 =	vld.idx.msk [tilespmem:v6+s0+$0x0], $0xffff;
	v5 =	vor.u32 v5, v0  }
0x40: {  	s17 =	simm.s32 $0x1;
	s18 =	sshll.u32 s11, $0x5;
	v9 =	vld.idx.msk [tilespmem:v9+s0+$0x0], $0xffff;
	v14 =	vor.u32 $0x80, v5  }
0x41: {  	s17 =	sand.u32 $0x3, s17;
	s15 =	sadd.s32 $0x0, s18;
	s16 =	simm.s32 $0x80;
	[tilespmem:s14+$0x0] =	vst v7;
	v0 =	vld.idx.msk [tilespmem:v10+s0+$0x0], $0xffff;
	v7 =	vor.u32 $0x100, v5  }
0x42: {  	s1 =	sor.u32 s29, s12;
	s20 =	sadd.s32 $0x10, s15;
	s16 =	sand.u32 $0x1E00, s16;
	[tilespmem:s14+$0x80] =	vst v2;
	v16 =	vor.u32 $0x180, v5;
	v1 =	vld.idx.msk [tilespmem:v1+s0+$0x0], $0xffff  }
0x43: {  	s24 =	sshll.u32 s17, $0x5;
	s11 =	sor.u32 $0x180, s20;
	s23 =	sadd.s32 $0x8800, s16;
	[tilespmem:s14+$0x100] =	vst v3;
	v3 =	vshll.u32 v8, $0x2;
	v2 =	vld.idx.msk [tilespmem:v4+s0+$0x0], $0xffff  }
0x44: {  	s29 =	simm.s32 $0x40;
	s26 =	sadd.s32 $0x80, s24;
	s25 =	sor.u32 s7, s23;
	[tilespmem:s11+$0x8800] =	vst v6;
	v6 =	vand.u32 $0x7F, v8;
	v8 =	vand.u32 $0xFFFFFE00, v3;
	v3 =	vor.u32 $0x180, v10;
	v4 =	vld.idx.msk [tilespmem:v5+s0+$0x0], $0xffff  }
0x45: {  	s17 =	simm.s32 $0x100;
	s12 =	sor.u32 $0x180, s26;
	s15 =	sor.u32 $0x180, s15;
	[tilespmem:s25+$0x0] =	vst v11;
	v11 =	vor.u32 v6, v8;
	v5 =	vld.idx.msk [tilespmem:v14+s0+$0x0], $0xffff  }
0x46: {  	s7 =	simm.s32 $0x6;
	s13 =	sor.u32 s6, s23;
	s14 =	sadd.s32 $0x10, s26;
	[tilespmem:s25+$0x80] =	vst v12;
	v6 =	vld.idx.msk [tilespmem:v7+s0+$0x0], $0xffff;
	v10 =	vor.u32 $0x80, v11  }
0x47: {  	s6 =	simm.s32 $0x2;
	s19 =	sand.u32 $0x1E00, s17;
	s14 =	sor.u32 $0x180, s14;
	[tilespmem:s25+$0x100] =	vst v13;
	v12 =	vshll.u32 v15, $0x2;
	v13 =	vand.u32 $0x7F, v15;
	v8 =	vld.idx.msk [tilespmem:v16+s0+$0x0], $0xffff  }
0x48: {  	s19 =	sadd.s32 $0x8800, s19;
	s11 =	simm.s32 $0x80;
	[tilespmem:s14+$0x8800] =	vst v9;
	s14 =	sand.u32 $0x3, s6;
	v7 =	vor.u32 $0x100, v11;
	v9 =	vor.u32 $0x180, v11;
	v14 =	vand.u32 $0xFFFFFE00, v12;
	v12 =	vld [tilespmem:s29+$0x0]  }
.LBB2_2:
0x49: {  	s16 =	sand.u32 $0x60, s11;
	v13 =	vor.u32 v13, v14;
	s14 =	sshll.u32 s14, $0x5;
	s4 =	sor.u32 s4, s19;
	v14 =	vld.idx.msk [tilespmem:v3+s0+$0x0], $0xffff;
	[tilespmem:s1+$0x80] =	vst v1;
	v15 =	vmov v2;
	v3 =	vmov v9  }
0x4a: {  	s23 =	sand.u32 $0x780, s11;
	s20 =	sor.u32 $0x10, s16;
	v9 =	vor.u32 $0x80, v13;
	s14 =	sadd.s32 s14, s17;
	[tilespmem:s4+$0x0] =	vst v4;
	v16 =	vld.idx.msk [tilespmem:v11+s0+$0x0], $0xffff  }
0x4b: {  	s7 =	sadd.s32 $0x2, s7;
	v17 =	vor.u32 $0x100, v13;
	s23 =	sor.u32 s20, s23;
	[tilespmem:s4+$0x80] =	vst v5;
	s29 =	sadd.s32 $0x10, s14;
	v1 =	vld.idx.msk [tilespmem:v10+s0+$0x0], $0xffff  }
0x4c: {  	p0 =	slt.u32 s7, $0x7E;
	v19 =	vor.u32 $0x180, v13;
	s14 =	sor.u32 $0x180, s14;
	v18 =	vld [tilespmem:s23+$0x0];
	[tilespmem:s4+$0x100] =	vst v6;
	s4 =	sor.u32 $0x180, s29  }
0x4d: {  	s19 =	sor.u32 s5, s19;
	s5 =	smov.u32 s8;
	s8 =	smov.u32 s16;
	v6 =	vand.u32 $0x7F, v12;
	v5 =	vshll.u32 v12, $0x2;
	[tilespmem:s4+$0x8800] =	vst v8;
	v2 =	vld.idx.msk [tilespmem:v7+s0+$0x0], $0xffff  }
.Ltmp0:
0x4e: {  	s4 =	smov.u32 s10;
	s10 =	smov.u32 s20;
	v4 =	vld.idx.msk [tilespmem:v13+s0+$0x0], $0xffff;
	v7 =	vand.u32 $0xFFFFFE00, v5;
	[tilespmem:s1+$0x100] =	vst v15;
	(pc) =	sbr.rel @p0 .LBB2_2-.Ltmp0, $4  }
0x4f: {  	v5 =	vld.idx.msk [tilespmem:v9+s0+$0x0], $0xffff;
	v11 =	vor.u32 v6, v7;
	[tilespmem:s1+$0x0] =	vst v0;
	s1 =	smov.u32 s13;
	s13 =	smov.u32 s19  }
0x50: {  	s17 =	sadd.s32 $0x80, s17;
	v0 =	vmovc v16;
	v6 =	vld.idx.msk [tilespmem:v17+s0+$0x0], $0xffff;
	v10 =	vor.u32 $0x80, v11;
	v7 =	vor.u32 $0x100, v11;
	v9 =	vor.u32 $0x180, v11;
	[tilespmem:s15+$0x8800] =	vst v14;
	s15 =	smov.u32 s12;
	s12 =	smov.u32 s14  }
0x51: {  	s6 =	sadd.s32 $0x1, s6;
	s16 =	sshra.s32 s17, $0x2;
	s19 =	sand.u32 $0x1E00, s17;
	v12 =	vshll.u32 v18, $0x2;
	v8 =	vld.idx.msk [tilespmem:v19+s0+$0x0], $0xffff  }
0x52: {  	s11 =	sadd.s32 $0x20, s11;
	s14 =	sand.u32 $0x3, s6;
	s19 =	sadd.s32 $0x8800, s19;
	v13 =	vand.u32 $0x7F, v18;
	v14 =	vand.u32 $0xFFFFFE00, v12;
	v12 =	vld [tilespmem:s16+$0x0]  }
0x53: {  	_ =	sdelay $0x3  }
0x54: {  	v13 =	vor.u32 v13, v14;
	v3 =	vld.idx.msk [tilespmem:v3+s0+$0x0], $0xffff  }
0x55: {  	v11 =	vld.idx.msk [tilespmem:v11+s0+$0x0], $0xffff;
	s4 =	sor.u32 s4, s19;
	[tilespmem:s1+$0x80] =	vst v1;
	s11 =	sadd.s32 $0x80, s17;
	v14 =	vor.u32 $0x80, v13  }
0x56: {  	s7 =	sshll.u32 s14, $0x5;
	v10 =	vld.idx.msk [tilespmem:v10+s0+$0x0], $0xffff;
	v1 =	vor.u32 $0x100, v13;
	[tilespmem:s4+$0x0] =	vst v4;
	s18 =	sshra.s32 s11, $0x2  }
0x57: {  	s7 =	sadd.s32 s7, s17;
	[tilespmem:s4+$0x80] =	vst v5;
	v5 =	vld [tilespmem:s18+$0x0]  }
0x58: {  	v7 =	vld.idx.msk [tilespmem:v7+s0+$0x0], $0xffff;
	v4 =	vor.u32 $0x180, v13;
	s16 =	sadd.s32 $0x10, s7;
	[tilespmem:s4+$0x100] =	vst v6;
	v6 =	vshll.u32 v12, $0x2  }
0x59: {  	[tilespmem:s1+$0x100] =	vst v2;
	s20 =	sor.u32 $0x180, s16;
	v12 =	vand.u32 $0x7F, v12;
	v13 =	vld.idx.msk [tilespmem:v13+s0+$0x0], $0xffff;
	v6 =	vand.u32 $0xFFFFFE00, v6  }
0x5a: {  	[tilespmem:s20+$0x8800] =	vst v8;
	v8 =	vld.idx.msk [tilespmem:v14+s0+$0x0], $0xffff;
	v2 =	vor.u32 v12, v6  }
0x5b: {  	[tilespmem:s1+$0x0] =	vst v0;
	v1 =	vld.idx.msk [tilespmem:v1+s0+$0x0], $0xffff;
	v0 =	vor.u32 $0x80, v2  }
0x5c: {  	s24 =	sadd.s32 $0x1, s6;
	s23 =	sand.u32 $0x1E00, s11;
	[tilespmem:s15+$0x8800] =	vst v3;
	v3 =	vld.idx.msk [tilespmem:v9+s0+$0x0], $0xffff;
	v9 =	vshll.u32 v5, $0x2  }
0x5d: {  	s4 =	sand.u32 $0x3, s24;
	s1 =	sadd.s32 $0x8800, s23;
	[tilespmem:s13+$0x80] =	vst v10;
	v4 =	vld.idx.msk [tilespmem:v4+s0+$0x0], $0xffff;
	v6 =	vor.u32 $0x100, v2;
	v5 =	vand.u32 $0x7F, v5;
	v9 =	vand.u32 $0xFFFFFE00, v9  }
0x5e: {  	s4 =	sshll.u32 s4, $0x5;
	s25 =	sor.u32 s10, s1;
	[tilespmem:s13+$0x100] =	vst v7;
	v10 =	vor.u32 $0x180, v2;
	v5 =	vor.u32 v5, v9  }
0x5f: {  	s4 =	sadd.s32 s4, s11;
	[tilespmem:s25+$0x80] =	vst v8;
	v8 =	vor.u32 $0x80, v5  }
0x60: {  	s26 =	sadd.s32 $0x10, s4;
	[tilespmem:s25+$0x100] =	vst v1;
	v1 =	vor.u32 $0x100, v5;
	v0 =	vld.idx.msk [tilespmem:v0+s0+$0x0], $0xffff  }
0x61: {  	s29 =	sor.u32 $0x180, s26;
	[tilespmem:s25+$0x0] =	vst v13;
	v2 =	vld.idx.msk [tilespmem:v2+s0+$0x0], $0xffff  }
0x62: {  	[tilespmem:s29+$0x8800] =	vst v4;
	v4 =	vld.idx.msk [tilespmem:v6+s0+$0x0], $0xffff;
	v6 =	vor.u32 $0x180, v5  }
0x63: {  	[tilespmem:s13+$0x0] =	vst v11;
	v7 =	vld.idx.msk [tilespmem:v10+s0+$0x0], $0xffff  }
0x64: {  	s5 =	sor.u32 s5, s19;
	[tilespmem:s12+$0x8800] =	vst v3;
	v3 =	vld.idx.msk [tilespmem:v8+s0+$0x0], $0xffff  }
0x65: {  	[tilespmem:s5+$0x80] =	vst v0;
	v0 =	vld.idx.msk [tilespmem:v1+s0+$0x0], $0xffff  }
0x66: {  	[tilespmem:s5+$0x0] =	vst v2;
	v1 =	vld.idx.msk [tilespmem:v5+s0+$0x0], $0xffff  }
0x67: {  	s10 =	sor.u32 $0x180, s7;
	[tilespmem:s5+$0x100] =	vst v4;
	v2 =	vld.idx.msk [tilespmem:v6+s0+$0x0], $0xffff  }
0x68: {  	s1 =	sor.u32 s8, s1;
	[tilespmem:s10+$0x8800] =	vst v7  }
0x69: {  	[tilespmem:s1+$0x80] =	vst v3  }
0x6a: {  	[tilespmem:s1+$0x100] =	vst v0  }
0x6b: {  	s4 =	sor.u32 $0x180, s4;
	[tilespmem:s1+$0x0] =	vst v1  }
0x6c: {  	[tilespmem:s4+$0x8800] =	vst v2  }
0x6d: {  	s11 =	simm.s32 $0x8800;
	s1 =	rddreg [dreg:$0xa]  }
0x6e: {  	[hbm4b:s1+s30] =	stream.strided.scatter [tilespmem:s11], [sflag:$0x5], $0x2000, s31, s30, $0x38;
	[tilespmem:$0x10800] =	vst v63  }
0x6f: {  	s14 =	simm.s32 $0x2;
	s13 =	simm.s32 $0x0;
	s12 =	rddreg [dreg:$0xb]  }
0x70: {  	[tilespmem:s0], [sflag:$0x1] =	stream.strided.gather [hbm4b:s12+s30], $0x2000, s31, s30, $0x38;
	[tilespmem:$0x10800] =	vst v63  }
0x71: {  	s1 =	sand.u32 $0x60, s13;
	_ =	swait.ge [sflag:s14], $0x2000  }
0x72: {  	s16 =	sand.u32 $0x780, s13;
	s15 =	sor.u32 $0x10, s1;
	[sflag:s14] =	ssyncset.done $0x0  }
0x73: {  	s4 =	sor.u32 s15, s16;
	[sflag:s14] =	ssyncadd.s32 $0xFFFFE000  }
0x74: {  	v0 =	vld [tilespmem:s4+$0x0]  }
0x75: {  	s17 =	simm.s32 $0x20  }
0x76: {  	s6 =	sand.u32 $0x60, s17  }
0x77: {  	s7 =	sor.u32 $0x10, s6;
	s4 =	sand.u32 $0x780, s17  }
0x78: {  	s4 =	sor.u32 s7, s4  }
0x79: {  	v2 =	vld [tilespmem:s4+$0x0];
	v1 =	vshll.u32 v0, $0x2  }
0x7a: {  	v0 =	vand.u32 $0x7F, v0;
	v1 =	vand.u32 $0xFFFFFE00, v1  }
0x7b: {  	v0 =	vor.u32 v0, v1;
	_ =	sdelay $0x1  }
0x7c: {  	s19 =	simm.s32 $0x40;
	s18 =	simm.s32 $0x0;
	v1 =	vor.u32 $0x80, v0  }
0x7d: {  	s24 =	simm.s32 $0x60;
	s8 =	sand.u32 $0x3, s13;
	s5 =	sand.u32 $0x60, s19;
	v4 =	vshll.u32 v2, $0x2  }
0x7e: {  	s8 =	sshll.u32 s8, $0x5;
	s11 =	sand.u32 $0x780, s19;
	v5 =	vld [tilespmem:s18+$0x0];
	s4 =	sor.u32 $0x10, s5;
	v2 =	vand.u32 $0x7F, v2;
	v3 =	vor.u32 $0x100, v0;
	v4 =	vand.u32 $0xFFFFFE00, v4  }
0x7f: {  	s26 =	sadd.s32 $0x0, s8;
	s8 =	sand.u32 $0x60, s24;
	s11 =	sor.u32 s4, s11;
	v6 =	vor.u32 $0x180, v0;
	v7 =	vld.idx.msk [tilespmem:v0+s2+$0x0], $0xffff;
	v0 =	vor.u32 v2, v4  }
0x80: {  	s20 =	sand.u32 $0x1E00, s13;
	s10 =	sor.u32 $0x10, s8;
	s13 =	sand.u32 $0x780, s24;
	v8 =	vld [tilespmem:s11+$0x0]  }
0x81: {  	s13 =	sor.u32 s10, s13;
	v2 =	vld.idx.msk [tilespmem:v1+s2+$0x0], $0xffff;
	v1 =	vor.u32 $0x80, v0  }
0x82: {  	v15 =	vld [tilespmem:s13+$0x0];
	v4 =	vor.u32 $0x100, v0  }
0x83: {  	v10 =	vshll.u32 v5, $0x2;
	v3 =	vld.idx.msk [tilespmem:v3+s2+$0x0], $0xffff  }
0x84: {  	s23 =	simm.s32 $0x20;
	v5 =	vand.u32 $0x7F, v5;
	v10 =	vand.u32 $0xFFFFFE00, v10;
	v9 =	vor.u32 $0x180, v0;
	v11 =	vld.idx.msk [tilespmem:v0+s2+$0x0], $0xffff  }
0x85: {  	v10 =	vor.u32 v5, v10;
	v5 =	vand.u32 $0x7F, v8;
	v0 =	vshll.u32 v8, $0x2;
	v8 =	vld [tilespmem:s23+$0x0]  }
0x86: {  	v12 =	vld.idx.msk [tilespmem:v1+s2+$0x0], $0xffff;
	v1 =	vor.u32 $0x80, v10  }
0x87: {  	v13 =	vld.idx.msk [tilespmem:v4+s2+$0x0], $0xffff;
	v4 =	vor.u32 $0x100, v10;
	v0 =	vand.u32 $0xFFFFFE00, v0  }
0x88: {  	s11 =	sadd.s32 $0xA800, s20;
	v6 =	vld.idx.msk [tilespmem:v6+s2+$0x0], $0xffff;
	v5 =	vor.u32 v5, v0  }
0x89: {  	s25 =	sor.u32 s15, s11;
	v9 =	vld.idx.msk [tilespmem:v9+s2+$0x0], $0xffff;
	v14 =	vor.u32 $0x80, v5  }
0x8a: {  	s29 =	sadd.s32 $0x10, s26;
	s19 =	simm.s32 $0x1;
	s18 =	simm.s32 $0x80;
	[tilespmem:s25+$0x0] =	vst v7;
	v0 =	vld.idx.msk [tilespmem:v10+s2+$0x0], $0xffff;
	v7 =	vor.u32 $0x100, v5  }
0x8b: {  	s12 =	sor.u32 $0x180, s29;
	s17 =	sand.u32 $0x3, s19;
	s16 =	sand.u32 $0x1E00, s18;
	[tilespmem:s25+$0x80] =	vst v2;
	v16 =	vor.u32 $0x180, v5;
	v1 =	vld.idx.msk [tilespmem:v1+s2+$0x0], $0xffff  }
0x8c: {  	s20 =	sadd.s32 $0xA800, s16;
	s15 =	sor.u32 $0x180, s26;
	s1 =	sor.u32 s1, s11;
	[tilespmem:s25+$0x100] =	vst v3;
	v3 =	vshll.u32 v8, $0x2;
	v2 =	vld.idx.msk [tilespmem:v4+s2+$0x0], $0xffff  }
0x8d: {  	s24 =	sor.u32 s7, s20;
	s7 =	simm.s32 $0x6;
	s23 =	sshll.u32 s17, $0x5;
	[tilespmem:s12+$0xA800] =	vst v6;
	v6 =	vand.u32 $0x7F, v8;
	v8 =	vand.u32 $0xFFFFFE00, v3;
	v3 =	vor.u32 $0x180, v10;
	v4 =	vld.idx.msk [tilespmem:v5+s2+$0x0], $0xffff  }
0x8e: {  	s13 =	sor.u32 s6, s20;
	s26 =	simm.s32 $0x40;
	s25 =	sadd.s32 $0x80, s23;
	[tilespmem:s24+$0x0] =	vst v11;
	v11 =	vor.u32 v6, v8;
	v5 =	vld.idx.msk [tilespmem:v14+s2+$0x0], $0xffff  }
0x8f: {  	s6 =	simm.s32 $0x2;
	s17 =	simm.s32 $0x100;
	s14 =	sadd.s32 $0x10, s25;
	[tilespmem:s24+$0x80] =	vst v12;
	v6 =	vld.idx.msk [tilespmem:v7+s2+$0x0], $0xffff;
	v10 =	vor.u32 $0x80, v11  }
0x90: {  	s11 =	simm.s32 $0x80;
	s29 =	sand.u32 $0x1E00, s17;
	s14 =	sor.u32 $0x180, s14;
	[tilespmem:s24+$0x100] =	vst v13;
	v12 =	vshll.u32 v15, $0x2;
	v13 =	vand.u32 $0x7F, v15;
	v8 =	vld.idx.msk [tilespmem:v16+s2+$0x0], $0xffff  }
0x91: {  	s12 =	sor.u32 $0x180, s25;
	s19 =	sadd.s32 $0xA800, s29;
	[tilespmem:s14+$0xA800] =	vst v9;
	s14 =	sand.u32 $0x3, s6;
	v7 =	vor.u32 $0x100, v11;
	v9 =	vor.u32 $0x180, v11;
	v14 =	vand.u32 $0xFFFFFE00, v12;
	v12 =	vld [tilespmem:s26+$0x0]  }
.LBB2_4:
0x92: {  	s16 =	sand.u32 $0x60, s11;
	v13 =	vor.u32 v13, v14;
	s14 =	sshll.u32 s14, $0x5;
	s4 =	sor.u32 s4, s19;
	v14 =	vld.idx.msk [tilespmem:v3+s2+$0x0], $0xffff;
	[tilespmem:s1+$0x80] =	vst v1;
	v15 =	vmov v2;
	v3 =	vmov v9  }
0x93: {  	s23 =	sand.u32 $0x780, s11;
	s20 =	sor.u32 $0x10, s16;
	v9 =	vor.u32 $0x80, v13;
	s14 =	sadd.s32 s14, s17;
	[tilespmem:s4+$0x0] =	vst v4;
	v16 =	vld.idx.msk [tilespmem:v11+s2+$0x0], $0xffff  }
0x94: {  	s7 =	sadd.s32 $0x2, s7;
	v17 =	vor.u32 $0x100, v13;
	s23 =	sor.u32 s20, s23;
	[tilespmem:s4+$0x80] =	vst v5;
	s29 =	sadd.s32 $0x10, s14;
	v1 =	vld.idx.msk [tilespmem:v10+s2+$0x0], $0xffff  }
0x95: {  	p0 =	slt.u32 s7, $0x7E;
	v19 =	vor.u32 $0x180, v13;
	s14 =	sor.u32 $0x180, s14;
	v18 =	vld [tilespmem:s23+$0x0];
	[tilespmem:s4+$0x100] =	vst v6;
	s4 =	sor.u32 $0x180, s29  }
0x96: {  	s19 =	sor.u32 s5, s19;
	s5 =	smov.u32 s8;
	s8 =	smov.u32 s16;
	v6 =	vand.u32 $0x7F, v12;
	v5 =	vshll.u32 v12, $0x2;
	[tilespmem:s4+$0xA800] =	vst v8;
	v2 =	vld.idx.msk [tilespmem:v7+s2+$0x0], $0xffff  }
.Ltmp1:
0x97: {  	s4 =	smov.u32 s10;
	s10 =	smov.u32 s20;
	v4 =	vld.idx.msk [tilespmem:v13+s2+$0x0], $0xffff;
	v7 =	vand.u32 $0xFFFFFE00, v5;
	[tilespmem:s1+$0x100] =	vst v15;
	(pc) =	sbr.rel @p0 .LBB2_4-.Ltmp1, $4  }
0x98: {  	v5 =	vld.idx.msk [tilespmem:v9+s2+$0x0], $0xffff;
	v11 =	vor.u32 v6, v7;
	[tilespmem:s1+$0x0] =	vst v0;
	s1 =	smov.u32 s13;
	s13 =	smov.u32 s19  }
0x99: {  	s17 =	sadd.s32 $0x80, s17;
	v0 =	vmovc v16;
	v6 =	vld.idx.msk [tilespmem:v17+s2+$0x0], $0xffff;
	v10 =	vor.u32 $0x80, v11;
	v7 =	vor.u32 $0x100, v11;
	v9 =	vor.u32 $0x180, v11;
	[tilespmem:s15+$0xA800] =	vst v14;
	s15 =	smov.u32 s12;
	s12 =	smov.u32 s14  }
0x9a: {  	s6 =	sadd.s32 $0x1, s6;
	s16 =	sshra.s32 s17, $0x2;
	s19 =	sand.u32 $0x1E00, s17;
	v12 =	vshll.u32 v18, $0x2;
	v8 =	vld.idx.msk [tilespmem:v19+s2+$0x0], $0xffff  }
0x9b: {  	s11 =	sadd.s32 $0x20, s11;
	s14 =	sand.u32 $0x3, s6;
	s19 =	sadd.s32 $0xA800, s19;
	v13 =	vand.u32 $0x7F, v18;
	v14 =	vand.u32 $0xFFFFFE00, v12;
	v12 =	vld [tilespmem:s16+$0x0]  }
0x9c: {  	_ =	sdelay $0x3  }
0x9d: {  	v13 =	vor.u32 v13, v14;
	v3 =	vld.idx.msk [tilespmem:v3+s2+$0x0], $0xffff  }
0x9e: {  	v11 =	vld.idx.msk [tilespmem:v11+s2+$0x0], $0xffff;
	s4 =	sor.u32 s4, s19;
	[tilespmem:s1+$0x80] =	vst v1;
	s11 =	sadd.s32 $0x80, s17;
	v14 =	vor.u32 $0x80, v13  }
0x9f: {  	s7 =	sshll.u32 s14, $0x5;
	v10 =	vld.idx.msk [tilespmem:v10+s2+$0x0], $0xffff;
	v1 =	vor.u32 $0x100, v13;
	[tilespmem:s4+$0x0] =	vst v4;
	s18 =	sshra.s32 s11, $0x2  }
0xa0: {  	s7 =	sadd.s32 s7, s17;
	[tilespmem:s4+$0x80] =	vst v5;
	v5 =	vld [tilespmem:s18+$0x0]  }
0xa1: {  	v7 =	vld.idx.msk [tilespmem:v7+s2+$0x0], $0xffff;
	v4 =	vor.u32 $0x180, v13;
	s16 =	sadd.s32 $0x10, s7;
	[tilespmem:s4+$0x100] =	vst v6;
	v6 =	vshll.u32 v12, $0x2  }
0xa2: {  	[tilespmem:s1+$0x100] =	vst v2;
	s20 =	sor.u32 $0x180, s16;
	v12 =	vand.u32 $0x7F, v12;
	v13 =	vld.idx.msk [tilespmem:v13+s2+$0x0], $0xffff;
	v6 =	vand.u32 $0xFFFFFE00, v6  }
0xa3: {  	[tilespmem:s20+$0xA800] =	vst v8;
	v8 =	vld.idx.msk [tilespmem:v14+s2+$0x0], $0xffff;
	v2 =	vor.u32 v12, v6  }
0xa4: {  	[tilespmem:s1+$0x0] =	vst v0;
	v1 =	vld.idx.msk [tilespmem:v1+s2+$0x0], $0xffff;
	v0 =	vor.u32 $0x80, v2  }
0xa5: {  	s24 =	sadd.s32 $0x1, s6;
	s23 =	sand.u32 $0x1E00, s11;
	[tilespmem:s15+$0xA800] =	vst v3;
	v3 =	vld.idx.msk [tilespmem:v9+s2+$0x0], $0xffff;
	v9 =	vshll.u32 v5, $0x2  }
0xa6: {  	s4 =	sand.u32 $0x3, s24;
	s1 =	sadd.s32 $0xA800, s23;
	[tilespmem:s13+$0x80] =	vst v10;
	v4 =	vld.idx.msk [tilespmem:v4+s2+$0x0], $0xffff;
	v6 =	vor.u32 $0x100, v2;
	v5 =	vand.u32 $0x7F, v5;
	v9 =	vand.u32 $0xFFFFFE00, v9  }
0xa7: {  	s4 =	sshll.u32 s4, $0x5;
	s25 =	sor.u32 s10, s1;
	[tilespmem:s13+$0x100] =	vst v7;
	v10 =	vor.u32 $0x180, v2;
	v5 =	vor.u32 v5, v9  }
0xa8: {  	s4 =	sadd.s32 s4, s11;
	[tilespmem:s25+$0x80] =	vst v8;
	v8 =	vor.u32 $0x80, v5  }
0xa9: {  	s26 =	sadd.s32 $0x10, s4;
	[tilespmem:s25+$0x100] =	vst v1;
	v1 =	vor.u32 $0x100, v5;
	v0 =	vld.idx.msk [tilespmem:v0+s2+$0x0], $0xffff  }
0xaa: {  	s29 =	sor.u32 $0x180, s26;
	[tilespmem:s25+$0x0] =	vst v13;
	v2 =	vld.idx.msk [tilespmem:v2+s2+$0x0], $0xffff  }
0xab: {  	[tilespmem:s29+$0xA800] =	vst v4;
	v4 =	vld.idx.msk [tilespmem:v6+s2+$0x0], $0xffff;
	v6 =	vor.u32 $0x180, v5  }
0xac: {  	[tilespmem:s13+$0x0] =	vst v11;
	v7 =	vld.idx.msk [tilespmem:v10+s2+$0x0], $0xffff  }
0xad: {  	s5 =	sor.u32 s5, s19;
	[tilespmem:s12+$0xA800] =	vst v3;
	v3 =	vld.idx.msk [tilespmem:v8+s2+$0x0], $0xffff  }
0xae: {  	[tilespmem:s5+$0x80] =	vst v0;
	v0 =	vld.idx.msk [tilespmem:v1+s2+$0x0], $0xffff  }
0xaf: {  	[tilespmem:s5+$0x0] =	vst v2;
	v1 =	vld.idx.msk [tilespmem:v5+s2+$0x0], $0xffff  }
0xb0: {  	s10 =	sor.u32 $0x180, s7;
	[tilespmem:s5+$0x100] =	vst v4;
	v2 =	vld.idx.msk [tilespmem:v6+s2+$0x0], $0xffff  }
0xb1: {  	s1 =	sor.u32 s8, s1;
	[tilespmem:s10+$0xA800] =	vst v7  }
0xb2: {  	[tilespmem:s1+$0x80] =	vst v3  }
0xb3: {  	[tilespmem:s1+$0x100] =	vst v0  }
0xb4: {  	s4 =	sor.u32 $0x180, s4;
	[tilespmem:s1+$0x0] =	vst v1  }
0xb5: {  	[tilespmem:s4+$0xA800] =	vst v2  }
0xb6: {  	s11 =	simm.s32 $0xA800;
	s1 =	rddreg [dreg:$0xc]  }
0xb7: {  	[hbm4b:s1+s30] =	stream.strided.scatter [tilespmem:s11], [sflag:$0x6], $0x2000, s31, s30, $0x38;
	[tilespmem:$0x10800] =	vst v63  }
0xb8: {  	s14 =	simm.s32 $0x3;
	s13 =	simm.s32 $0x0;
	s12 =	rddreg [dreg:$0xd]  }
0xb9: {  	[tilespmem:s2], [sflag:$0x2] =	stream.strided.gather [hbm4b:s12+s30], $0x2000, s31, s30, $0x38;
	[tilespmem:$0x10800] =	vst v63  }
0xba: {  	s1 =	sand.u32 $0x60, s13;
	_ =	swait.ge [sflag:s14], $0x2000  }
0xbb: {  	s16 =	sand.u32 $0x780, s13;
	s15 =	sor.u32 $0x10, s1;
	[sflag:s14] =	ssyncset.done $0x0  }
0xbc: {  	s4 =	sor.u32 s15, s16;
	[sflag:s14] =	ssyncadd.s32 $0xFFFFE000  }
0xbd: {  	v0 =	vld [tilespmem:s4+$0x0]  }
0xbe: {  	s17 =	simm.s32 $0x20  }
0xbf: {  	s6 =	sand.u32 $0x60, s17  }
0xc0: {  	s7 =	sor.u32 $0x10, s6;
	s4 =	sand.u32 $0x780, s17  }
0xc1: {  	s4 =	sor.u32 s7, s4  }
0xc2: {  	v2 =	vld [tilespmem:s4+$0x0];
	v1 =	vshll.u32 v0, $0x2  }
0xc3: {  	v0 =	vand.u32 $0x7F, v0;
	v1 =	vand.u32 $0xFFFFFE00, v1  }
0xc4: {  	v0 =	vor.u32 v0, v1;
	_ =	sdelay $0x1  }
0xc5: {  	s19 =	simm.s32 $0x40;
	s18 =	simm.s32 $0x0;
	v1 =	vor.u32 $0x80, v0  }
0xc6: {  	s24 =	simm.s32 $0x60;
	s8 =	sand.u32 $0x3, s13;
	s5 =	sand.u32 $0x60, s19;
	v4 =	vshll.u32 v2, $0x2  }
0xc7: {  	s8 =	sshll.u32 s8, $0x5;
	s11 =	sand.u32 $0x780, s19;
	v5 =	vld [tilespmem:s18+$0x0];
	s4 =	sor.u32 $0x10, s5;
	v2 =	vand.u32 $0x7F, v2;
	v3 =	vor.u32 $0x100, v0;
	v4 =	vand.u32 $0xFFFFFE00, v4  }
0xc8: {  	s26 =	sadd.s32 $0x0, s8;
	s8 =	sand.u32 $0x60, s24;
	s11 =	sor.u32 s4, s11;
	v6 =	vor.u32 $0x180, v0;
	v7 =	vld.idx.msk [tilespmem:v0+s3+$0x0], $0xffff;
	v0 =	vor.u32 v2, v4  }
0xc9: {  	s20 =	sand.u32 $0x1E00, s13;
	s10 =	sor.u32 $0x10, s8;
	s13 =	sand.u32 $0x780, s24;
	v8 =	vld [tilespmem:s11+$0x0]  }
0xca: {  	s13 =	sor.u32 s10, s13;
	v2 =	vld.idx.msk [tilespmem:v1+s3+$0x0], $0xffff;
	v1 =	vor.u32 $0x80, v0  }
0xcb: {  	v15 =	vld [tilespmem:s13+$0x0];
	v4 =	vor.u32 $0x100, v0  }
0xcc: {  	v10 =	vshll.u32 v5, $0x2;
	v3 =	vld.idx.msk [tilespmem:v3+s3+$0x0], $0xffff  }
0xcd: {  	s23 =	simm.s32 $0x20;
	v5 =	vand.u32 $0x7F, v5;
	v10 =	vand.u32 $0xFFFFFE00, v10;
	v9 =	vor.u32 $0x180, v0;
	v11 =	vld.idx.msk [tilespmem:v0+s3+$0x0], $0xffff  }
0xce: {  	v10 =	vor.u32 v5, v10;
	v5 =	vand.u32 $0x7F, v8;
	v0 =	vshll.u32 v8, $0x2;
	v8 =	vld [tilespmem:s23+$0x0]  }
0xcf: {  	v12 =	vld.idx.msk [tilespmem:v1+s3+$0x0], $0xffff;
	v1 =	vor.u32 $0x80, v10  }
0xd0: {  	v13 =	vld.idx.msk [tilespmem:v4+s3+$0x0], $0xffff;
	v4 =	vor.u32 $0x100, v10;
	v0 =	vand.u32 $0xFFFFFE00, v0  }
0xd1: {  	s11 =	sadd.s32 $0xC800, s20;
	v6 =	vld.idx.msk [tilespmem:v6+s3+$0x0], $0xffff;
	v5 =	vor.u32 v5, v0  }
0xd2: {  	s25 =	sor.u32 s15, s11;
	v9 =	vld.idx.msk [tilespmem:v9+s3+$0x0], $0xffff;
	v14 =	vor.u32 $0x80, v5  }
0xd3: {  	s29 =	sadd.s32 $0x10, s26;
	s19 =	simm.s32 $0x1;
	s18 =	simm.s32 $0x80;
	[tilespmem:s25+$0x0] =	vst v7;
	v0 =	vld.idx.msk [tilespmem:v10+s3+$0x0], $0xffff;
	v7 =	vor.u32 $0x100, v5  }
0xd4: {  	s12 =	sor.u32 $0x180, s29;
	s17 =	sand.u32 $0x3, s19;
	s16 =	sand.u32 $0x1E00, s18;
	[tilespmem:s25+$0x80] =	vst v2;
	v16 =	vor.u32 $0x180, v5;
	v1 =	vld.idx.msk [tilespmem:v1+s3+$0x0], $0xffff  }
0xd5: {  	s20 =	sadd.s32 $0xC800, s16;
	s15 =	sor.u32 $0x180, s26;
	s1 =	sor.u32 s1, s11;
	[tilespmem:s25+$0x100] =	vst v3;
	v3 =	vshll.u32 v8, $0x2;
	v2 =	vld.idx.msk [tilespmem:v4+s3+$0x0], $0xffff  }
0xd6: {  	s24 =	sor.u32 s7, s20;
	s7 =	simm.s32 $0x6;
	s23 =	sshll.u32 s17, $0x5;
	[tilespmem:s12+$0xC800] =	vst v6;
	v6 =	vand.u32 $0x7F, v8;
	v8 =	vand.u32 $0xFFFFFE00, v3;
	v3 =	vor.u32 $0x180, v10;
	v4 =	vld.idx.msk [tilespmem:v5+s3+$0x0], $0xffff  }
0xd7: {  	s13 =	sor.u32 s6, s20;
	s26 =	simm.s32 $0x40;
	s25 =	sadd.s32 $0x80, s23;
	[tilespmem:s24+$0x0] =	vst v11;
	v11 =	vor.u32 v6, v8;
	v5 =	vld.idx.msk [tilespmem:v14+s3+$0x0], $0xffff  }
0xd8: {  	s6 =	simm.s32 $0x2;
	s17 =	simm.s32 $0x100;
	s14 =	sadd.s32 $0x10, s25;
	[tilespmem:s24+$0x80] =	vst v12;
	v6 =	vld.idx.msk [tilespmem:v7+s3+$0x0], $0xffff;
	v10 =	vor.u32 $0x80, v11  }
0xd9: {  	s11 =	simm.s32 $0x80;
	s29 =	sand.u32 $0x1E00, s17;
	s14 =	sor.u32 $0x180, s14;
	[tilespmem:s24+$0x100] =	vst v13;
	v12 =	vshll.u32 v15, $0x2;
	v13 =	vand.u32 $0x7F, v15;
	v8 =	vld.idx.msk [tilespmem:v16+s3+$0x0], $0xffff  }
0xda: {  	s12 =	sor.u32 $0x180, s25;
	s19 =	sadd.s32 $0xC800, s29;
	[tilespmem:s14+$0xC800] =	vst v9;
	s14 =	sand.u32 $0x3, s6;
	v7 =	vor.u32 $0x100, v11;
	v9 =	vor.u32 $0x180, v11;
	v14 =	vand.u32 $0xFFFFFE00, v12;
	v12 =	vld [tilespmem:s26+$0x0]  }
.LBB2_6:
0xdb: {  	s16 =	sand.u32 $0x60, s11;
	v13 =	vor.u32 v13, v14;
	s14 =	sshll.u32 s14, $0x5;
	s4 =	sor.u32 s4, s19;
	v14 =	vld.idx.msk [tilespmem:v3+s3+$0x0], $0xffff;
	[tilespmem:s1+$0x80] =	vst v1;
	v15 =	vmov v2;
	v3 =	vmov v9  }
0xdc: {  	s23 =	sand.u32 $0x780, s11;
	s20 =	sor.u32 $0x10, s16;
	v9 =	vor.u32 $0x80, v13;
	s14 =	sadd.s32 s14, s17;
	[tilespmem:s4+$0x0] =	vst v4;
	v16 =	vld.idx.msk [tilespmem:v11+s3+$0x0], $0xffff  }
0xdd: {  	s7 =	sadd.s32 $0x2, s7;
	v17 =	vor.u32 $0x100, v13;
	s23 =	sor.u32 s20, s23;
	[tilespmem:s4+$0x80] =	vst v5;
	s29 =	sadd.s32 $0x10, s14;
	v1 =	vld.idx.msk [tilespmem:v10+s3+$0x0], $0xffff  }
0xde: {  	p0 =	slt.u32 s7, $0x7E;
	v19 =	vor.u32 $0x180, v13;
	s14 =	sor.u32 $0x180, s14;
	v18 =	vld [tilespmem:s23+$0x0];
	[tilespmem:s4+$0x100] =	vst v6;
	s4 =	sor.u32 $0x180, s29  }
0xdf: {  	s19 =	sor.u32 s5, s19;
	s5 =	smov.u32 s8;
	s8 =	smov.u32 s16;
	v6 =	vand.u32 $0x7F, v12;
	v5 =	vshll.u32 v12, $0x2;
	[tilespmem:s4+$0xC800] =	vst v8;
	v2 =	vld.idx.msk [tilespmem:v7+s3+$0x0], $0xffff  }
.Ltmp2:
0xe0: {  	s4 =	smov.u32 s10;
	s10 =	smov.u32 s20;
	v4 =	vld.idx.msk [tilespmem:v13+s3+$0x0], $0xffff;
	v7 =	vand.u32 $0xFFFFFE00, v5;
	[tilespmem:s1+$0x100] =	vst v15;
	(pc) =	sbr.rel @p0 .LBB2_6-.Ltmp2, $4  }
0xe1: {  	v5 =	vld.idx.msk [tilespmem:v9+s3+$0x0], $0xffff;
	v11 =	vor.u32 v6, v7;
	[tilespmem:s1+$0x0] =	vst v0;
	s1 =	smov.u32 s13;
	s13 =	smov.u32 s19  }
0xe2: {  	s17 =	sadd.s32 $0x80, s17;
	v0 =	vmovc v16;
	v6 =	vld.idx.msk [tilespmem:v17+s3+$0x0], $0xffff;
	v10 =	vor.u32 $0x80, v11;
	v7 =	vor.u32 $0x100, v11;
	v9 =	vor.u32 $0x180, v11;
	[tilespmem:s15+$0xC800] =	vst v14;
	s15 =	smov.u32 s12;
	s12 =	smov.u32 s14  }
0xe3: {  	s6 =	sadd.s32 $0x1, s6;
	s16 =	sshra.s32 s17, $0x2;
	s19 =	sand.u32 $0x1E00, s17;
	v12 =	vshll.u32 v18, $0x2;
	v8 =	vld.idx.msk [tilespmem:v19+s3+$0x0], $0xffff  }
0xe4: {  	s11 =	sadd.s32 $0x20, s11;
	s14 =	sand.u32 $0x3, s6;
	s19 =	sadd.s32 $0xC800, s19;
	v13 =	vand.u32 $0x7F, v18;
	v14 =	vand.u32 $0xFFFFFE00, v12;
	v12 =	vld [tilespmem:s16+$0x0]  }
0xe5: {  	_ =	sdelay $0x3  }
0xe6: {  	v13 =	vor.u32 v13, v14;
	v3 =	vld.idx.msk [tilespmem:v3+s3+$0x0], $0xffff  }
0xe7: {  	v11 =	vld.idx.msk [tilespmem:v11+s3+$0x0], $0xffff;
	s4 =	sor.u32 s4, s19;
	[tilespmem:s1+$0x80] =	vst v1;
	s11 =	sadd.s32 $0x80, s17;
	v14 =	vor.u32 $0x80, v13  }
0xe8: {  	s7 =	sshll.u32 s14, $0x5;
	v10 =	vld.idx.msk [tilespmem:v10+s3+$0x0], $0xffff;
	v1 =	vor.u32 $0x100, v13;
	[tilespmem:s4+$0x0] =	vst v4;
	s18 =	sshra.s32 s11, $0x2  }
0xe9: {  	s7 =	sadd.s32 s7, s17;
	[tilespmem:s4+$0x80] =	vst v5;
	v5 =	vld [tilespmem:s18+$0x0]  }
0xea: {  	v7 =	vld.idx.msk [tilespmem:v7+s3+$0x0], $0xffff;
	v4 =	vor.u32 $0x180, v13;
	s16 =	sadd.s32 $0x10, s7;
	[tilespmem:s4+$0x100] =	vst v6;
	v6 =	vshll.u32 v12, $0x2  }
0xeb: {  	[tilespmem:s1+$0x100] =	vst v2;
	s20 =	sor.u32 $0x180, s16;
	v12 =	vand.u32 $0x7F, v12;
	v13 =	vld.idx.msk [tilespmem:v13+s3+$0x0], $0xffff;
	v6 =	vand.u32 $0xFFFFFE00, v6  }
0xec: {  	[tilespmem:s20+$0xC800] =	vst v8;
	v8 =	vld.idx.msk [tilespmem:v14+s3+$0x0], $0xffff;
	v2 =	vor.u32 v12, v6  }
0xed: {  	[tilespmem:s1+$0x0] =	vst v0;
	v1 =	vld.idx.msk [tilespmem:v1+s3+$0x0], $0xffff;
	v0 =	vor.u32 $0x80, v2  }
0xee: {  	s24 =	sadd.s32 $0x1, s6;
	s23 =	sand.u32 $0x1E00, s11;
	[tilespmem:s15+$0xC800] =	vst v3;
	v3 =	vld.idx.msk [tilespmem:v9+s3+$0x0], $0xffff;
	v9 =	vshll.u32 v5, $0x2  }
0xef: {  	s4 =	sand.u32 $0x3, s24;
	s1 =	sadd.s32 $0xC800, s23;
	[tilespmem:s13+$0x80] =	vst v10;
	v4 =	vld.idx.msk [tilespmem:v4+s3+$0x0], $0xffff;
	v6 =	vor.u32 $0x100, v2;
	v5 =	vand.u32 $0x7F, v5;
	v9 =	vand.u32 $0xFFFFFE00, v9  }
0xf0: {  	s4 =	sshll.u32 s4, $0x5;
	s25 =	sor.u32 s10, s1;
	[tilespmem:s13+$0x100] =	vst v7;
	v10 =	vor.u32 $0x180, v2;
	v5 =	vor.u32 v5, v9  }
0xf1: {  	s4 =	sadd.s32 s4, s11;
	[tilespmem:s25+$0x80] =	vst v8;
	v8 =	vor.u32 $0x80, v5  }
0xf2: {  	s26 =	sadd.s32 $0x10, s4;
	[tilespmem:s25+$0x100] =	vst v1;
	v1 =	vor.u32 $0x100, v5;
	v0 =	vld.idx.msk [tilespmem:v0+s3+$0x0], $0xffff  }
0xf3: {  	s29 =	sor.u32 $0x180, s26;
	[tilespmem:s25+$0x0] =	vst v13;
	v2 =	vld.idx.msk [tilespmem:v2+s3+$0x0], $0xffff  }
0xf4: {  	[tilespmem:s29+$0xC800] =	vst v4;
	v4 =	vld.idx.msk [tilespmem:v6+s3+$0x0], $0xffff;
	v6 =	vor.u32 $0x180, v5  }
0xf5: {  	[tilespmem:s13+$0x0] =	vst v11;
	v7 =	vld.idx.msk [tilespmem:v10+s3+$0x0], $0xffff  }
0xf6: {  	s5 =	sor.u32 s5, s19;
	[tilespmem:s12+$0xC800] =	vst v3;
	v3 =	vld.idx.msk [tilespmem:v8+s3+$0x0], $0xffff  }
0xf7: {  	[tilespmem:s5+$0x80] =	vst v0;
	v0 =	vld.idx.msk [tilespmem:v1+s3+$0x0], $0xffff  }
0xf8: {  	[tilespmem:s5+$0x0] =	vst v2;
	v1 =	vld.idx.msk [tilespmem:v5+s3+$0x0], $0xffff  }
0xf9: {  	s10 =	sor.u32 $0x180, s7;
	[tilespmem:s5+$0x100] =	vst v4;
	v2 =	vld.idx.msk [tilespmem:v6+s3+$0x0], $0xffff  }
0xfa: {  	s1 =	sor.u32 s8, s1;
	[tilespmem:s10+$0xC800] =	vst v7  }
0xfb: {  	[tilespmem:s1+$0x80] =	vst v3  }
0xfc: {  	[tilespmem:s1+$0x100] =	vst v0  }
0xfd: {  	s4 =	sor.u32 $0x180, s4;
	[tilespmem:s1+$0x0] =	vst v1  }
0xfe: {  	[tilespmem:s4+$0xC800] =	vst v2  }
0xff: {  	s11 =	simm.s32 $0xC800;
	s1 =	rddreg [dreg:$0xe]  }
0x100: {  	[hbm4b:s1+s30] =	stream.strided.scatter [tilespmem:s11], [sflag:$0x7], $0x2000, s31, s30, $0x38;
	[tilespmem:$0x10800] =	vst v63  }
0x101: {  	s14 =	simm.s32 $0x4;
	s13 =	simm.s32 $0x0;
	s12 =	rddreg [dreg:$0xf]  }
0x102: {  	[tilespmem:s3], [sflag:$0x3] =	stream.strided.gather [hbm4b:s12+s30], $0x2000, s31, s30, $0x38;
	[tilespmem:$0x10800] =	vst v63  }
0x103: {  	s1 =	sand.u32 $0x60, s13;
	_ =	swait.ge [sflag:s14], $0x2000  }
0x104: {  	s16 =	sand.u32 $0x780, s13;
	s15 =	sor.u32 $0x10, s1;
	[sflag:s14] =	ssyncset.done $0x0  }
0x105: {  	s4 =	sor.u32 s15, s16;
	[sflag:s14] =	ssyncadd.s32 $0xFFFFE000  }
0x106: {  	v0 =	vld [tilespmem:s4+$0x0]  }
0x107: {  	s17 =	simm.s32 $0x20  }
0x108: {  	s6 =	sand.u32 $0x60, s17  }
0x109: {  	s7 =	sor.u32 $0x10, s6;
	s4 =	sand.u32 $0x780, s17  }
0x10a: {  	s4 =	sor.u32 s7, s4  }
0x10b: {  	v2 =	vld [tilespmem:s4+$0x0];
	v1 =	vshll.u32 v0, $0x2  }
0x10c: {  	v0 =	vand.u32 $0x7F, v0;
	v1 =	vand.u32 $0xFFFFFE00, v1  }
0x10d: {  	v0 =	vor.u32 v0, v1;
	_ =	sdelay $0x1  }
0x10e: {  	s19 =	simm.s32 $0x40;
	s18 =	simm.s32 $0x0;
	v1 =	vor.u32 $0x80, v0  }
0x10f: {  	s24 =	simm.s32 $0x60;
	s8 =	sand.u32 $0x3, s13;
	s5 =	sand.u32 $0x60, s19;
	v4 =	vshll.u32 v2, $0x2  }
0x110: {  	s8 =	sshll.u32 s8, $0x5;
	s11 =	sand.u32 $0x780, s19;
	v5 =	vld [tilespmem:s18+$0x0];
	s4 =	sor.u32 $0x10, s5;
	v2 =	vand.u32 $0x7F, v2;
	v3 =	vor.u32 $0x100, v0;
	v4 =	vand.u32 $0xFFFFFE00, v4  }
0x111: {  	s26 =	sadd.s32 $0x0, s8;
	s8 =	sand.u32 $0x60, s24;
	s11 =	sor.u32 s4, s11;
	v6 =	vor.u32 $0x180, v0;
	v7 =	vld.idx.msk [tilespmem:v0+s9+$0x0], $0xffff;
	v0 =	vor.u32 v2, v4  }
0x112: {  	s20 =	sand.u32 $0x1E00, s13;
	s10 =	sor.u32 $0x10, s8;
	s13 =	sand.u32 $0x780, s24;
	v8 =	vld [tilespmem:s11+$0x0]  }
0x113: {  	s13 =	sor.u32 s10, s13;
	v2 =	vld.idx.msk [tilespmem:v1+s9+$0x0], $0xffff;
	v1 =	vor.u32 $0x80, v0  }
0x114: {  	v15 =	vld [tilespmem:s13+$0x0];
	v4 =	vor.u32 $0x100, v0  }
0x115: {  	v10 =	vshll.u32 v5, $0x2;
	v3 =	vld.idx.msk [tilespmem:v3+s9+$0x0], $0xffff  }
0x116: {  	s23 =	simm.s32 $0x20;
	v5 =	vand.u32 $0x7F, v5;
	v10 =	vand.u32 $0xFFFFFE00, v10;
	v9 =	vor.u32 $0x180, v0;
	v11 =	vld.idx.msk [tilespmem:v0+s9+$0x0], $0xffff  }
0x117: {  	v10 =	vor.u32 v5, v10;
	v5 =	vand.u32 $0x7F, v8;
	v0 =	vshll.u32 v8, $0x2;
	v8 =	vld [tilespmem:s23+$0x0]  }
0x118: {  	v12 =	vld.idx.msk [tilespmem:v1+s9+$0x0], $0xffff;
	v1 =	vor.u32 $0x80, v10  }
0x119: {  	v13 =	vld.idx.msk [tilespmem:v4+s9+$0x0], $0xffff;
	v4 =	vor.u32 $0x100, v10;
	v0 =	vand.u32 $0xFFFFFE00, v0  }
0x11a: {  	s11 =	sadd.s32 $0xE800, s20;
	v6 =	vld.idx.msk [tilespmem:v6+s9+$0x0], $0xffff;
	v5 =	vor.u32 v5, v0  }
0x11b: {  	s25 =	sor.u32 s15, s11;
	v9 =	vld.idx.msk [tilespmem:v9+s9+$0x0], $0xffff;
	v14 =	vor.u32 $0x80, v5  }
0x11c: {  	s29 =	sadd.s32 $0x10, s26;
	s19 =	simm.s32 $0x1;
	s18 =	simm.s32 $0x80;
	[tilespmem:s25+$0x0] =	vst v7;
	v0 =	vld.idx.msk [tilespmem:v10+s9+$0x0], $0xffff;
	v7 =	vor.u32 $0x100, v5  }
0x11d: {  	s12 =	sor.u32 $0x180, s29;
	s17 =	sand.u32 $0x3, s19;
	s16 =	sand.u32 $0x1E00, s18;
	[tilespmem:s25+$0x80] =	vst v2;
	v16 =	vor.u32 $0x180, v5;
	v1 =	vld.idx.msk [tilespmem:v1+s9+$0x0], $0xffff  }
0x11e: {  	s20 =	sadd.s32 $0xE800, s16;
	s15 =	sor.u32 $0x180, s26;
	s1 =	sor.u32 s1, s11;
	[tilespmem:s25+$0x100] =	vst v3;
	v3 =	vshll.u32 v8, $0x2;
	v2 =	vld.idx.msk [tilespmem:v4+s9+$0x0], $0xffff  }
0x11f: {  	s24 =	sor.u32 s7, s20;
	s7 =	simm.s32 $0x6;
	s23 =	sshll.u32 s17, $0x5;
	[tilespmem:s12+$0xE800] =	vst v6;
	v6 =	vand.u32 $0x7F, v8;
	v8 =	vand.u32 $0xFFFFFE00, v3;
	v3 =	vor.u32 $0x180, v10;
	v4 =	vld.idx.msk [tilespmem:v5+s9+$0x0], $0xffff  }
0x120: {  	s13 =	sor.u32 s6, s20;
	s26 =	simm.s32 $0x40;
	s25 =	sadd.s32 $0x80, s23;
	[tilespmem:s24+$0x0] =	vst v11;
	v11 =	vor.u32 v6, v8;
	v5 =	vld.idx.msk [tilespmem:v14+s9+$0x0], $0xffff  }
0x121: {  	s6 =	simm.s32 $0x2;
	s17 =	simm.s32 $0x100;
	s14 =	sadd.s32 $0x10, s25;
	[tilespmem:s24+$0x80] =	vst v12;
	v6 =	vld.idx.msk [tilespmem:v7+s9+$0x0], $0xffff;
	v10 =	vor.u32 $0x80, v11  }
0x122: {  	s11 =	simm.s32 $0x80;
	s29 =	sand.u32 $0x1E00, s17;
	s14 =	sor.u32 $0x180, s14;
	[tilespmem:s24+$0x100] =	vst v13;
	v12 =	vshll.u32 v15, $0x2;
	v13 =	vand.u32 $0x7F, v15;
	v8 =	vld.idx.msk [tilespmem:v16+s9+$0x0], $0xffff  }
0x123: {  	s12 =	sor.u32 $0x180, s25;
	s19 =	sadd.s32 $0xE800, s29;
	[tilespmem:s14+$0xE800] =	vst v9;
	s14 =	sand.u32 $0x3, s6;
	v7 =	vor.u32 $0x100, v11;
	v9 =	vor.u32 $0x180, v11;
	v14 =	vand.u32 $0xFFFFFE00, v12;
	v12 =	vld [tilespmem:s26+$0x0]  }
.LBB2_8:
0x124: {  	s16 =	sand.u32 $0x60, s11;
	v13 =	vor.u32 v13, v14;
	s14 =	sshll.u32 s14, $0x5;
	s4 =	sor.u32 s4, s19;
	v14 =	vld.idx.msk [tilespmem:v3+s9+$0x0], $0xffff;
	[tilespmem:s1+$0x80] =	vst v1;
	v15 =	vmov v2;
	v3 =	vmov v9  }
0x125: {  	s23 =	sand.u32 $0x780, s11;
	s20 =	sor.u32 $0x10, s16;
	v9 =	vor.u32 $0x80, v13;
	s14 =	sadd.s32 s14, s17;
	[tilespmem:s4+$0x0] =	vst v4;
	v16 =	vld.idx.msk [tilespmem:v11+s9+$0x0], $0xffff  }
0x126: {  	s7 =	sadd.s32 $0x2, s7;
	v17 =	vor.u32 $0x100, v13;
	s23 =	sor.u32 s20, s23;
	[tilespmem:s4+$0x80] =	vst v5;
	s29 =	sadd.s32 $0x10, s14;
	v1 =	vld.idx.msk [tilespmem:v10+s9+$0x0], $0xffff  }
0x127: {  	p0 =	slt.u32 s7, $0x7E;
	v19 =	vor.u32 $0x180, v13;
	s14 =	sor.u32 $0x180, s14;
	v18 =	vld [tilespmem:s23+$0x0];
	[tilespmem:s4+$0x100] =	vst v6;
	s4 =	sor.u32 $0x180, s29  }
0x128: {  	s19 =	sor.u32 s5, s19;
	s5 =	smov.u32 s8;
	s8 =	smov.u32 s16;
	v6 =	vand.u32 $0x7F, v12;
	v5 =	vshll.u32 v12, $0x2;
	[tilespmem:s4+$0xE800] =	vst v8;
	v2 =	vld.idx.msk [tilespmem:v7+s9+$0x0], $0xffff  }
.Ltmp3:
0x129: {  	s4 =	smov.u32 s10;
	s10 =	smov.u32 s20;
	v4 =	vld.idx.msk [tilespmem:v13+s9+$0x0], $0xffff;
	v7 =	vand.u32 $0xFFFFFE00, v5;
	[tilespmem:s1+$0x100] =	vst v15;
	(pc) =	sbr.rel @p0 .LBB2_8-.Ltmp3, $4  }
0x12a: {  	v5 =	vld.idx.msk [tilespmem:v9+s9+$0x0], $0xffff;
	v11 =	vor.u32 v6, v7;
	[tilespmem:s1+$0x0] =	vst v0;
	s1 =	smov.u32 s13;
	s13 =	smov.u32 s19  }
0x12b: {  	s17 =	sadd.s32 $0x80, s17;
	v0 =	vmovc v16;
	v6 =	vld.idx.msk [tilespmem:v17+s9+$0x0], $0xffff;
	v10 =	vor.u32 $0x80, v11;
	v7 =	vor.u32 $0x100, v11;
	v9 =	vor.u32 $0x180, v11;
	[tilespmem:s15+$0xE800] =	vst v14;
	s15 =	smov.u32 s12;
	s12 =	smov.u32 s14  }
0x12c: {  	s6 =	sadd.s32 $0x1, s6;
	s16 =	sshra.s32 s17, $0x2;
	s19 =	sand.u32 $0x1E00, s17;
	v12 =	vshll.u32 v18, $0x2;
	v8 =	vld.idx.msk [tilespmem:v19+s9+$0x0], $0xffff  }
0x12d: {  	s11 =	sadd.s32 $0x20, s11;
	s14 =	sand.u32 $0x3, s6;
	s19 =	sadd.s32 $0xE800, s19;
	v13 =	vand.u32 $0x7F, v18;
	v14 =	vand.u32 $0xFFFFFE00, v12;
	v12 =	vld [tilespmem:s16+$0x0]  }
0x12e: {  	_ =	sdelay $0x3  }
0x12f: {  	v3 =	vld.idx.msk [tilespmem:v3+s9+$0x0], $0xffff;
	[tilespmem:s1+$0x80] =	vst v1  }
0x130: {  	s7 =	sadd.s32 $0x80, s17;
	[tilespmem:s1+$0x100] =	vst v2  }
0x131: {  	v13 =	vor.u32 v13, v14;
	s11 =	sshll.u32 s14, $0x5;
	s4 =	sor.u32 s4, s19;
	v10 =	vld.idx.msk [tilespmem:v10+s9+$0x0], $0xffff;
	[tilespmem:s1+$0x0] =	vst v0;
	s29 =	sshra.s32 s7, $0x2  }
0x132: {  	v14 =	vor.u32 $0x80, v13;
	s11 =	sadd.s32 s11, s17;
	[tilespmem:s4+$0x0] =	vst v4;
	v15 =	vld [tilespmem:s29+$0x0]  }
0x133: {  	v44 =	vld.idx.msk [tilespmem:v7+s9+$0x0], $0xffff;
	v42 =	vor.u32 $0x100, v13;
	[tilespmem:s4+$0x80] =	vst v5;
	s16 =	sadd.s32 $0x10, s11;
	v45 =	vshll.u32 v12, $0x2  }
0x134: {  	v11 =	vld.idx.msk [tilespmem:v11+s9+$0x0], $0xffff;
	v43 =	vor.u32 $0x180, v13;
	[tilespmem:s4+$0x100] =	vst v6;
	s17 =	sor.u32 $0x180, s16;
	v47 =	vand.u32 $0x7F, v12;
	v6 =	vand.u32 $0xFFFFFE00, v45  }
0x135: {  	v51 =	vld.idx.msk [tilespmem:v9+s9+$0x0], $0xffff;
	[tilespmem:s17+$0xE800] =	vst v8;
	v49 =	vor.u32 v47, v6  }
0x136: {  	v46 =	vld.idx.msk [tilespmem:v13+s9+$0x0], $0xffff;
	[tilespmem:s15+$0xE800] =	vst v3;
	v50 =	vor.u32 $0x80, v49  }
0x137: {  	[tilespmem:s13+$0x80] =	vst v10;
	v48 =	vld.idx.msk [tilespmem:v14+s9+$0x0], $0xffff;
	v6 =	vor.u32 $0x100, v49;
	v52 =	vshll.u32 v15, $0x2  }
0x138: {  	s20 =	sadd.s32 $0x1, s6;
	s18 =	sand.u32 $0x1E00, s7;
	[tilespmem:s13+$0x100] =	vst v44;
	v1 =	vld.idx.msk [tilespmem:v42+s9+$0x0], $0xffff;
	v53 =	vand.u32 $0x7F, v15;
	v12 =	vor.u32 $0x180, v49;
	v9 =	vand.u32 $0xFFFFFE00, v52  }
0x139: {  	s4 =	sand.u32 $0x3, s20;
	s1 =	sadd.s32 $0xE800, s18;
	[tilespmem:s13+$0x0] =	vst v11;
	v4 =	vld.idx.msk [tilespmem:v43+s9+$0x0], $0xffff;
	v54 =	vor.u32 v53, v9  }
0x13a: {  	s4 =	sshll.u32 s4, $0x5;
	s23 =	sor.u32 s10, s1;
	[tilespmem:s12+$0xE800] =	vst v51;
	v55 =	vor.u32 $0x80, v54;
	v2 =	vld.idx.msk [tilespmem:v49+s9+$0x0], $0xffff  }
0x13b: {  	s4 =	sadd.s32 s4, s7;
	[tilespmem:s23+$0x0] =	vst v46;
	v56 =	vor.u32 $0x100, v54;
	v0 =	vld.idx.msk [tilespmem:v50+s9+$0x0], $0xffff  }
0x13c: {  	s7 =	sadd.s32 $0x10, s4;
	v58 =	vor.u32 $0x180, v54;
	[tilespmem:s23+$0x80] =	vst v48;
	v57 =	vld.idx.msk [tilespmem:v6+s9+$0x0], $0xffff  }
0x13d: {  	s24 =	sor.u32 $0x180, s7;
	[tilespmem:s23+$0x100] =	vst v1;
	v59 =	vld.idx.msk [tilespmem:v12+s9+$0x0], $0xffff  }
0x13e: {  	s5 =	sor.u32 s5, s19;
	[tilespmem:s24+$0xE800] =	vst v4;
	v62 =	vld.idx.msk [tilespmem:v54+s9+$0x0], $0xffff  }
0x13f: {  	v60 =	vld.idx.msk [tilespmem:v55+s9+$0x0], $0xffff;
	[tilespmem:s5+$0x0] =	vst v2  }
0x140: {  	v61 =	vld.idx.msk [tilespmem:v56+s9+$0x0], $0xffff;
	[tilespmem:s5+$0x80] =	vst v0  }
0x141: {  	s25 =	sor.u32 $0x180, s11;
	v63 =	vld.idx.msk [tilespmem:v58+s9+$0x0], $0xffff;
	[tilespmem:s5+$0x100] =	vst v57  }
0x142: {  	s1 =	sor.u32 s8, s1;
	[tilespmem:s25+$0xE800] =	vst v59  }
0x143: {  	[tilespmem:s1+$0x0] =	vst v62  }
0x144: {  	[tilespmem:s1+$0x80] =	vst v60  }
0x145: {  	s4 =	sor.u32 $0x180, s4;
	[tilespmem:s1+$0x100] =	vst v61  }
0x146: {  	[tilespmem:s4+$0xE800] =	vst v63  }
0x147: {  	s26 =	simm.s32 $0xE800;
	s1 =	rddreg [dreg:$0x10]  }
0x148: {  	[hbm4b:s1+s30] =	stream.strided.scatter [tilespmem:s26], [sflag:$0x8], $0x2000, s31, s30, $0x38;
	[tilespmem:$0x10800] =	vst v63  }
0x149: {  	s8 =	simm.s32 $0x1;
	s29 =	rddreg [dreg:$0x11]  }
0x14a: {  	[tilespmem:s9], [sflag:$0x4] =	stream.strided.gather [hbm4b:s29+s30], $0x2000, s31, s30, $0x38;
	[tilespmem:$0x10800] =	vst v63  }
.LBB2_10:
0x14b: {  	s1 =	simm.s32 $0x1  }
0x14c: {  	_ =	swait.ge [sflag:s1], $0x2000  }
0x14d: {  	[sflag:s1] =	ssyncset.done $0x0  }
0x14e: {  	s10 =	simm.s32 $0x0;
	s5 =	simm.s32 $0x5;
	[sflag:s1] =	ssyncadd.s32 $0xFFFFE000  }
0x14f: {  	s1 =	sand.u32 $0x60, s10;
	_ =	swait.ge [sflag:s5], $0x2000  }
0x150: {  	s4 =	sand.u32 $0x780, s10;
	s11 =	sor.u32 $0x10, s1;
	[sflag:s5] =	ssyncset.done $0x0  }
0x151: {  	s4 =	sor.u32 s11, s4;
	[sflag:s5] =	ssyncadd.s32 $0xFFFFE000  }
0x152: {  	v0 =	vld [tilespmem:s4+$0x0]  }
0x153: {  	s20 =	simm.s32 $0x20  }
0x154: {  	s6 =	sand.u32 $0x60, s20  }
0x155: {  	s7 =	sor.u32 $0x10, s6;
	s4 =	sand.u32 $0x780, s20  }
0x156: {  	s4 =	sor.u32 s7, s4  }
0x157: {  	v2 =	vld [tilespmem:s4+$0x0];
	v1 =	vshll.u32 v0, $0x2  }
0x158: {  	v0 =	vand.u32 $0x7F, v0;
	v1 =	vand.u32 $0xFFFFFE00, v1  }
0x159: {  	v0 =	vor.u32 v0, v1;
	_ =	sdelay $0x1  }
0x15a: {  	s23 =	simm.s32 $0x0;
	s12 =	simm.s32 $0x40;
	s14 =	simm.s32 $0x60;
	v1 =	vor.u32 $0x80, v0  }
0x15b: {  	s24 =	sand.u32 $0x1E00, s10;
	s10 =	sand.u32 $0x3, s10;
	s5 =	sand.u32 $0x60, s12;
	v4 =	vshll.u32 v2, $0x2  }
0x15c: {  	s10 =	sshll.u32 s10, $0x5;
	s12 =	sand.u32 $0x780, s12;
	v5 =	vld [tilespmem:s23+$0x0];
	s4 =	sor.u32 $0x10, s5;
	v2 =	vand.u32 $0x7F, v2;
	v3 =	vor.u32 $0x100, v0;
	v4 =	vand.u32 $0xFFFFFE00, v4  }
0x15d: {  	s15 =	sadd.s32 $0x0, s10;
	s10 =	sand.u32 $0x60, s14;
	s12 =	sor.u32 s4, s12;
	v6 =	vor.u32 $0x180, v0;
	v7 =	vld.idx.msk [tilespmem:v0+s0+$0x0], $0xffff;
	v0 =	vor.u32 v2, v4  }
0x15e: {  	s14 =	sand.u32 $0x780, s14;
	v8 =	vld [tilespmem:s12+$0x0];
	s12 =	sor.u32 $0x10, s10  }
0x15f: {  	s14 =	sor.u32 s12, s14;
	v2 =	vld.idx.msk [tilespmem:v1+s0+$0x0], $0xffff;
	v1 =	vor.u32 $0x80, v0  }
0x160: {  	v15 =	vld [tilespmem:s14+$0x0];
	v4 =	vor.u32 $0x100, v0  }
0x161: {  	v10 =	vshll.u32 v5, $0x2;
	v3 =	vld.idx.msk [tilespmem:v3+s0+$0x0], $0xffff  }
0x162: {  	s25 =	simm.s32 $0x20;
	v5 =	vand.u32 $0x7F, v5;
	v10 =	vand.u32 $0xFFFFFE00, v10;
	v9 =	vor.u32 $0x180, v0;
	v11 =	vld.idx.msk [tilespmem:v0+s0+$0x0], $0xffff  }
0x163: {  	v10 =	vor.u32 v5, v10;
	v5 =	vand.u32 $0x7F, v8;
	v0 =	vshll.u32 v8, $0x2;
	v8 =	vld [tilespmem:s25+$0x0]  }
0x164: {  	v12 =	vld.idx.msk [tilespmem:v1+s0+$0x0], $0xffff;
	v1 =	vor.u32 $0x80, v10  }
0x165: {  	v13 =	vld.idx.msk [tilespmem:v4+s0+$0x0], $0xffff;
	v4 =	vor.u32 $0x100, v10;
	v0 =	vand.u32 $0xFFFFFE00, v0  }
0x166: {  	s13 =	sadd.s32 $0x8800, s24;
	v6 =	vld.idx.msk [tilespmem:v6+s0+$0x0], $0xffff;
	v5 =	vor.u32 v5, v0  }
0x167: {  	s19 =	simm.s32 $0x80;
	s11 =	sor.u32 s11, s13;
	v9 =	vld.idx.msk [tilespmem:v9+s0+$0x0], $0xffff;
	v14 =	vor.u32 $0x80, v5  }
0x168: {  	s26 =	sand.u32 $0x1E00, s19;
	s19 =	simm.s32 $0x100;
	[tilespmem:s11+$0x0] =	vst v7;
	v0 =	vld.idx.msk [tilespmem:v10+s0+$0x0], $0xffff;
	v7 =	vor.u32 $0x100, v5  }
0x169: {  	s1 =	sor.u32 s1, s13;
	s16 =	sadd.s32 $0x10, s15;
	s20 =	simm.s32 $0x1;
	[tilespmem:s11+$0x80] =	vst v2;
	v16 =	vor.u32 $0x180, v5;
	v1 =	vld.idx.msk [tilespmem:v1+s0+$0x0], $0xffff  }
0x16a: {  	s18 =	sor.u32 $0x180, s16;
	s29 =	sand.u32 $0x3, s20;
	s20 =	sadd.s32 $0x8800, s26;
	[tilespmem:s11+$0x100] =	vst v3;
	v3 =	vshll.u32 v8, $0x2;
	v2 =	vld.idx.msk [tilespmem:v4+s0+$0x0], $0xffff  }
0x16b: {  	s17 =	sor.u32 $0x180, s15;
	s23 =	sshll.u32 s29, $0x5;
	s24 =	sor.u32 s7, s20;
	[tilespmem:s18+$0x8800] =	vst v6;
	v6 =	vand.u32 $0x7F, v8;
	v8 =	vand.u32 $0xFFFFFE00, v3;
	v3 =	vor.u32 $0x180, v10;
	v4 =	vld.idx.msk [tilespmem:v5+s0+$0x0], $0xffff  }
0x16c: {  	s7 =	simm.s32 $0x6;
	s29 =	simm.s32 $0x40;
	s25 =	sadd.s32 $0x80, s23;
	[tilespmem:s24+$0x0] =	vst v11;
	v11 =	vor.u32 v6, v8;
	v5 =	vld.idx.msk [tilespmem:v14+s0+$0x0], $0xffff  }
0x16d: {  	s23 =	sand.u32 $0x1E00, s19;
	s15 =	sadd.s32 $0x10, s25;
	s13 =	sor.u32 $0x180, s25;
	[tilespmem:s24+$0x80] =	vst v12;
	v6 =	vld.idx.msk [tilespmem:v7+s0+$0x0], $0xffff;
	v10 =	vor.u32 $0x80, v11  }
0x16e: {  	s26 =	sor.u32 $0x180, s15;
	s15 =	sor.u32 s6, s20;
	s6 =	simm.s32 $0x2;
	[tilespmem:s24+$0x100] =	vst v13;
	v12 =	vshll.u32 v15, $0x2;
	v13 =	vand.u32 $0x7F, v15;
	v8 =	vld.idx.msk [tilespmem:v16+s0+$0x0], $0xffff  }
0x16f: {  	s11 =	simm.s32 $0x80;
	s20 =	sadd.s32 $0x8800, s23;
	s14 =	sand.u32 $0x3, s6;
	[tilespmem:s26+$0x8800] =	vst v9;
	v7 =	vor.u32 $0x100, v11;
	v9 =	vor.u32 $0x180, v11;
	v14 =	vand.u32 $0xFFFFFE00, v12;
	v12 =	vld [tilespmem:s29+$0x0]  }
.LBB2_11:
0x170: {  	s16 =	sand.u32 $0x60, s11;
	v13 =	vor.u32 v13, v14;
	s14 =	sshll.u32 s14, $0x5;
	s4 =	sor.u32 s4, s20;
	v14 =	vld.idx.msk [tilespmem:v3+s0+$0x0], $0xffff;
	[tilespmem:s1+$0x80] =	vst v1;
	v15 =	vmov v2;
	v3 =	vmov v9  }
0x171: {  	s29 =	sand.u32 $0x780, s11;
	s23 =	sor.u32 $0x10, s16;
	v9 =	vor.u32 $0x80, v13;
	s14 =	sadd.s32 s14, s19;
	[tilespmem:s4+$0x0] =	vst v4;
	v16 =	vld.idx.msk [tilespmem:v11+s0+$0x0], $0xffff  }
0x172: {  	s7 =	sadd.s32 $0x2, s7;
	v17 =	vor.u32 $0x100, v13;
	s29 =	sor.u32 s23, s29;
	[tilespmem:s4+$0x80] =	vst v5;
	s18 =	sadd.s32 $0x10, s14;
	v1 =	vld.idx.msk [tilespmem:v10+s0+$0x0], $0xffff  }
0x173: {  	p0 =	slt.u32 s7, $0x7E;
	v19 =	vor.u32 $0x180, v13;
	s14 =	sor.u32 $0x180, s14;
	v18 =	vld [tilespmem:s29+$0x0];
	[tilespmem:s4+$0x100] =	vst v6;
	s4 =	sor.u32 $0x180, s18  }
0x174: {  	s18 =	sor.u32 s5, s20;
	s5 =	smov.u32 s10;
	s10 =	smov.u32 s16;
	v6 =	vand.u32 $0x7F, v12;
	v5 =	vshll.u32 v12, $0x2;
	[tilespmem:s4+$0x8800] =	vst v8;
	v2 =	vld.idx.msk [tilespmem:v7+s0+$0x0], $0xffff  }
.Ltmp4:
0x175: {  	s4 =	smov.u32 s12;
	s12 =	smov.u32 s23;
	v4 =	vld.idx.msk [tilespmem:v13+s0+$0x0], $0xffff;
	v7 =	vand.u32 $0xFFFFFE00, v5;
	[tilespmem:s1+$0x100] =	vst v15;
	(pc) =	sbr.rel @p0 .LBB2_11-.Ltmp4, $4  }
0x176: {  	v5 =	vld.idx.msk [tilespmem:v9+s0+$0x0], $0xffff;
	v11 =	vor.u32 v6, v7;
	[tilespmem:s1+$0x0] =	vst v0;
	s1 =	smov.u32 s15;
	s15 =	smov.u32 s18  }
0x177: {  	s19 =	sadd.s32 $0x80, s19;
	v0 =	vmovc v16;
	v6 =	vld.idx.msk [tilespmem:v17+s0+$0x0], $0xffff;
	v10 =	vor.u32 $0x80, v11;
	v7 =	vor.u32 $0x100, v11;
	v9 =	vor.u32 $0x180, v11;
	[tilespmem:s17+$0x8800] =	vst v14;
	s17 =	smov.u32 s13;
	s13 =	smov.u32 s14  }
0x178: {  	s6 =	sadd.s32 $0x1, s6;
	s16 =	sshra.s32 s19, $0x2;
	s18 =	sand.u32 $0x1E00, s19;
	v12 =	vshll.u32 v18, $0x2;
	v8 =	vld.idx.msk [tilespmem:v19+s0+$0x0], $0xffff  }
0x179: {  	s11 =	sadd.s32 $0x20, s11;
	s14 =	sand.u32 $0x3, s6;
	s20 =	sadd.s32 $0x8800, s18;
	v13 =	vand.u32 $0x7F, v18;
	v14 =	vand.u32 $0xFFFFFE00, v12;
	v12 =	vld [tilespmem:s16+$0x0]  }
0x17a: {  	_ =	sdelay $0x3  }
0x17b: {  	v13 =	vor.u32 v13, v14;
	v3 =	vld.idx.msk [tilespmem:v3+s0+$0x0], $0xffff  }
0x17c: {  	v11 =	vld.idx.msk [tilespmem:v11+s0+$0x0], $0xffff;
	s4 =	sor.u32 s4, s20;
	[tilespmem:s1+$0x80] =	vst v1;
	s11 =	sadd.s32 $0x80, s19;
	v14 =	vor.u32 $0x80, v13  }
0x17d: {  	s7 =	sshll.u32 s14, $0x5;
	v10 =	vld.idx.msk [tilespmem:v10+s0+$0x0], $0xffff;
	v1 =	vor.u32 $0x100, v13;
	[tilespmem:s4+$0x0] =	vst v4;
	s26 =	sshra.s32 s11, $0x2  }
0x17e: {  	s7 =	sadd.s32 s7, s19;
	[tilespmem:s4+$0x80] =	vst v5;
	v5 =	vld [tilespmem:s26+$0x0]  }
0x17f: {  	v7 =	vld.idx.msk [tilespmem:v7+s0+$0x0], $0xffff;
	v4 =	vor.u32 $0x180, v13;
	s16 =	sadd.s32 $0x10, s7;
	[tilespmem:s4+$0x100] =	vst v6;
	v6 =	vshll.u32 v12, $0x2  }
0x180: {  	[tilespmem:s1+$0x100] =	vst v2;
	s16 =	sor.u32 $0x180, s16;
	v12 =	vand.u32 $0x7F, v12;
	v13 =	vld.idx.msk [tilespmem:v13+s0+$0x0], $0xffff;
	v6 =	vand.u32 $0xFFFFFE00, v6  }
0x181: {  	[tilespmem:s16+$0x8800] =	vst v8;
	v8 =	vld.idx.msk [tilespmem:v14+s0+$0x0], $0xffff;
	v2 =	vor.u32 v12, v6  }
0x182: {  	[tilespmem:s1+$0x0] =	vst v0;
	v1 =	vld.idx.msk [tilespmem:v1+s0+$0x0], $0xffff;
	v0 =	vor.u32 $0x80, v2  }
0x183: {  	s18 =	sand.u32 $0x1E00, s11;
	s19 =	sadd.s32 $0x1, s6;
	[tilespmem:s17+$0x8800] =	vst v3;
	v3 =	vld.idx.msk [tilespmem:v9+s0+$0x0], $0xffff;
	v9 =	vshll.u32 v5, $0x2  }
0x184: {  	s4 =	sand.u32 $0x3, s19;
	s1 =	sadd.s32 $0x8800, s18;
	[tilespmem:s15+$0x80] =	vst v10;
	v4 =	vld.idx.msk [tilespmem:v4+s0+$0x0], $0xffff;
	v6 =	vor.u32 $0x100, v2;
	v5 =	vand.u32 $0x7F, v5;
	v9 =	vand.u32 $0xFFFFFE00, v9  }
0x185: {  	s4 =	sshll.u32 s4, $0x5;
	s23 =	sor.u32 s12, s1;
	[tilespmem:s15+$0x100] =	vst v7;
	v10 =	vor.u32 $0x180, v2;
	v5 =	vor.u32 v5, v9  }
0x186: {  	s4 =	sadd.s32 s4, s11;
	[tilespmem:s23+$0x80] =	vst v8;
	v8 =	vor.u32 $0x80, v5  }
0x187: {  	s11 =	sadd.s32 $0x10, s4;
	[tilespmem:s23+$0x100] =	vst v1;
	v1 =	vor.u32 $0x100, v5;
	v0 =	vld.idx.msk [tilespmem:v0+s0+$0x0], $0xffff  }
0x188: {  	s24 =	sor.u32 $0x180, s11;
	[tilespmem:s23+$0x0] =	vst v13;
	v2 =	vld.idx.msk [tilespmem:v2+s0+$0x0], $0xffff  }
0x189: {  	[tilespmem:s24+$0x8800] =	vst v4;
	v4 =	vld.idx.msk [tilespmem:v6+s0+$0x0], $0xffff  }
0x18a: {  	[tilespmem:s15+$0x0] =	vst v11;
	v6 =	vor.u32 $0x180, v5;
	v7 =	vld.idx.msk [tilespmem:v10+s0+$0x0], $0xffff  }
0x18b: {  	s5 =	sor.u32 s5, s20;
	[tilespmem:s13+$0x8800] =	vst v3;
	v3 =	vld.idx.msk [tilespmem:v8+s0+$0x0], $0xffff  }
0x18c: {  	[tilespmem:s5+$0x80] =	vst v0;
	v0 =	vld.idx.msk [tilespmem:v1+s0+$0x0], $0xffff  }
0x18d: {  	[tilespmem:s5+$0x0] =	vst v2;
	v1 =	vld.idx.msk [tilespmem:v5+s0+$0x0], $0xffff  }
0x18e: {  	s25 =	sor.u32 $0x180, s7;
	[tilespmem:s5+$0x100] =	vst v4  }
0x18f: {  	s1 =	sor.u32 s10, s1;
	v2 =	vld.idx.msk [tilespmem:v6+s0+$0x0], $0xffff;
	[tilespmem:s25+$0x8800] =	vst v7  }
0x190: {  	[tilespmem:s1+$0x80] =	vst v3  }
0x191: {  	[tilespmem:s1+$0x100] =	vst v0  }
0x192: {  	[tilespmem:s1+$0x0] =	vst v1  }
0x193: {  	s26 =	sshll.u32 s8, $0xC;
	s4 =	sor.u32 $0x180, s4;
	s1 =	rddreg [dreg:$0x5]  }
0x194: {  	s12 =	sshll.u32 s8, $0x4;
	[tilespmem:s4+$0x8800] =	vst v2;
	s4 =	rddreg [dreg:$0x2];
	s10 =	sadd.s32 s1, s26  }
0x195: {  	s5 =	simm.s32 $0x8800;
	s6 =	rddreg [dreg:$0x12];
	s1 =	sadd.s32 s4, s10  }
0x196: {  	[hbm4b:s1+s30] =	stream.strided.scatter [tilespmem:s5], [sflag:$0x5], $0x2000, s31, s30, $0x38;
	[tilespmem:$0x10800] =	vst v63  }
0x197: {  	s1 =	sadd.s32 s12, s6  }
0x198: {  	s7 =	rddreg [dreg:$0x0];
	s5 =	sshll.u32 s1, $0x8  }
0x199: {  	s11 =	simm.s32 $0x2;
	s1 =	sadd.s32 s7, s5  }
0x19a: {  	[tilespmem:s0], [sflag:$0x1] =	stream.strided.gather [hbm4b:s1+s30], $0x2000, s31, s30, $0x38;
	[tilespmem:$0x10800] =	vst v63  }
0x19b: {  	_ =	swait.ge [sflag:s11], $0x2000  }
0x19c: {  	[sflag:s11] =	ssyncset.done $0x0  }
0x19d: {  	s15 =	simm.s32 $0x6;
	s13 =	simm.s32 $0x0;
	[sflag:s11] =	ssyncadd.s32 $0xFFFFE000  }
0x19e: {  	s4 =	sand.u32 $0x60, s13;
	_ =	swait.ge [sflag:s15], $0x2000  }
0x19f: {  	s17 =	sand.u32 $0x780, s13;
	s16 =	sor.u32 $0x10, s4;
	[sflag:s15] =	ssyncset.done $0x0  }
0x1a0: {  	s6 =	sor.u32 s16, s17;
	[sflag:s15] =	ssyncadd.s32 $0xFFFFE000  }
0x1a1: {  	v0 =	vld [tilespmem:s6+$0x0]  }
0x1a2: {  	s18 =	simm.s32 $0x20  }
0x1a3: {  	s7 =	sand.u32 $0x60, s18  }
0x1a4: {  	s11 =	sor.u32 $0x10, s7;
	s6 =	sand.u32 $0x780, s18  }
0x1a5: {  	s6 =	sor.u32 s11, s6  }
0x1a6: {  	v2 =	vld [tilespmem:s6+$0x0];
	v1 =	vshll.u32 v0, $0x2  }
0x1a7: {  	v0 =	vand.u32 $0x7F, v0;
	v1 =	vand.u32 $0xFFFFFE00, v1  }
0x1a8: {  	s20 =	simm.s32 $0x40;
	v0 =	vor.u32 v0, v1  }
0x1a9: {  	s29 =	sand.u32 $0x60, s20  }
0x1aa: {  	s14 =	sand.u32 $0x780, s20;
	s19 =	simm.s32 $0x0;
	s6 =	sor.u32 $0x10, s29;
	v1 =	vor.u32 $0x80, v0  }
0x1ab: {  	v5 =	vld [tilespmem:s19+$0x0];
	s14 =	sor.u32 s6, s14;
	v4 =	vshll.u32 v2, $0x2  }
0x1ac: {  	s23 =	sand.u32 $0x1E00, s13;
	s25 =	simm.s32 $0x60;
	v8 =	vld [tilespmem:s14+$0x0];
	v2 =	vand.u32 $0x7F, v2;
	v3 =	vor.u32 $0x100, v0;
	v4 =	vand.u32 $0xFFFFFE00, v4  }
0x1ad: {  	s1 =	sand.u32 $0x3, s13;
	s13 =	sand.u32 $0x60, s25;
	s14 =	sadd.s32 $0xA800, s23;
	v6 =	vor.u32 $0x180, v0;
	v7 =	vld.idx.msk [tilespmem:v0+s2+$0x0], $0xffff;
	v0 =	vor.u32 v2, v4  }
0x1ae: {  	s15 =	sor.u32 $0x10, s13;
	s26 =	sor.u32 s16, s14;
	s16 =	sand.u32 $0x780, s25  }
0x1af: {  	s16 =	sor.u32 s15, s16;
	v2 =	vld.idx.msk [tilespmem:v1+s2+$0x0], $0xffff;
	v1 =	vor.u32 $0x80, v0  }
0x1b0: {  	v15 =	vld [tilespmem:s16+$0x0];
	v4 =	vor.u32 $0x100, v0  }
0x1b1: {  	v10 =	vshll.u32 v5, $0x2;
	v3 =	vld.idx.msk [tilespmem:v3+s2+$0x0], $0xffff  }
0x1b2: {  	s24 =	simm.s32 $0x20;
	v5 =	vand.u32 $0x7F, v5;
	v10 =	vand.u32 $0xFFFFFE00, v10;
	v9 =	vor.u32 $0x180, v0;
	v11 =	vld.idx.msk [tilespmem:v0+s2+$0x0], $0xffff  }
0x1b3: {  	v10 =	vor.u32 v5, v10;
	v5 =	vand.u32 $0x7F, v8;
	v0 =	vshll.u32 v8, $0x2;
	v8 =	vld [tilespmem:s24+$0x0]  }
0x1b4: {  	v12 =	vld.idx.msk [tilespmem:v1+s2+$0x0], $0xffff;
	v1 =	vor.u32 $0x80, v10  }
0x1b5: {  	v13 =	vld.idx.msk [tilespmem:v4+s2+$0x0], $0xffff;
	v4 =	vor.u32 $0x100, v10;
	v0 =	vand.u32 $0xFFFFFE00, v0  }
0x1b6: {  	s1 =	sshll.u32 s1, $0x5;
	v6 =	vld.idx.msk [tilespmem:v6+s2+$0x0], $0xffff;
	v5 =	vor.u32 v5, v0  }
0x1b7: {  	s1 =	sadd.s32 $0x0, s1;
	v9 =	vld.idx.msk [tilespmem:v9+s2+$0x0], $0xffff;
	v14 =	vor.u32 $0x80, v5  }
0x1b8: {  	s20 =	simm.s32 $0x80;
	s18 =	sadd.s32 $0x10, s1;
	s23 =	simm.s32 $0x1;
	[tilespmem:s26+$0x0] =	vst v7;
	v0 =	vld.idx.msk [tilespmem:v10+s2+$0x0], $0xffff;
	v7 =	vor.u32 $0x100, v5  }
0x1b9: {  	s1 =	sor.u32 $0x180, s1;
	s19 =	sand.u32 $0x1E00, s20;
	s20 =	sand.u32 $0x3, s23;
	[tilespmem:s26+$0x80] =	vst v2;
	v16 =	vor.u32 $0x180, v5;
	v1 =	vld.idx.msk [tilespmem:v1+s2+$0x0], $0xffff  }
0x1ba: {  	s25 =	sadd.s32 $0xA800, s19;
	s24 =	sor.u32 $0x180, s18;
	[tilespmem:s26+$0x100] =	vst v3;
	s26 =	sshll.u32 s20, $0x5;
	v3 =	vshll.u32 v8, $0x2;
	v2 =	vld.idx.msk [tilespmem:v4+s2+$0x0], $0xffff  }
0x1bb: {  	s4 =	sor.u32 s4, s14;
	s11 =	sor.u32 s11, s25;
	[tilespmem:s24+$0xA800] =	vst v6;
	s19 =	sadd.s32 $0x80, s26;
	v6 =	vand.u32 $0x7F, v8;
	v8 =	vand.u32 $0xFFFFFE00, v3;
	v3 =	vor.u32 $0x180, v10;
	v4 =	vld.idx.msk [tilespmem:v5+s2+$0x0], $0xffff  }
0x1bc: {  	s23 =	simm.s32 $0x6;
	s20 =	sadd.s32 $0x10, s19;
	s17 =	sor.u32 $0x180, s19;
	[tilespmem:s11+$0x0] =	vst v11;
	v11 =	vor.u32 v6, v8;
	v5 =	vld.idx.msk [tilespmem:v14+s2+$0x0], $0xffff  }
0x1bd: {  	s19 =	sor.u32 s7, s25;
	s7 =	simm.s32 $0x100;
	s25 =	simm.s32 $0x40;
	[tilespmem:s11+$0x80] =	vst v12;
	v6 =	vld.idx.msk [tilespmem:v7+s2+$0x0], $0xffff;
	v10 =	vor.u32 $0x80, v11  }
0x1be: {  	s24 =	sor.u32 $0x180, s20;
	s26 =	sand.u32 $0x1E00, s7;
	s20 =	simm.s32 $0x2;
	[tilespmem:s11+$0x100] =	vst v13;
	v12 =	vshll.u32 v15, $0x2;
	v13 =	vand.u32 $0x7F, v15;
	v8 =	vld.idx.msk [tilespmem:v16+s2+$0x0], $0xffff  }
0x1bf: {  	s14 =	simm.s32 $0x80;
	s16 =	sand.u32 $0x3, s20;
	s11 =	sadd.s32 $0xA800, s26;
	[tilespmem:s24+$0xA800] =	vst v9;
	v7 =	vor.u32 $0x100, v11;
	v9 =	vor.u32 $0x180, v11;
	v14 =	vand.u32 $0xFFFFFE00, v12;
	v12 =	vld [tilespmem:s25+$0x0]  }
.LBB2_13:
0x1c0: {  	s18 =	sand.u32 $0x60, s14;
	v13 =	vor.u32 v13, v14;
	s16 =	sshll.u32 s16, $0x5;
	s6 =	sor.u32 s6, s11;
	v14 =	vld.idx.msk [tilespmem:v3+s2+$0x0], $0xffff;
	[tilespmem:s4+$0x80] =	vst v1;
	v15 =	vmov v2;
	v3 =	vmov v9  }
0x1c1: {  	s25 =	sand.u32 $0x780, s14;
	s24 =	sor.u32 $0x10, s18;
	v9 =	vor.u32 $0x80, v13;
	s16 =	sadd.s32 s16, s7;
	[tilespmem:s6+$0x0] =	vst v4;
	v16 =	vld.idx.msk [tilespmem:v11+s2+$0x0], $0xffff  }
0x1c2: {  	s23 =	sadd.s32 $0x2, s23;
	v17 =	vor.u32 $0x100, v13;
	s25 =	sor.u32 s24, s25;
	[tilespmem:s6+$0x80] =	vst v5;
	s26 =	sadd.s32 $0x10, s16;
	v1 =	vld.idx.msk [tilespmem:v10+s2+$0x0], $0xffff  }
0x1c3: {  	p0 =	slt.u32 s23, $0x7E;
	v19 =	vor.u32 $0x180, v13;
	s16 =	sor.u32 $0x180, s16;
	v18 =	vld [tilespmem:s25+$0x0];
	[tilespmem:s6+$0x100] =	vst v6;
	s6 =	sor.u32 $0x180, s26  }
0x1c4: {  	s11 =	sor.u32 s29, s11;
	s29 =	smov.u32 s13;
	s13 =	smov.u32 s18;
	v6 =	vand.u32 $0x7F, v12;
	v5 =	vshll.u32 v12, $0x2;
	[tilespmem:s6+$0xA800] =	vst v8;
	v2 =	vld.idx.msk [tilespmem:v7+s2+$0x0], $0xffff  }
.Ltmp5:
0x1c5: {  	s6 =	smov.u32 s15;
	s15 =	smov.u32 s24;
	v4 =	vld.idx.msk [tilespmem:v13+s2+$0x0], $0xffff;
	v7 =	vand.u32 $0xFFFFFE00, v5;
	[tilespmem:s4+$0x100] =	vst v15;
	(pc) =	sbr.rel @p0 .LBB2_13-.Ltmp5, $4  }
0x1c6: {  	v5 =	vld.idx.msk [tilespmem:v9+s2+$0x0], $0xffff;
	v11 =	vor.u32 v6, v7;
	[tilespmem:s4+$0x0] =	vst v0;
	s4 =	smov.u32 s19;
	s19 =	smov.u32 s11  }
0x1c7: {  	s7 =	sadd.s32 $0x80, s7;
	v0 =	vmovc v16;
	v6 =	vld.idx.msk [tilespmem:v17+s2+$0x0], $0xffff;
	v10 =	vor.u32 $0x80, v11;
	v7 =	vor.u32 $0x100, v11;
	v9 =	vor.u32 $0x180, v11;
	[tilespmem:s1+$0xA800] =	vst v14;
	s1 =	smov.u32 s17;
	s17 =	smov.u32 s16  }
0x1c8: {  	s20 =	sadd.s32 $0x1, s20;
	s18 =	sand.u32 $0x1E00, s7;
	s11 =	sshra.s32 s7, $0x2;
	v12 =	vshll.u32 v18, $0x2;
	v8 =	vld.idx.msk [tilespmem:v19+s2+$0x0], $0xffff  }
0x1c9: {  	s14 =	sadd.s32 $0x20, s14;
	s16 =	sand.u32 $0x3, s20;
	v13 =	vand.u32 $0x7F, v18;
	v14 =	vand.u32 $0xFFFFFE00, v12;
	v12 =	vld [tilespmem:s11+$0x0];
	s11 =	sadd.s32 $0xA800, s18  }
0x1ca: {  	_ =	sdelay $0x3  }
0x1cb: {  	v13 =	vor.u32 v13, v14;
	v3 =	vld.idx.msk [tilespmem:v3+s2+$0x0], $0xffff  }
0x1cc: {  	v11 =	vld.idx.msk [tilespmem:v11+s2+$0x0], $0xffff;
	s14 =	sadd.s32 $0x80, s7;
	s6 =	sor.u32 s6, s11;
	[tilespmem:s4+$0x80] =	vst v1;
	v14 =	vor.u32 $0x80, v13  }
0x1cd: {  	s16 =	sshll.u32 s16, $0x5;
	v10 =	vld.idx.msk [tilespmem:v10+s2+$0x0], $0xffff;
	v1 =	vor.u32 $0x100, v13;
	s18 =	sshra.s32 s14, $0x2;
	[tilespmem:s6+$0x0] =	vst v4  }
0x1ce: {  	s23 =	sadd.s32 s16, s7;
	[tilespmem:s6+$0x80] =	vst v5;
	v15 =	vld [tilespmem:s18+$0x0]  }
0x1cf: {  	v4 =	vor.u32 $0x180, v13;
	v5 =	vld.idx.msk [tilespmem:v7+s2+$0x0], $0xffff;
	s16 =	sadd.s32 $0x10, s23;
	[tilespmem:s6+$0x100] =	vst v6;
	v6 =	vshll.u32 v12, $0x2  }
0x1d0: {  	[tilespmem:s4+$0x100] =	vst v2;
	s24 =	sor.u32 $0x180, s16;
	v12 =	vand.u32 $0x7F, v12;
	v7 =	vld.idx.msk [tilespmem:v13+s2+$0x0], $0xffff;
	v6 =	vand.u32 $0xFFFFFE00, v6  }
0x1d1: {  	[tilespmem:s24+$0xA800] =	vst v8;
	v8 =	vld.idx.msk [tilespmem:v14+s2+$0x0], $0xffff;
	v2 =	vor.u32 v12, v6  }
0x1d2: {  	[tilespmem:s4+$0x0] =	vst v0;
	s25 =	sand.u32 $0x1E00, s14;
	v1 =	vld.idx.msk [tilespmem:v1+s2+$0x0], $0xffff;
	v0 =	vor.u32 $0x80, v2  }
0x1d3: {  	s26 =	sadd.s32 $0x1, s20;
	s4 =	sadd.s32 $0xA800, s25;
	[tilespmem:s1+$0xA800] =	vst v3;
	v3 =	vld.idx.msk [tilespmem:v9+s2+$0x0], $0xffff;
	v9 =	vshll.u32 v15, $0x2  }
0x1d4: {  	s6 =	sand.u32 $0x3, s26;
	s15 =	sor.u32 s15, s4;
	[tilespmem:s19+$0x80] =	vst v10;
	v4 =	vld.idx.msk [tilespmem:v4+s2+$0x0], $0xffff;
	v6 =	vor.u32 $0x100, v2;
	v10 =	vand.u32 $0x7F, v15;
	v9 =	vand.u32 $0xFFFFFE00, v9  }
0x1d5: {  	s1 =	sshll.u32 s6, $0x5;
	v12 =	vor.u32 $0x180, v2;
	[tilespmem:s15+$0x0] =	vst v7;
	v7 =	vor.u32 v10, v9  }
0x1d6: {  	s1 =	sadd.s32 s1, s14;
	[tilespmem:s15+$0x80] =	vst v8;
	v8 =	vor.u32 $0x80, v7  }
0x1d7: {  	s14 =	sadd.s32 $0x10, s1;
	[tilespmem:s15+$0x100] =	vst v1;
	v1 =	vor.u32 $0x100, v7;
	v0 =	vld.idx.msk [tilespmem:v0+s2+$0x0], $0xffff  }
0x1d8: {  	[tilespmem:s19+$0x100] =	vst v5;
	s16 =	sor.u32 $0x180, s14;
	v2 =	vld.idx.msk [tilespmem:v2+s2+$0x0], $0xffff  }
0x1d9: {  	v5 =	vor.u32 $0x180, v7;
	[tilespmem:s16+$0xA800] =	vst v4;
	v4 =	vld.idx.msk [tilespmem:v6+s2+$0x0], $0xffff  }
0x1da: {  	[tilespmem:s19+$0x0] =	vst v11;
	v6 =	vld.idx.msk [tilespmem:v12+s2+$0x0], $0xffff  }
0x1db: {  	s18 =	sor.u32 s29, s11;
	[tilespmem:s17+$0xA800] =	vst v3;
	v3 =	vld.idx.msk [tilespmem:v8+s2+$0x0], $0xffff  }
0x1dc: {  	[tilespmem:s18+$0x80] =	vst v0;
	v0 =	vld.idx.msk [tilespmem:v1+s2+$0x0], $0xffff  }
0x1dd: {  	[tilespmem:s18+$0x0] =	vst v2;
	v1 =	vld.idx.msk [tilespmem:v7+s2+$0x0], $0xffff  }
0x1de: {  	s7 =	sor.u32 $0x180, s23;
	v2 =	vld.idx.msk [tilespmem:v5+s2+$0x0], $0xffff;
	[tilespmem:s18+$0x100] =	vst v4  }
0x1df: {  	s4 =	sor.u32 s13, s4;
	[tilespmem:s7+$0xA800] =	vst v6  }
0x1e0: {  	[tilespmem:s4+$0x80] =	vst v3  }
0x1e1: {  	[tilespmem:s4+$0x100] =	vst v0  }
0x1e2: {  	s1 =	sor.u32 $0x180, s1;
	[tilespmem:s4+$0x0] =	vst v1  }
0x1e3: {  	s20 =	simm.s32 $0xA800;
	s23 =	sand.u32 $0x3FF000, s5;
	s19 =	sadd.s32 s10, s21;
	[tilespmem:s1+$0xA800] =	vst v2  }
0x1e4: {  	[hbm4b:s19+s30] =	stream.strided.scatter [tilespmem:s20], [sflag:$0x6], $0x2000, s31, s30, $0x38;
	[tilespmem:$0x10800] =	vst v63  }
0x1e5: {  	s24 =	simm.s32 $0x3;
	s1 =	sadd.s32 s23, s22  }
0x1e6: {  	[tilespmem:s2], [sflag:$0x2] =	stream.strided.gather [hbm4b:s1+s30], $0x2000, s31, s30, $0x38;
	[tilespmem:$0x10800] =	vst v63  }
0x1e7: {  	_ =	swait.ge [sflag:s24], $0x2000  }
0x1e8: {  	[sflag:s24] =	ssyncset.done $0x0  }
0x1e9: {  	s25 =	simm.s32 $0x0;
	s26 =	simm.s32 $0x7;
	[sflag:s24] =	ssyncadd.s32 $0xFFFFE000  }
0x1ea: {  	s4 =	sand.u32 $0x60, s25;
	_ =	swait.ge [sflag:s26], $0x2000  }
0x1eb: {  	s15 =	sand.u32 $0x780, s25;
	s29 =	sor.u32 $0x10, s4;
	[sflag:s26] =	ssyncset.done $0x0  }
0x1ec: {  	s5 =	sor.u32 s29, s15;
	[sflag:s26] =	ssyncadd.s32 $0xFFFFE000  }
0x1ed: {  	v0 =	vld [tilespmem:s5+$0x0]  }
0x1ee: {  	s16 =	simm.s32 $0x20  }
0x1ef: {  	s11 =	sand.u32 $0x60, s16  }
0x1f0: {  	s7 =	sor.u32 $0x10, s11;
	s5 =	sand.u32 $0x780, s16  }
0x1f1: {  	s5 =	sor.u32 s7, s5  }
0x1f2: {  	v2 =	vld [tilespmem:s5+$0x0];
	v1 =	vshll.u32 v0, $0x2  }
0x1f3: {  	v0 =	vand.u32 $0x7F, v0;
	v1 =	vand.u32 $0xFFFFFE00, v1  }
0x1f4: {  	v0 =	vor.u32 v0, v1;
	_ =	sdelay $0x1  }
0x1f5: {  	s18 =	simm.s32 $0x40;
	v1 =	vor.u32 $0x80, v0  }
0x1f6: {  	s17 =	simm.s32 $0x0;
	s5 =	sand.u32 $0x60, s18;
	v4 =	vshll.u32 v2, $0x2  }
0x1f7: {  	s13 =	sand.u32 $0x780, s18;
	s23 =	simm.s32 $0x60;
	v5 =	vld [tilespmem:s17+$0x0];
	s6 =	sor.u32 $0x10, s5;
	v2 =	vand.u32 $0x7F, v2;
	v3 =	vor.u32 $0x100, v0;
	v4 =	vand.u32 $0xFFFFFE00, v4  }
0x1f8: {  	s10 =	sand.u32 $0x60, s23;
	s13 =	sor.u32 s6, s13;
	v6 =	vor.u32 $0x180, v0;
	v7 =	vld.idx.msk [tilespmem:v0+s3+$0x0], $0xffff;
	v0 =	vor.u32 v2, v4  }
0x1f9: {  	s15 =	sand.u32 $0x780, s23;
	v8 =	vld [tilespmem:s13+$0x0];
	s13 =	sor.u32 $0x10, s10  }
0x1fa: {  	s15 =	sor.u32 s13, s15;
	v2 =	vld.idx.msk [tilespmem:v1+s3+$0x0], $0xffff;
	v1 =	vor.u32 $0x80, v0  }
0x1fb: {  	v15 =	vld [tilespmem:s15+$0x0];
	v4 =	vor.u32 $0x100, v0  }
0x1fc: {  	v10 =	vshll.u32 v5, $0x2;
	v3 =	vld.idx.msk [tilespmem:v3+s3+$0x0], $0xffff  }
0x1fd: {  	s20 =	simm.s32 $0x20;
	v5 =	vand.u32 $0x7F, v5;
	v10 =	vand.u32 $0xFFFFFE00, v10;
	v9 =	vor.u32 $0x180, v0;
	v11 =	vld.idx.msk [tilespmem:v0+s3+$0x0], $0xffff  }
0x1fe: {  	v10 =	vor.u32 v5, v10;
	v5 =	vand.u32 $0x7F, v8;
	v0 =	vshll.u32 v8, $0x2;
	v8 =	vld [tilespmem:s20+$0x0]  }
0x1ff: {  	v12 =	vld.idx.msk [tilespmem:v1+s3+$0x0], $0xffff;
	v1 =	vor.u32 $0x80, v10  }
0x200: {  	s19 =	sand.u32 $0x1E00, s25;
	v13 =	vld.idx.msk [tilespmem:v4+s3+$0x0], $0xffff;
	v4 =	vor.u32 $0x100, v10;
	v0 =	vand.u32 $0xFFFFFE00, v0  }
0x201: {  	s14 =	sadd.s32 $0xC800, s19;
	s1 =	sand.u32 $0x3, s25;
	v6 =	vld.idx.msk [tilespmem:v6+s3+$0x0], $0xffff;
	v5 =	vor.u32 v5, v0  }
0x202: {  	s4 =	sor.u32 s4, s14;
	s1 =	sshll.u32 s1, $0x5;
	s24 =	sor.u32 s29, s14;
	v9 =	vld.idx.msk [tilespmem:v9+s3+$0x0], $0xffff;
	v14 =	vor.u32 $0x80, v5  }
0x203: {  	s1 =	sadd.s32 $0x0, s1;
	s29 =	simm.s32 $0x1;
	s26 =	simm.s32 $0x80;
	[tilespmem:s24+$0x0] =	vst v7;
	v0 =	vld.idx.msk [tilespmem:v10+s3+$0x0], $0xffff;
	v7 =	vor.u32 $0x100, v5  }
0x204: {  	s25 =	sadd.s32 $0x10, s1;
	s19 =	sand.u32 $0x3, s29;
	s18 =	sand.u32 $0x1E00, s26;
	[tilespmem:s24+$0x80] =	vst v2;
	v16 =	vor.u32 $0x180, v5;
	v1 =	vld.idx.msk [tilespmem:v1+s3+$0x0], $0xffff  }
0x205: {  	s23 =	sshll.u32 s19, $0x5;
	s17 =	sor.u32 $0x180, s25;
	s20 =	sadd.s32 $0xC800, s18;
	[tilespmem:s24+$0x100] =	vst v3;
	v3 =	vshll.u32 v8, $0x2;
	v2 =	vld.idx.msk [tilespmem:v4+s3+$0x0], $0xffff  }
0x206: {  	s1 =	sor.u32 $0x180, s1;
	s25 =	sadd.s32 $0x80, s23;
	s24 =	sor.u32 s7, s20;
	[tilespmem:s17+$0xC800] =	vst v6;
	v6 =	vand.u32 $0x7F, v8;
	v8 =	vand.u32 $0xFFFFFE00, v3;
	v3 =	vor.u32 $0x180, v10;
	v4 =	vld.idx.msk [tilespmem:v5+s3+$0x0], $0xffff  }
0x207: {  	s14 =	simm.s32 $0x80;
	s19 =	simm.s32 $0x2;
	s17 =	sadd.s32 $0x10, s25;
	[tilespmem:s24+$0x0] =	vst v11;
	v11 =	vor.u32 v6, v8;
	v5 =	vld.idx.msk [tilespmem:v14+s3+$0x0], $0xffff  }
0x208: {  	s26 =	sor.u32 $0x180, s17;
	s17 =	sor.u32 s11, s20;
	s20 =	simm.s32 $0x100;
	[tilespmem:s24+$0x80] =	vst v12;
	v6 =	vld.idx.msk [tilespmem:v7+s3+$0x0], $0xffff;
	v10 =	vor.u32 $0x80, v11  }
0x209: {  	s29 =	simm.s32 $0x40;
	s16 =	sand.u32 $0x3, s19;
	s23 =	sand.u32 $0x1E00, s20;
	[tilespmem:s24+$0x100] =	vst v13;
	v12 =	vshll.u32 v15, $0x2;
	v13 =	vand.u32 $0x7F, v15;
	v8 =	vld.idx.msk [tilespmem:v16+s3+$0x0], $0xffff  }
0x20a: {  	s15 =	sor.u32 $0x180, s25;
	s7 =	simm.s32 $0x6;
	s11 =	sadd.s32 $0xC800, s23;
	[tilespmem:s26+$0xC800] =	vst v9;
	v7 =	vor.u32 $0x100, v11;
	v9 =	vor.u32 $0x180, v11;
	v14 =	vand.u32 $0xFFFFFE00, v12;
	v12 =	vld [tilespmem:s29+$0x0]  }
.LBB2_15:
0x20b: {  	s18 =	sand.u32 $0x60, s14;
	v13 =	vor.u32 v13, v14;
	s16 =	sshll.u32 s16, $0x5;
	s6 =	sor.u32 s6, s11;
	v14 =	vld.idx.msk [tilespmem:v3+s3+$0x0], $0xffff;
	[tilespmem:s4+$0x80] =	vst v1;
	v15 =	vmov v2;
	v3 =	vmov v9  }
0x20c: {  	s24 =	sand.u32 $0x780, s14;
	s23 =	sor.u32 $0x10, s18;
	v9 =	vor.u32 $0x80, v13;
	s16 =	sadd.s32 s16, s20;
	[tilespmem:s6+$0x0] =	vst v4;
	v16 =	vld.idx.msk [tilespmem:v11+s3+$0x0], $0xffff  }
0x20d: {  	s7 =	sadd.s32 $0x2, s7;
	v17 =	vor.u32 $0x100, v13;
	s24 =	sor.u32 s23, s24;
	[tilespmem:s6+$0x80] =	vst v5;
	s25 =	sadd.s32 $0x10, s16;
	v1 =	vld.idx.msk [tilespmem:v10+s3+$0x0], $0xffff  }
0x20e: {  	p0 =	slt.u32 s7, $0x7E;
	v19 =	vor.u32 $0x180, v13;
	s16 =	sor.u32 $0x180, s16;
	v18 =	vld [tilespmem:s24+$0x0];
	[tilespmem:s6+$0x100] =	vst v6;
	s6 =	sor.u32 $0x180, s25  }
0x20f: {  	s11 =	sor.u32 s5, s11;
	s5 =	smov.u32 s10;
	s10 =	smov.u32 s18;
	v6 =	vand.u32 $0x7F, v12;
	v5 =	vshll.u32 v12, $0x2;
	[tilespmem:s6+$0xC800] =	vst v8;
	v2 =	vld.idx.msk [tilespmem:v7+s3+$0x0], $0xffff  }
.Ltmp6:
0x210: {  	s6 =	smov.u32 s13;
	s13 =	smov.u32 s23;
	v4 =	vld.idx.msk [tilespmem:v13+s3+$0x0], $0xffff;
	v7 =	vand.u32 $0xFFFFFE00, v5;
	[tilespmem:s4+$0x100] =	vst v15;
	(pc) =	sbr.rel @p0 .LBB2_15-.Ltmp6, $4  }
0x211: {  	v5 =	vld.idx.msk [tilespmem:v9+s3+$0x0], $0xffff;
	v11 =	vor.u32 v6, v7;
	[tilespmem:s4+$0x0] =	vst v0;
	s4 =	smov.u32 s17;
	s17 =	smov.u32 s11  }
0x212: {  	s20 =	sadd.s32 $0x80, s20;
	v0 =	vmovc v16;
	v6 =	vld.idx.msk [tilespmem:v17+s3+$0x0], $0xffff;
	v10 =	vor.u32 $0x80, v11;
	v7 =	vor.u32 $0x100, v11;
	v9 =	vor.u32 $0x180, v11;
	[tilespmem:s1+$0xC800] =	vst v14;
	s1 =	smov.u32 s15;
	s15 =	smov.u32 s16  }
0x213: {  	s19 =	sadd.s32 $0x1, s19;
	s18 =	sand.u32 $0x1E00, s20;
	s11 =	sshra.s32 s20, $0x2;
	v12 =	vshll.u32 v18, $0x2;
	v8 =	vld.idx.msk [tilespmem:v19+s3+$0x0], $0xffff  }
0x214: {  	s14 =	sadd.s32 $0x20, s14;
	s16 =	sand.u32 $0x3, s19;
	v13 =	vand.u32 $0x7F, v18;
	v14 =	vand.u32 $0xFFFFFE00, v12;
	v12 =	vld [tilespmem:s11+$0x0];
	s11 =	sadd.s32 $0xC800, s18  }
0x215: {  	_ =	sdelay $0x3  }
0x216: {  	v13 =	vor.u32 v13, v14;
	v3 =	vld.idx.msk [tilespmem:v3+s3+$0x0], $0xffff;
	[tilespmem:s4+$0x80] =	vst v1  }
0x217: {  	v11 =	vld.idx.msk [tilespmem:v11+s3+$0x0], $0xffff;
	s14 =	sadd.s32 $0x80, s20;
	[tilespmem:s4+$0x100] =	vst v2;
	v14 =	vor.u32 $0x80, v13  }
0x218: {  	s7 =	sshll.u32 s16, $0x5;
	s6 =	sor.u32 s6, s11;
	v10 =	vld.idx.msk [tilespmem:v10+s3+$0x0], $0xffff;
	[tilespmem:s4+$0x0] =	vst v0;
	s29 =	sshra.s32 s14, $0x2  }
0x219: {  	v1 =	vor.u32 $0x100, v13;
	s7 =	sadd.s32 s7, s20;
	[tilespmem:s6+$0x80] =	vst v5;
	v5 =	vld [tilespmem:s29+$0x0]  }
0x21a: {  	v7 =	vld.idx.msk [tilespmem:v7+s3+$0x0], $0xffff;
	[tilespmem:s6+$0x0] =	vst v4;
	v4 =	vor.u32 $0x180, v13;
	s18 =	sadd.s32 $0x10, s7  }
0x21b: {  	[tilespmem:s6+$0x100] =	vst v6;
	s20 =	sor.u32 $0x180, s18;
	v6 =	vshll.u32 v12, $0x2;
	v13 =	vld.idx.msk [tilespmem:v13+s3+$0x0], $0xffff  }
0x21c: {  	v12 =	vand.u32 $0x7F, v12;
	[tilespmem:s20+$0xC800] =	vst v8;
	v6 =	vand.u32 $0xFFFFFE00, v6;
	v8 =	vld.idx.msk [tilespmem:v14+s3+$0x0], $0xffff  }
0x21d: {  	[tilespmem:s1+$0xC800] =	vst v3;
	v3 =	vld.idx.msk [tilespmem:v9+s3+$0x0], $0xffff;
	v2 =	vor.u32 v12, v6  }
0x21e: {  	s24 =	sadd.s32 $0x1, s19;
	s23 =	sand.u32 $0x1E00, s14;
	v1 =	vld.idx.msk [tilespmem:v1+s3+$0x0], $0xffff;
	v0 =	vor.u32 $0x80, v2;
	v9 =	vshll.u32 v5, $0x2  }
0x21f: {  	s25 =	sand.u32 $0x3, s24;
	s4 =	sadd.s32 $0xC800, s23;
	[tilespmem:s17+$0x80] =	vst v10;
	v4 =	vld.idx.msk [tilespmem:v4+s3+$0x0], $0xffff;
	v6 =	vor.u32 $0x100, v2;
	v5 =	vand.u32 $0x7F, v5;
	v9 =	vand.u32 $0xFFFFFE00, v9  }
0x220: {  	s26 =	sor.u32 s13, s4;
	s1 =	sshll.u32 s25, $0x5;
	[tilespmem:s17+$0x100] =	vst v7;
	v10 =	vor.u32 $0x180, v2;
	v5 =	vor.u32 v5, v9  }
0x221: {  	s1 =	sadd.s32 s1, s14;
	[tilespmem:s26+$0x80] =	vst v8;
	v8 =	vor.u32 $0x80, v5  }
0x222: {  	s29 =	sadd.s32 $0x10, s1;
	[tilespmem:s26+$0x0] =	vst v13;
	v2 =	vld.idx.msk [tilespmem:v2+s3+$0x0], $0xffff  }
0x223: {  	s13 =	sor.u32 $0x180, s29;
	[tilespmem:s26+$0x100] =	vst v1;
	v1 =	vor.u32 $0x100, v5;
	v0 =	vld.idx.msk [tilespmem:v0+s3+$0x0], $0xffff  }
0x224: {  	[tilespmem:s13+$0xC800] =	vst v4;
	v4 =	vld.idx.msk [tilespmem:v6+s3+$0x0], $0xffff  }
0x225: {  	[tilespmem:s17+$0x0] =	vst v11;
	v6 =	vor.u32 $0x180, v5;
	v7 =	vld.idx.msk [tilespmem:v10+s3+$0x0], $0xffff  }
0x226: {  	s5 =	sor.u32 s5, s11;
	[tilespmem:s15+$0xC800] =	vst v3;
	v3 =	vld.idx.msk [tilespmem:v8+s3+$0x0], $0xffff  }
0x227: {  	[tilespmem:s5+$0x0] =	vst v2  }
0x228: {  	[tilespmem:s5+$0x80] =	vst v0;
	v0 =	vld.idx.msk [tilespmem:v1+s3+$0x0], $0xffff  }
0x229: {  	s14 =	sor.u32 $0x180, s7;
	v1 =	vld.idx.msk [tilespmem:v5+s3+$0x0], $0xffff;
	[tilespmem:s5+$0x100] =	vst v4  }
0x22a: {  	s4 =	sor.u32 s10, s4;
	v2 =	vld.idx.msk [tilespmem:v6+s3+$0x0], $0xffff;
	[tilespmem:s14+$0xC800] =	vst v7  }
0x22b: {  	[tilespmem:s4+$0x80] =	vst v3  }
0x22c: {  	s5 =	rddreg [dreg:$0x4]  }
0x22d: {  	[tilespmem:s4+$0x100] =	vst v0;
	s5 =	sor.u32 s12, s5  }
0x22e: {  	s1 =	sor.u32 $0x180, s1;
	[tilespmem:s4+$0x0] =	vst v1;
	s5 =	sshll.u32 s5, $0x8  }
0x22f: {  	s15 =	rddreg [dreg:$0x2];
	[tilespmem:s1+$0xC800] =	vst v2;
	s10 =	sor.u32 $0x800, s5  }
0x230: {  	s16 =	simm.s32 $0xC800;
	s17 =	rddreg [dreg:$0x13];
	s1 =	sadd.s32 s15, s10  }
0x231: {  	[hbm4b:s1+s30] =	stream.strided.scatter [tilespmem:s16], [sflag:$0x7], $0x2000, s31, s30, $0x38;
	[tilespmem:$0x10800] =	vst v63  }
0x232: {  	s1 =	sadd.s32 s12, s17  }
0x233: {  	s18 =	rddreg [dreg:$0x0];
	s5 =	sshll.u32 s1, $0x8  }
0x234: {  	s19 =	simm.s32 $0x4;
	s1 =	sadd.s32 s18, s5  }
0x235: {  	[tilespmem:s3], [sflag:$0x3] =	stream.strided.gather [hbm4b:s1+s30], $0x2000, s31, s30, $0x38;
	[tilespmem:$0x10800] =	vst v63  }
0x236: {  	_ =	swait.ge [sflag:s19], $0x2000  }
0x237: {  	[sflag:s19] =	ssyncset.done $0x0  }
0x238: {  	s20 =	simm.s32 $0x0;
	[sflag:s19] =	ssyncadd.s32 $0xFFFFE000  }
0x239: {  	s4 =	sand.u32 $0x60, s20;
	_ =	swait.ge [sflag:s28], $0x2000  }
0x23a: {  	s24 =	sand.u32 $0x780, s20;
	s23 =	sor.u32 $0x10, s4;
	[sflag:s28] =	ssyncset.done $0x0  }
0x23b: {  	s6 =	sor.u32 s23, s24;
	[sflag:s28] =	ssyncadd.s32 $0xFFFFE000  }
0x23c: {  	v0 =	vld [tilespmem:s6+$0x0]  }
0x23d: {  	s25 =	simm.s32 $0x20  }
0x23e: {  	s7 =	sand.u32 $0x60, s25  }
0x23f: {  	s11 =	sor.u32 $0x10, s7;
	s6 =	sand.u32 $0x780, s25  }
0x240: {  	s6 =	sor.u32 s11, s6  }
0x241: {  	v2 =	vld [tilespmem:s6+$0x0];
	v1 =	vshll.u32 v0, $0x2  }
0x242: {  	v0 =	vand.u32 $0x7F, v0;
	v1 =	vand.u32 $0xFFFFFE00, v1  }
0x243: {  	v0 =	vor.u32 v0, v1;
	_ =	sdelay $0x1  }
0x244: {  	s29 =	simm.s32 $0x40;
	s26 =	simm.s32 $0x0;
	v1 =	vor.u32 $0x80, v0  }
0x245: {  	s12 =	sand.u32 $0x60, s29;
	v5 =	vld [tilespmem:s26+$0x0];
	v4 =	vshll.u32 v2, $0x2;
	v3 =	vor.u32 $0x100, v0  }
0x246: {  	s14 =	sand.u32 $0x780, s29;
	s6 =	sor.u32 $0x10, s12;
	v2 =	vand.u32 $0x7F, v2;
	v6 =	vor.u32 $0x180, v0;
	v4 =	vand.u32 $0xFFFFFE00, v4  }
0x247: {  	s14 =	sor.u32 s6, s14;
	v7 =	vld.idx.msk [tilespmem:v0+s9+$0x0], $0xffff;
	v0 =	vor.u32 v2, v4  }
0x248: {  	v8 =	vld [tilespmem:s14+$0x0]  }
0x249: {  	v2 =	vld.idx.msk [tilespmem:v1+s9+$0x0], $0xffff;
	v1 =	vor.u32 $0x80, v0  }
0x24a: {  	v10 =	vshll.u32 v5, $0x2;
	v4 =	vor.u32 $0x100, v0;
	v3 =	vld.idx.msk [tilespmem:v3+s9+$0x0], $0xffff  }
0x24b: {  	v5 =	vand.u32 $0x7F, v5;
	v10 =	vand.u32 $0xFFFFFE00, v10;
	v9 =	vor.u32 $0x180, v0;
	v6 =	vld.idx.msk [tilespmem:v6+s9+$0x0], $0xffff  }
0x24c: {  	s16 =	simm.s32 $0x20;
	v10 =	vor.u32 v5, v10;
	v11 =	vld.idx.msk [tilespmem:v0+s9+$0x0], $0xffff  }
0x24d: {  	v5 =	vand.u32 $0x7F, v8;
	v0 =	vshll.u32 v8, $0x2;
	v8 =	vld [tilespmem:s16+$0x0]  }
0x24e: {  	s24 =	simm.s32 $0x80;
	s17 =	simm.s32 $0x60;
	v12 =	vld.idx.msk [tilespmem:v1+s9+$0x0], $0xffff;
	v1 =	vor.u32 $0x80, v10  }
0x24f: {  	s15 =	sand.u32 $0x1E00, s20;
	s13 =	sand.u32 $0x60, s17;
	s1 =	sand.u32 $0x3, s20;
	v13 =	vld.idx.msk [tilespmem:v4+s9+$0x0], $0xffff;
	v4 =	vor.u32 $0x100, v10;
	v0 =	vand.u32 $0xFFFFFE00, v0  }
0x250: {  	s14 =	sadd.s32 $0xE800, s15;
	s15 =	sor.u32 $0x10, s13;
	s16 =	sand.u32 $0x780, s17;
	v9 =	vld.idx.msk [tilespmem:v9+s9+$0x0], $0xffff;
	v5 =	vor.u32 v5, v0  }
0x251: {  	s1 =	sshll.u32 s1, $0x5;
	s18 =	sor.u32 s23, s14;
	s16 =	sor.u32 s15, s16;
	v0 =	vld.idx.msk [tilespmem:v10+s9+$0x0], $0xffff;
	v14 =	vor.u32 $0x80, v5  }
0x252: {  	s1 =	sadd.s32 $0x0, s1;
	s19 =	sand.u32 $0x1E00, s24;
	s25 =	simm.s32 $0x1;
	[tilespmem:s18+$0x0] =	vst v7;
	v15 =	vld [tilespmem:s16+$0x0];
	v7 =	vor.u32 $0x100, v5  }
0x253: {  	s29 =	sadd.s32 $0xE800, s19;
	s20 =	sand.u32 $0x3, s25;
	s23 =	sadd.s32 $0x10, s1;
	[tilespmem:s18+$0x80] =	vst v2;
	v16 =	vor.u32 $0x180, v5;
	v1 =	vld.idx.msk [tilespmem:v1+s9+$0x0], $0xffff  }
0x254: {  	s11 =	sor.u32 s11, s29;
	s19 =	sshll.u32 s20, $0x5;
	s26 =	sor.u32 $0x180, s23;
	[tilespmem:s18+$0x100] =	vst v3;
	v3 =	vshll.u32 v8, $0x2;
	v2 =	vld.idx.msk [tilespmem:v4+s9+$0x0], $0xffff  }
0x255: {  	s20 =	sadd.s32 $0x80, s19;
	s19 =	sor.u32 s7, s29;
	s7 =	simm.s32 $0x100;
	[tilespmem:s26+$0xE800] =	vst v6;
	v6 =	vand.u32 $0x7F, v8;
	v8 =	vand.u32 $0xFFFFFE00, v3;
	v3 =	vor.u32 $0x180, v10;
	v4 =	vld.idx.msk [tilespmem:v5+s9+$0x0], $0xffff  }
0x256: {  	s24 =	sadd.s32 $0x10, s20;
	s29 =	sand.u32 $0x1E00, s7;
	s1 =	sor.u32 $0x180, s1;
	[tilespmem:s11+$0x0] =	vst v11;
	v11 =	vor.u32 v6, v8;
	v5 =	vld.idx.msk [tilespmem:v14+s9+$0x0], $0xffff  }
0x257: {  	s4 =	sor.u32 s4, s14;
	s25 =	sor.u32 $0x180, s24;
	s14 =	simm.s32 $0x80;
	[tilespmem:s11+$0x80] =	vst v12;
	v6 =	vld.idx.msk [tilespmem:v7+s9+$0x0], $0xffff;
	v10 =	vor.u32 $0x80, v11  }
0x258: {  	s17 =	sor.u32 $0x180, s20;
	s20 =	simm.s32 $0x2;
	s26 =	simm.s32 $0x40;
	[tilespmem:s11+$0x100] =	vst v13;
	v12 =	vshll.u32 v15, $0x2;
	v13 =	vand.u32 $0x7F, v15;
	v8 =	vld.idx.msk [tilespmem:v16+s9+$0x0], $0xffff  }
0x259: {  	s23 =	simm.s32 $0x6;
	s16 =	sand.u32 $0x3, s20;
	s11 =	sadd.s32 $0xE800, s29;
	[tilespmem:s25+$0xE800] =	vst v9;
	v7 =	vor.u32 $0x100, v11;
	v9 =	vor.u32 $0x180, v11;
	v14 =	vand.u32 $0xFFFFFE00, v12;
	v12 =	vld [tilespmem:s26+$0x0]  }
.LBB2_17:
0x25a: {  	s18 =	sand.u32 $0x60, s14;
	v13 =	vor.u32 v13, v14;
	s16 =	sshll.u32 s16, $0x5;
	s6 =	sor.u32 s6, s11;
	v14 =	vld.idx.msk [tilespmem:v3+s9+$0x0], $0xffff;
	[tilespmem:s4+$0x80] =	vst v1;
	v15 =	vmov v2;
	v3 =	vmov v9  }
0x25b: {  	s25 =	sand.u32 $0x780, s14;
	s24 =	sor.u32 $0x10, s18;
	v9 =	vor.u32 $0x80, v13;
	s16 =	sadd.s32 s16, s7;
	[tilespmem:s6+$0x0] =	vst v4;
	v16 =	vld.idx.msk [tilespmem:v11+s9+$0x0], $0xffff  }
0x25c: {  	s23 =	sadd.s32 $0x2, s23;
	v17 =	vor.u32 $0x100, v13;
	s25 =	sor.u32 s24, s25;
	[tilespmem:s6+$0x80] =	vst v5;
	s26 =	sadd.s32 $0x10, s16;
	v1 =	vld.idx.msk [tilespmem:v10+s9+$0x0], $0xffff  }
0x25d: {  	p0 =	slt.u32 s23, $0x7E;
	v19 =	vor.u32 $0x180, v13;
	s16 =	sor.u32 $0x180, s16;
	v18 =	vld [tilespmem:s25+$0x0];
	[tilespmem:s6+$0x100] =	vst v6;
	s6 =	sor.u32 $0x180, s26  }
0x25e: {  	s11 =	sor.u32 s12, s11;
	s12 =	smov.u32 s13;
	s13 =	smov.u32 s18;
	v6 =	vand.u32 $0x7F, v12;
	v5 =	vshll.u32 v12, $0x2;
	[tilespmem:s6+$0xE800] =	vst v8;
	v2 =	vld.idx.msk [tilespmem:v7+s9+$0x0], $0xffff  }
.Ltmp7:
0x25f: {  	s6 =	smov.u32 s15;
	s15 =	smov.u32 s24;
	v4 =	vld.idx.msk [tilespmem:v13+s9+$0x0], $0xffff;
	v7 =	vand.u32 $0xFFFFFE00, v5;
	[tilespmem:s4+$0x100] =	vst v15;
	(pc) =	sbr.rel @p0 .LBB2_17-.Ltmp7, $4  }
0x260: {  	v5 =	vld.idx.msk [tilespmem:v9+s9+$0x0], $0xffff;
	v11 =	vor.u32 v6, v7;
	[tilespmem:s4+$0x0] =	vst v0;
	s4 =	smov.u32 s19;
	s19 =	smov.u32 s11  }
0x261: {  	s7 =	sadd.s32 $0x80, s7;
	v0 =	vmovc v16;
	v6 =	vld.idx.msk [tilespmem:v17+s9+$0x0], $0xffff;
	v10 =	vor.u32 $0x80, v11;
	v7 =	vor.u32 $0x100, v11;
	v9 =	vor.u32 $0x180, v11;
	[tilespmem:s1+$0xE800] =	vst v14;
	s1 =	smov.u32 s17;
	s17 =	smov.u32 s16  }
0x262: {  	s20 =	sadd.s32 $0x1, s20;
	s18 =	sand.u32 $0x1E00, s7;
	s11 =	sshra.s32 s7, $0x2;
	v12 =	vshll.u32 v18, $0x2;
	v8 =	vld.idx.msk [tilespmem:v19+s9+$0x0], $0xffff  }
0x263: {  	s14 =	sadd.s32 $0x20, s14;
	s16 =	sand.u32 $0x3, s20;
	v13 =	vand.u32 $0x7F, v18;
	v14 =	vand.u32 $0xFFFFFE00, v12;
	v12 =	vld [tilespmem:s11+$0x0];
	s11 =	sadd.s32 $0xE800, s18  }
0x264: {  	_ =	sdelay $0x3  }
0x265: {  	v3 =	vld.idx.msk [tilespmem:v3+s9+$0x0], $0xffff;
	[tilespmem:s4+$0x80] =	vst v1  }
0x266: {  	s14 =	sadd.s32 $0x80, s7;
	[tilespmem:s4+$0x100] =	vst v2  }
0x267: {  	v13 =	vor.u32 v13, v14;
	s16 =	sshll.u32 s16, $0x5;
	s6 =	sor.u32 s6, s11;
	v10 =	vld.idx.msk [tilespmem:v10+s9+$0x0], $0xffff;
	[tilespmem:s4+$0x0] =	vst v0;
	s18 =	sshra.s32 s14, $0x2  }
0x268: {  	v14 =	vor.u32 $0x80, v13;
	s25 =	sadd.s32 s16, s7;
	[tilespmem:s6+$0x0] =	vst v4;
	v15 =	vld [tilespmem:s18+$0x0]  }
0x269: {  	v44 =	vld.idx.msk [tilespmem:v7+s9+$0x0], $0xffff;
	v42 =	vor.u32 $0x100, v13;
	[tilespmem:s6+$0x80] =	vst v5;
	s16 =	sadd.s32 $0x10, s25;
	v45 =	vshll.u32 v12, $0x2  }
0x26a: {  	v11 =	vld.idx.msk [tilespmem:v11+s9+$0x0], $0xffff;
	v43 =	vor.u32 $0x180, v13;
	[tilespmem:s6+$0x100] =	vst v6;
	s26 =	sor.u32 $0x180, s16;
	v47 =	vand.u32 $0x7F, v12;
	v6 =	vand.u32 $0xFFFFFE00, v45  }
0x26b: {  	v51 =	vld.idx.msk [tilespmem:v9+s9+$0x0], $0xffff;
	[tilespmem:s26+$0xE800] =	vst v8;
	v49 =	vor.u32 v47, v6  }
0x26c: {  	v46 =	vld.idx.msk [tilespmem:v13+s9+$0x0], $0xffff;
	[tilespmem:s1+$0xE800] =	vst v3;
	v50 =	vor.u32 $0x80, v49  }
0x26d: {  	[tilespmem:s19+$0x80] =	vst v10;
	v48 =	vld.idx.msk [tilespmem:v14+s9+$0x0], $0xffff;
	v6 =	vor.u32 $0x100, v49;
	v52 =	vshll.u32 v15, $0x2  }
0x26e: {  	s29 =	sand.u32 $0x1E00, s14;
	s16 =	sadd.s32 $0x1, s20;
	[tilespmem:s19+$0x100] =	vst v44;
	v1 =	vld.idx.msk [tilespmem:v42+s9+$0x0], $0xffff;
	v53 =	vand.u32 $0x7F, v15;
	v12 =	vor.u32 $0x180, v49;
	v9 =	vand.u32 $0xFFFFFE00, v52  }
0x26f: {  	s4 =	sadd.s32 $0xE800, s29;
	s18 =	sand.u32 $0x3, s16;
	[tilespmem:s19+$0x0] =	vst v11;
	v4 =	vld.idx.msk [tilespmem:v43+s9+$0x0], $0xffff;
	v54 =	vor.u32 v53, v9  }
0x270: {  	s20 =	sor.u32 s15, s4;
	s1 =	sshll.u32 s18, $0x5;
	[tilespmem:s17+$0xE800] =	vst v51;
	v55 =	vor.u32 $0x80, v54;
	v2 =	vld.idx.msk [tilespmem:v49+s9+$0x0], $0xffff  }
0x271: {  	s1 =	sadd.s32 s1, s14;
	[tilespmem:s20+$0x0] =	vst v46;
	v56 =	vor.u32 $0x100, v54;
	v0 =	vld.idx.msk [tilespmem:v50+s9+$0x0], $0xffff  }
0x272: {  	s14 =	sadd.s32 $0x10, s1;
	v58 =	vor.u32 $0x180, v54;
	[tilespmem:s20+$0x80] =	vst v48;
	v57 =	vld.idx.msk [tilespmem:v6+s9+$0x0], $0xffff  }
0x273: {  	s23 =	sor.u32 $0x180, s14;
	[tilespmem:s20+$0x100] =	vst v1;
	v59 =	vld.idx.msk [tilespmem:v12+s9+$0x0], $0xffff  }
0x274: {  	s24 =	sor.u32 s12, s11;
	[tilespmem:s23+$0xE800] =	vst v4;
	v62 =	vld.idx.msk [tilespmem:v54+s9+$0x0], $0xffff  }
0x275: {  	v60 =	vld.idx.msk [tilespmem:v55+s9+$0x0], $0xffff;
	[tilespmem:s24+$0x0] =	vst v2  }
0x276: {  	v61 =	vld.idx.msk [tilespmem:v56+s9+$0x0], $0xffff;
	[tilespmem:s24+$0x80] =	vst v0  }
0x277: {  	s7 =	sor.u32 $0x180, s25;
	v63 =	vld.idx.msk [tilespmem:v58+s9+$0x0], $0xffff;
	[tilespmem:s24+$0x100] =	vst v57  }
0x278: {  	s4 =	sor.u32 s13, s4;
	[tilespmem:s7+$0xE800] =	vst v59  }
0x279: {  	s8 =	sadd.s32 $0x1, s8;
	[tilespmem:s4+$0x0] =	vst v62  }
0x27a: {  	p0 =	sne.s32 s8, $0xF;
	[tilespmem:s4+$0x80] =	vst v60  }
.Ltmp8:
0x27b: {  	s1 =	sor.u32 $0x180, s1;
	[tilespmem:s4+$0x100] =	vst v61;
	(pc) =	sbr.rel @p0 .LBB2_10-.Ltmp8, $4  }
0x27c: {  	s25 =	sadd.s32 s10, s21;
	s29 =	sand.u32 $0x3FF800, s5;
	s26 =	simm.s32 $0xE800;
	[tilespmem:s1+$0xE800] =	vst v63  }
0x27d: {  	[hbm4b:s25+s30] =	stream.strided.scatter [tilespmem:s26], [sflag:$0x8], $0x2000, s31, s30, $0x38;
	[tilespmem:$0x10800] =	vst v63  }
0x27e: {  	s1 =	sadd.s32 s29, s22  }
0x27f: {  	[tilespmem:s9], [sflag:$0x4] =	stream.strided.gather [hbm4b:s1+s30], $0x2000, s31, s30, $0x38;
	[tilespmem:$0x10800] =	vst v63  }
0x280: {  	s1 =	simm.s32 $0x1  }
0x281: {  	_ =	swait.ge [sflag:s1], $0x2000  }
0x282: {  	[sflag:s1] =	ssyncset.done $0x0  }
0x283: {  	s15 =	simm.s32 $0x0;
	s6 =	simm.s32 $0x5;
	[sflag:s1] =	ssyncadd.s32 $0xFFFFE000  }
0x284: {  	s4 =	sand.u32 $0x60, s15;
	_ =	swait.ge [sflag:s6], $0x2000  }
0x285: {  	s5 =	sand.u32 $0x780, s15;
	s8 =	sor.u32 $0x10, s4;
	[sflag:s6] =	ssyncset.done $0x0  }
0x286: {  	s5 =	sor.u32 s8, s5;
	[sflag:s6] =	ssyncadd.s32 $0xFFFFE000  }
0x287: {  	v0 =	vld [tilespmem:s5+$0x0]  }
0x288: {  	s16 =	simm.s32 $0x20  }
0x289: {  	s11 =	sand.u32 $0x60, s16  }
0x28a: {  	s7 =	sor.u32 $0x10, s11;
	s5 =	sand.u32 $0x780, s16  }
0x28b: {  	s5 =	sor.u32 s7, s5  }
0x28c: {  	v2 =	vld [tilespmem:s5+$0x0];
	v1 =	vshll.u32 v0, $0x2  }
0x28d: {  	v0 =	vand.u32 $0x7F, v0;
	v1 =	vand.u32 $0xFFFFFE00, v1  }
0x28e: {  	v0 =	vor.u32 v0, v1;
	_ =	sdelay $0x1  }
0x28f: {  	s17 =	simm.s32 $0x0;
	s10 =	simm.s32 $0x40;
	v1 =	vor.u32 $0x80, v0  }
0x290: {  	s13 =	simm.s32 $0x60;
	s18 =	sand.u32 $0x1E00, s15;
	s5 =	sand.u32 $0x60, s10;
	v4 =	vshll.u32 v2, $0x2  }
0x291: {  	s12 =	sadd.s32 $0x8800, s18;
	v5 =	vld [tilespmem:s17+$0x0];
	s10 =	sand.u32 $0x780, s10;
	s6 =	sor.u32 $0x10, s5;
	v2 =	vand.u32 $0x7F, v2;
	v3 =	vor.u32 $0x100, v0;
	v4 =	vand.u32 $0xFFFFFE00, v4  }
0x292: {  	s14 =	sor.u32 s8, s12;
	s8 =	sand.u32 $0x60, s13;
	s10 =	sor.u32 s6, s10;
	v6 =	vor.u32 $0x180, v0;
	v7 =	vld.idx.msk [tilespmem:v0+s0+$0x0], $0xffff;
	v0 =	vor.u32 v2, v4  }
0x293: {  	s13 =	sand.u32 $0x780, s13;
	v8 =	vld [tilespmem:s10+$0x0];
	s10 =	sor.u32 $0x10, s8  }
0x294: {  	s13 =	sor.u32 s10, s13;
	v2 =	vld.idx.msk [tilespmem:v1+s0+$0x0], $0xffff;
	v1 =	vor.u32 $0x80, v0  }
0x295: {  	v15 =	vld [tilespmem:s13+$0x0];
	v4 =	vor.u32 $0x100, v0  }
0x296: {  	v10 =	vshll.u32 v5, $0x2;
	v3 =	vld.idx.msk [tilespmem:v3+s0+$0x0], $0xffff  }
0x297: {  	s19 =	simm.s32 $0x20;
	v5 =	vand.u32 $0x7F, v5;
	v10 =	vand.u32 $0xFFFFFE00, v10;
	v9 =	vor.u32 $0x180, v0;
	v11 =	vld.idx.msk [tilespmem:v0+s0+$0x0], $0xffff  }
0x298: {  	v10 =	vor.u32 v5, v10;
	v5 =	vand.u32 $0x7F, v8;
	v0 =	vshll.u32 v8, $0x2;
	v8 =	vld [tilespmem:s19+$0x0]  }
0x299: {  	v12 =	vld.idx.msk [tilespmem:v1+s0+$0x0], $0xffff;
	v1 =	vor.u32 $0x80, v10  }
0x29a: {  	v13 =	vld.idx.msk [tilespmem:v4+s0+$0x0], $0xffff;
	v4 =	vor.u32 $0x100, v10;
	v0 =	vand.u32 $0xFFFFFE00, v0  }
0x29b: {  	s1 =	sand.u32 $0x3, s15;
	v6 =	vld.idx.msk [tilespmem:v6+s0+$0x0], $0xffff;
	v5 =	vor.u32 v5, v0  }
0x29c: {  	s29 =	simm.s32 $0x40;
	s1 =	sshll.u32 s1, $0x5;
	v9 =	vld.idx.msk [tilespmem:v9+s0+$0x0], $0xffff;
	v14 =	vor.u32 $0x80, v5  }
0x29d: {  	s4 =	sor.u32 s4, s12;
	s1 =	sadd.s32 $0x0, s1;
	s16 =	simm.s32 $0x80;
	[tilespmem:s14+$0x0] =	vst v7;
	v0 =	vld.idx.msk [tilespmem:v10+s0+$0x0], $0xffff;
	v7 =	vor.u32 $0x100, v5  }
0x29e: {  	s15 =	sadd.s32 $0x10, s1;
	s17 =	simm.s32 $0x1;
	s16 =	sand.u32 $0x1E00, s16;
	[tilespmem:s14+$0x80] =	vst v2;
	v16 =	vor.u32 $0x180, v5;
	v1 =	vld.idx.msk [tilespmem:v1+s0+$0x0], $0xffff  }
0x29f: {  	s20 =	sor.u32 $0x180, s15;
	s17 =	sand.u32 $0x3, s17;
	s23 =	sadd.s32 $0x8800, s16;
	[tilespmem:s14+$0x100] =	vst v3;
	v3 =	vshll.u32 v8, $0x2;
	v2 =	vld.idx.msk [tilespmem:v4+s0+$0x0], $0xffff  }
0x2a0: {  	s1 =	sor.u32 $0x180, s1;
	s24 =	sshll.u32 s17, $0x5;
	s16 =	sor.u32 s7, s23;
	[tilespmem:s20+$0x8800] =	vst v6;
	v6 =	vand.u32 $0x7F, v8;
	v8 =	vand.u32 $0xFFFFFE00, v3;
	v3 =	vor.u32 $0x180, v10;
	v4 =	vld.idx.msk [tilespmem:v5+s0+$0x0], $0xffff  }
0x2a1: {  	s15 =	simm.s32 $0x2;
	s17 =	simm.s32 $0x100;
	s25 =	sadd.s32 $0x80, s24;
	[tilespmem:s16+$0x0] =	vst v11;
	v11 =	vor.u32 v6, v8;
	v5 =	vld.idx.msk [tilespmem:v14+s0+$0x0], $0xffff  }
0x2a2: {  	s7 =	simm.s32 $0x6;
	s26 =	sadd.s32 $0x10, s25;
	s12 =	sor.u32 $0x180, s25;
	[tilespmem:s16+$0x80] =	vst v12;
	v6 =	vld.idx.msk [tilespmem:v7+s0+$0x0], $0xffff;
	v10 =	vor.u32 $0x80, v11  }
0x2a3: {  	s18 =	sor.u32 $0x180, s26;
	s13 =	sor.u32 s11, s23;
	s19 =	sand.u32 $0x1E00, s17;
	[tilespmem:s16+$0x100] =	vst v13;
	v12 =	vshll.u32 v15, $0x2;
	v13 =	vand.u32 $0x7F, v15;
	v8 =	vld.idx.msk [tilespmem:v16+s0+$0x0], $0xffff  }
0x2a4: {  	s14 =	simm.s32 $0x80;
	s11 =	sadd.s32 $0x8800, s19;
	s16 =	sand.u32 $0x3, s15;
	[tilespmem:s18+$0x8800] =	vst v9;
	v7 =	vor.u32 $0x100, v11;
	v9 =	vor.u32 $0x180, v11;
	v14 =	vand.u32 $0xFFFFFE00, v12;
	v12 =	vld [tilespmem:s29+$0x0]  }
.LBB2_20:
0x2a5: {  	s18 =	sand.u32 $0x60, s14;
	v13 =	vor.u32 v13, v14;
	s16 =	sshll.u32 s16, $0x5;
	s6 =	sor.u32 s6, s11;
	v14 =	vld.idx.msk [tilespmem:v3+s0+$0x0], $0xffff;
	[tilespmem:s4+$0x80] =	vst v1;
	v15 =	vmov v2;
	v3 =	vmov v9  }
0x2a6: {  	s20 =	sand.u32 $0x780, s14;
	s19 =	sor.u32 $0x10, s18;
	v9 =	vor.u32 $0x80, v13;
	s16 =	sadd.s32 s16, s17;
	[tilespmem:s6+$0x0] =	vst v4;
	v16 =	vld.idx.msk [tilespmem:v11+s0+$0x0], $0xffff  }
0x2a7: {  	s7 =	sadd.s32 $0x2, s7;
	v17 =	vor.u32 $0x100, v13;
	s20 =	sor.u32 s19, s20;
	[tilespmem:s6+$0x80] =	vst v5;
	s23 =	sadd.s32 $0x10, s16;
	v1 =	vld.idx.msk [tilespmem:v10+s0+$0x0], $0xffff  }
0x2a8: {  	p0 =	slt.u32 s7, $0x7E;
	v19 =	vor.u32 $0x180, v13;
	s16 =	sor.u32 $0x180, s16;
	v18 =	vld [tilespmem:s20+$0x0];
	[tilespmem:s6+$0x100] =	vst v6;
	s6 =	sor.u32 $0x180, s23  }
0x2a9: {  	s11 =	sor.u32 s5, s11;
	s5 =	smov.u32 s8;
	s8 =	smov.u32 s18;
	v6 =	vand.u32 $0x7F, v12;
	v5 =	vshll.u32 v12, $0x2;
	[tilespmem:s6+$0x8800] =	vst v8;
	v2 =	vld.idx.msk [tilespmem:v7+s0+$0x0], $0xffff  }
.Ltmp9:
0x2aa: {  	s6 =	smov.u32 s10;
	s10 =	smov.u32 s19;
	v4 =	vld.idx.msk [tilespmem:v13+s0+$0x0], $0xffff;
	v7 =	vand.u32 $0xFFFFFE00, v5;
	[tilespmem:s4+$0x100] =	vst v15;
	(pc) =	sbr.rel @p0 .LBB2_20-.Ltmp9, $4  }
0x2ab: {  	v5 =	vld.idx.msk [tilespmem:v9+s0+$0x0], $0xffff;
	v11 =	vor.u32 v6, v7;
	[tilespmem:s4+$0x0] =	vst v0;
	s4 =	smov.u32 s13;
	s13 =	smov.u32 s11  }
0x2ac: {  	s17 =	sadd.s32 $0x80, s17;
	v0 =	vmovc v16;
	v6 =	vld.idx.msk [tilespmem:v17+s0+$0x0], $0xffff;
	v10 =	vor.u32 $0x80, v11;
	v7 =	vor.u32 $0x100, v11;
	v9 =	vor.u32 $0x180, v11;
	[tilespmem:s1+$0x8800] =	vst v14;
	s1 =	smov.u32 s12;
	s12 =	smov.u32 s16  }
0x2ad: {  	s15 =	sadd.s32 $0x1, s15;
	s18 =	sand.u32 $0x1E00, s17;
	s11 =	sshra.s32 s17, $0x2;
	v12 =	vshll.u32 v18, $0x2;
	v8 =	vld.idx.msk [tilespmem:v19+s0+$0x0], $0xffff  }
0x2ae: {  	s14 =	sadd.s32 $0x20, s14;
	s16 =	sand.u32 $0x3, s15;
	v13 =	vand.u32 $0x7F, v18;
	v14 =	vand.u32 $0xFFFFFE00, v12;
	v12 =	vld [tilespmem:s11+$0x0];
	s11 =	sadd.s32 $0x8800, s18  }
0x2af: {  	_ =	sdelay $0x3  }
0x2b0: {  	v13 =	vor.u32 v13, v14;
	v3 =	vld.idx.msk [tilespmem:v3+s0+$0x0], $0xffff  }
0x2b1: {  	v11 =	vld.idx.msk [tilespmem:v11+s0+$0x0], $0xffff;
	s6 =	sor.u32 s6, s11;
	[tilespmem:s4+$0x80] =	vst v1;
	s14 =	sadd.s32 $0x80, s17;
	v14 =	vor.u32 $0x80, v13  }
0x2b2: {  	s7 =	sshll.u32 s16, $0x5;
	v10 =	vld.idx.msk [tilespmem:v10+s0+$0x0], $0xffff;
	v1 =	vor.u32 $0x100, v13;
	[tilespmem:s6+$0x0] =	vst v4;
	s19 =	sshra.s32 s14, $0x2  }
0x2b3: {  	s7 =	sadd.s32 s7, s17;
	[tilespmem:s6+$0x80] =	vst v5;
	v5 =	vld [tilespmem:s19+$0x0]  }
0x2b4: {  	v7 =	vld.idx.msk [tilespmem:v7+s0+$0x0], $0xffff;
	v4 =	vor.u32 $0x180, v13;
	s17 =	sadd.s32 $0x10, s7;
	[tilespmem:s6+$0x100] =	vst v6;
	v6 =	vshll.u32 v12, $0x2  }
0x2b5: {  	[tilespmem:s4+$0x100] =	vst v2;
	s20 =	sor.u32 $0x180, s17;
	v12 =	vand.u32 $0x7F, v12;
	v13 =	vld.idx.msk [tilespmem:v13+s0+$0x0], $0xffff;
	v6 =	vand.u32 $0xFFFFFE00, v6  }
0x2b6: {  	[tilespmem:s20+$0x8800] =	vst v8;
	v8 =	vld.idx.msk [tilespmem:v14+s0+$0x0], $0xffff;
	v2 =	vor.u32 v12, v6  }
0x2b7: {  	[tilespmem:s4+$0x0] =	vst v0;
	v1 =	vld.idx.msk [tilespmem:v1+s0+$0x0], $0xffff;
	v0 =	vor.u32 $0x80, v2  }
0x2b8: {  	s24 =	sadd.s32 $0x1, s15;
	s23 =	sand.u32 $0x1E00, s14;
	[tilespmem:s1+$0x8800] =	vst v3;
	v3 =	vld.idx.msk [tilespmem:v9+s0+$0x0], $0xffff;
	v9 =	vshll.u32 v5, $0x2  }
0x2b9: {  	s25 =	sand.u32 $0x3, s24;
	s4 =	sadd.s32 $0x8800, s23;
	[tilespmem:s13+$0x80] =	vst v10;
	v4 =	vld.idx.msk [tilespmem:v4+s0+$0x0], $0xffff;
	v6 =	vor.u32 $0x100, v2;
	v5 =	vand.u32 $0x7F, v5;
	v9 =	vand.u32 $0xFFFFFE00, v9  }
0x2ba: {  	s26 =	sor.u32 s10, s4;
	s1 =	sshll.u32 s25, $0x5;
	[tilespmem:s13+$0x100] =	vst v7;
	v10 =	vor.u32 $0x180, v2;
	v5 =	vor.u32 v5, v9  }
0x2bb: {  	s1 =	sadd.s32 s1, s14;
	[tilespmem:s26+$0x80] =	vst v8;
	v8 =	vor.u32 $0x80, v5  }
0x2bc: {  	s29 =	sadd.s32 $0x10, s1;
	[tilespmem:s26+$0x100] =	vst v1;
	v1 =	vor.u32 $0x100, v5;
	v0 =	vld.idx.msk [tilespmem:v0+s0+$0x0], $0xffff  }
0x2bd: {  	s10 =	sor.u32 $0x180, s29;
	[tilespmem:s26+$0x0] =	vst v13;
	v2 =	vld.idx.msk [tilespmem:v2+s0+$0x0], $0xffff  }
0x2be: {  	[tilespmem:s10+$0x8800] =	vst v4;
	v4 =	vld.idx.msk [tilespmem:v6+s0+$0x0], $0xffff;
	v6 =	vor.u32 $0x180, v5  }
0x2bf: {  	[tilespmem:s13+$0x0] =	vst v11;
	v7 =	vld.idx.msk [tilespmem:v10+s0+$0x0], $0xffff  }
0x2c0: {  	s5 =	sor.u32 s5, s11;
	[tilespmem:s12+$0x8800] =	vst v3;
	v3 =	vld.idx.msk [tilespmem:v8+s0+$0x0], $0xffff  }
0x2c1: {  	[tilespmem:s5+$0x80] =	vst v0;
	v0 =	vld.idx.msk [tilespmem:v1+s0+$0x0], $0xffff  }
0x2c2: {  	[tilespmem:s5+$0x0] =	vst v2;
	v1 =	vld.idx.msk [tilespmem:v5+s0+$0x0], $0xffff  }
0x2c3: {  	s11 =	sor.u32 $0x180, s7;
	[tilespmem:s5+$0x100] =	vst v4;
	v2 =	vld.idx.msk [tilespmem:v6+s0+$0x0], $0xffff  }
0x2c4: {  	s4 =	sor.u32 s8, s4;
	[tilespmem:s11+$0x8800] =	vst v7  }
0x2c5: {  	[tilespmem:s4+$0x80] =	vst v3  }
0x2c6: {  	[tilespmem:s4+$0x100] =	vst v0  }
0x2c7: {  	s1 =	sor.u32 $0x180, s1;
	[tilespmem:s4+$0x0] =	vst v1  }
0x2c8: {  	[tilespmem:s1+$0x8800] =	vst v2  }
0x2c9: {  	s13 =	simm.s32 $0x2;
	s12 =	simm.s32 $0x8800;
	s1 =	rddreg [dreg:$0x14]  }
0x2ca: {  	[hbm4b:s1+s30] =	stream.strided.scatter [tilespmem:s12], [sflag:$0x5], $0x2000, s31, s30, $0x38;
	[tilespmem:$0x10800] =	vst v63  }
0x2cb: {  	_ =	swait.ge [sflag:s13], $0x2000  }
0x2cc: {  	[sflag:s13] =	ssyncset.done $0x0  }
0x2cd: {  	s15 =	simm.s32 $0x6;
	s14 =	simm.s32 $0x0;
	[sflag:s13] =	ssyncadd.s32 $0xFFFFE000  }
0x2ce: {  	s4 =	sand.u32 $0x60, s14;
	_ =	swait.ge [sflag:s15], $0x2000  }
0x2cf: {  	s17 =	sand.u32 $0x780, s14;
	s16 =	sor.u32 $0x10, s4;
	[sflag:s15] =	ssyncset.done $0x0  }
0x2d0: {  	s5 =	sor.u32 s16, s17;
	[sflag:s15] =	ssyncadd.s32 $0xFFFFE000  }
0x2d1: {  	v0 =	vld [tilespmem:s5+$0x0]  }
0x2d2: {  	s18 =	simm.s32 $0x20  }
0x2d3: {  	s11 =	sand.u32 $0x60, s18  }
0x2d4: {  	s7 =	sor.u32 $0x10, s11;
	s5 =	sand.u32 $0x780, s18  }
0x2d5: {  	s5 =	sor.u32 s7, s5  }
0x2d6: {  	v2 =	vld [tilespmem:s5+$0x0];
	v1 =	vshll.u32 v0, $0x2  }
0x2d7: {  	v0 =	vand.u32 $0x7F, v0;
	v1 =	vand.u32 $0xFFFFFE00, v1  }
0x2d8: {  	v0 =	vor.u32 v0, v1;
	_ =	sdelay $0x1  }
0x2d9: {  	s20 =	simm.s32 $0x40;
	v1 =	vor.u32 $0x80, v0  }
0x2da: {  	s19 =	simm.s32 $0x0;
	s5 =	sand.u32 $0x60, s20;
	v4 =	vshll.u32 v2, $0x2  }
0x2db: {  	s25 =	simm.s32 $0x60;
	s10 =	sand.u32 $0x780, s20;
	v5 =	vld [tilespmem:s19+$0x0];
	s6 =	sor.u32 $0x10, s5;
	v2 =	vand.u32 $0x7F, v2;
	v3 =	vor.u32 $0x100, v0;
	v4 =	vand.u32 $0xFFFFFE00, v4  }
0x2dc: {  	s8 =	sand.u32 $0x60, s25;
	s10 =	sor.u32 s6, s10;
	v6 =	vor.u32 $0x180, v0;
	v7 =	vld.idx.msk [tilespmem:v0+s2+$0x0], $0xffff;
	v0 =	vor.u32 v2, v4  }
0x2dd: {  	s13 =	sand.u32 $0x780, s25;
	v8 =	vld [tilespmem:s10+$0x0];
	s10 =	sor.u32 $0x10, s8  }
0x2de: {  	s13 =	sor.u32 s10, s13;
	v2 =	vld.idx.msk [tilespmem:v1+s2+$0x0], $0xffff;
	v1 =	vor.u32 $0x80, v0  }
0x2df: {  	v15 =	vld [tilespmem:s13+$0x0];
	v4 =	vor.u32 $0x100, v0  }
0x2e0: {  	v10 =	vshll.u32 v5, $0x2;
	v3 =	vld.idx.msk [tilespmem:v3+s2+$0x0], $0xffff  }
0x2e1: {  	s24 =	simm.s32 $0x20;
	v5 =	vand.u32 $0x7F, v5;
	v10 =	vand.u32 $0xFFFFFE00, v10;
	v9 =	vor.u32 $0x180, v0;
	v11 =	vld.idx.msk [tilespmem:v0+s2+$0x0], $0xffff  }
0x2e2: {  	v10 =	vor.u32 v5, v10;
	v5 =	vand.u32 $0x7F, v8;
	v0 =	vshll.u32 v8, $0x2;
	v8 =	vld [tilespmem:s24+$0x0]  }
0x2e3: {  	v12 =	vld.idx.msk [tilespmem:v1+s2+$0x0], $0xffff;
	v1 =	vor.u32 $0x80, v10  }
0x2e4: {  	s23 =	sand.u32 $0x1E00, s14;
	v13 =	vld.idx.msk [tilespmem:v4+s2+$0x0], $0xffff;
	v4 =	vor.u32 $0x100, v10;
	v0 =	vand.u32 $0xFFFFFE00, v0  }
0x2e5: {  	s1 =	sand.u32 $0x3, s14;
	s12 =	sadd.s32 $0xA800, s23;
	v6 =	vld.idx.msk [tilespmem:v6+s2+$0x0], $0xffff;
	v5 =	vor.u32 v5, v0  }
0x2e6: {  	s14 =	simm.s32 $0x80;
	s1 =	sshll.u32 s1, $0x5;
	s26 =	sor.u32 s16, s12;
	v9 =	vld.idx.msk [tilespmem:v9+s2+$0x0], $0xffff;
	v14 =	vor.u32 $0x80, v5  }
0x2e7: {  	s4 =	sor.u32 s4, s12;
	s1 =	sadd.s32 $0x0, s1;
	s18 =	simm.s32 $0x80;
	[tilespmem:s26+$0x0] =	vst v7;
	v0 =	vld.idx.msk [tilespmem:v10+s2+$0x0], $0xffff;
	v7 =	vor.u32 $0x100, v5  }
0x2e8: {  	s29 =	sadd.s32 $0x10, s1;
	s19 =	simm.s32 $0x1;
	s16 =	sand.u32 $0x1E00, s18;
	[tilespmem:s26+$0x80] =	vst v2;
	v16 =	vor.u32 $0x180, v5;
	v1 =	vld.idx.msk [tilespmem:v1+s2+$0x0], $0xffff  }
0x2e9: {  	s17 =	sand.u32 $0x3, s19;
	s20 =	sor.u32 $0x180, s29;
	s23 =	sadd.s32 $0xA800, s16;
	[tilespmem:s26+$0x100] =	vst v3;
	v3 =	vshll.u32 v8, $0x2;
	v2 =	vld.idx.msk [tilespmem:v4+s2+$0x0], $0xffff  }
0x2ea: {  	s1 =	sor.u32 $0x180, s1;
	s16 =	sor.u32 s7, s23;
	s24 =	sshll.u32 s17, $0x5;
	[tilespmem:s20+$0xA800] =	vst v6;
	v6 =	vand.u32 $0x7F, v8;
	v8 =	vand.u32 $0xFFFFFE00, v3;
	v3 =	vor.u32 $0x180, v10;
	v4 =	vld.idx.msk [tilespmem:v5+s2+$0x0], $0xffff  }
0x2eb: {  	s15 =	simm.s32 $0x2;
	s29 =	simm.s32 $0x40;
	s25 =	sadd.s32 $0x80, s24;
	[tilespmem:s16+$0x0] =	vst v11;
	v11 =	vor.u32 v6, v8;
	v5 =	vld.idx.msk [tilespmem:v14+s2+$0x0], $0xffff  }
0x2ec: {  	s7 =	simm.s32 $0x6;
	s17 =	simm.s32 $0x100;
	s26 =	sadd.s32 $0x10, s25;
	[tilespmem:s16+$0x80] =	vst v12;
	v6 =	vld.idx.msk [tilespmem:v7+s2+$0x0], $0xffff;
	v10 =	vor.u32 $0x80, v11  }
0x2ed: {  	s13 =	sor.u32 s11, s23;
	s19 =	sand.u32 $0x1E00, s17;
	s18 =	sor.u32 $0x180, s26;
	[tilespmem:s16+$0x100] =	vst v13;
	v12 =	vshll.u32 v15, $0x2;
	v13 =	vand.u32 $0x7F, v15;
	v8 =	vld.idx.msk [tilespmem:v16+s2+$0x0], $0xffff  }
0x2ee: {  	s12 =	sor.u32 $0x180, s25;
	s11 =	sadd.s32 $0xA800, s19;
	s16 =	sand.u32 $0x3, s15;
	[tilespmem:s18+$0xA800] =	vst v9;
	v7 =	vor.u32 $0x100, v11;
	v9 =	vor.u32 $0x180, v11;
	v14 =	vand.u32 $0xFFFFFE00, v12;
	v12 =	vld [tilespmem:s29+$0x0]  }
.LBB2_22:
0x2ef: {  	s18 =	sand.u32 $0x60, s14;
	v13 =	vor.u32 v13, v14;
	s16 =	sshll.u32 s16, $0x5;
	s6 =	sor.u32 s6, s11;
	v14 =	vld.idx.msk [tilespmem:v3+s2+$0x0], $0xffff;
	[tilespmem:s4+$0x80] =	vst v1;
	v15 =	vmov v2;
	v3 =	vmov v9  }
0x2f0: {  	s20 =	sand.u32 $0x780, s14;
	s19 =	sor.u32 $0x10, s18;
	v9 =	vor.u32 $0x80, v13;
	s16 =	sadd.s32 s16, s17;
	[tilespmem:s6+$0x0] =	vst v4;
	v16 =	vld.idx.msk [tilespmem:v11+s2+$0x0], $0xffff  }
0x2f1: {  	s7 =	sadd.s32 $0x2, s7;
	v17 =	vor.u32 $0x100, v13;
	s20 =	sor.u32 s19, s20;
	[tilespmem:s6+$0x80] =	vst v5;
	s23 =	sadd.s32 $0x10, s16;
	v1 =	vld.idx.msk [tilespmem:v10+s2+$0x0], $0xffff  }
0x2f2: {  	p0 =	slt.u32 s7, $0x7E;
	v19 =	vor.u32 $0x180, v13;
	s16 =	sor.u32 $0x180, s16;
	v18 =	vld [tilespmem:s20+$0x0];
	[tilespmem:s6+$0x100] =	vst v6;
	s6 =	sor.u32 $0x180, s23  }
0x2f3: {  	s11 =	sor.u32 s5, s11;
	s5 =	smov.u32 s8;
	s8 =	smov.u32 s18;
	v6 =	vand.u32 $0x7F, v12;
	v5 =	vshll.u32 v12, $0x2;
	[tilespmem:s6+$0xA800] =	vst v8;
	v2 =	vld.idx.msk [tilespmem:v7+s2+$0x0], $0xffff  }
.Ltmp10:
0x2f4: {  	s6 =	smov.u32 s10;
	s10 =	smov.u32 s19;
	v4 =	vld.idx.msk [tilespmem:v13+s2+$0x0], $0xffff;
	v7 =	vand.u32 $0xFFFFFE00, v5;
	[tilespmem:s4+$0x100] =	vst v15;
	(pc) =	sbr.rel @p0 .LBB2_22-.Ltmp10, $4  }
0x2f5: {  	v5 =	vld.idx.msk [tilespmem:v9+s2+$0x0], $0xffff;
	v11 =	vor.u32 v6, v7;
	[tilespmem:s4+$0x0] =	vst v0;
	s4 =	smov.u32 s13;
	s13 =	smov.u32 s11  }
0x2f6: {  	s17 =	sadd.s32 $0x80, s17;
	v0 =	vmovc v16;
	v6 =	vld.idx.msk [tilespmem:v17+s2+$0x0], $0xffff;
	v10 =	vor.u32 $0x80, v11;
	v7 =	vor.u32 $0x100, v11;
	v9 =	vor.u32 $0x180, v11;
	[tilespmem:s1+$0xA800] =	vst v14;
	s1 =	smov.u32 s12;
	s12 =	smov.u32 s16  }
0x2f7: {  	s15 =	sadd.s32 $0x1, s15;
	s18 =	sand.u32 $0x1E00, s17;
	s11 =	sshra.s32 s17, $0x2;
	v12 =	vshll.u32 v18, $0x2;
	v8 =	vld.idx.msk [tilespmem:v19+s2+$0x0], $0xffff  }
0x2f8: {  	s14 =	sadd.s32 $0x20, s14;
	s16 =	sand.u32 $0x3, s15;
	v13 =	vand.u32 $0x7F, v18;
	v14 =	vand.u32 $0xFFFFFE00, v12;
	v12 =	vld [tilespmem:s11+$0x0];
	s11 =	sadd.s32 $0xA800, s18  }
0x2f9: {  	_ =	sdelay $0x3  }
0x2fa: {  	v13 =	vor.u32 v13, v14;
	v3 =	vld.idx.msk [tilespmem:v3+s2+$0x0], $0xffff  }
0x2fb: {  	v11 =	vld.idx.msk [tilespmem:v11+s2+$0x0], $0xffff;
	s6 =	sor.u32 s6, s11;
	[tilespmem:s4+$0x80] =	vst v1;
	s14 =	sadd.s32 $0x80, s17;
	v14 =	vor.u32 $0x80, v13  }
0x2fc: {  	s7 =	sshll.u32 s16, $0x5;
	v10 =	vld.idx.msk [tilespmem:v10+s2+$0x0], $0xffff;
	v1 =	vor.u32 $0x100, v13;
	[tilespmem:s6+$0x0] =	vst v4;
	s19 =	sshra.s32 s14, $0x2  }
0x2fd: {  	s7 =	sadd.s32 s7, s17;
	[tilespmem:s6+$0x80] =	vst v5;
	v5 =	vld [tilespmem:s19+$0x0]  }
0x2fe: {  	v7 =	vld.idx.msk [tilespmem:v7+s2+$0x0], $0xffff;
	v4 =	vor.u32 $0x180, v13;
	s17 =	sadd.s32 $0x10, s7;
	[tilespmem:s6+$0x100] =	vst v6;
	v6 =	vshll.u32 v12, $0x2  }
0x2ff: {  	[tilespmem:s4+$0x100] =	vst v2;
	s20 =	sor.u32 $0x180, s17;
	v12 =	vand.u32 $0x7F, v12;
	v13 =	vld.idx.msk [tilespmem:v13+s2+$0x0], $0xffff;
	v6 =	vand.u32 $0xFFFFFE00, v6  }
0x300: {  	[tilespmem:s20+$0xA800] =	vst v8;
	v8 =	vld.idx.msk [tilespmem:v14+s2+$0x0], $0xffff;
	v2 =	vor.u32 v12, v6  }
0x301: {  	[tilespmem:s4+$0x0] =	vst v0;
	v1 =	vld.idx.msk [tilespmem:v1+s2+$0x0], $0xffff;
	v0 =	vor.u32 $0x80, v2  }
0x302: {  	s24 =	sadd.s32 $0x1, s15;
	s23 =	sand.u32 $0x1E00, s14;
	[tilespmem:s1+$0xA800] =	vst v3;
	v3 =	vld.idx.msk [tilespmem:v9+s2+$0x0], $0xffff;
	v9 =	vshll.u32 v5, $0x2  }
0x303: {  	s25 =	sand.u32 $0x3, s24;
	s4 =	sadd.s32 $0xA800, s23;
	[tilespmem:s13+$0x80] =	vst v10;
	v4 =	vld.idx.msk [tilespmem:v4+s2+$0x0], $0xffff;
	v6 =	vor.u32 $0x100, v2;
	v5 =	vand.u32 $0x7F, v5;
	v9 =	vand.u32 $0xFFFFFE00, v9  }
0x304: {  	s26 =	sor.u32 s10, s4;
	s1 =	sshll.u32 s25, $0x5;
	[tilespmem:s13+$0x100] =	vst v7;
	v10 =	vor.u32 $0x180, v2;
	v5 =	vor.u32 v5, v9  }
0x305: {  	s1 =	sadd.s32 s1, s14;
	[tilespmem:s26+$0x80] =	vst v8;
	v8 =	vor.u32 $0x80, v5  }
0x306: {  	s29 =	sadd.s32 $0x10, s1;
	[tilespmem:s26+$0x100] =	vst v1;
	v1 =	vor.u32 $0x100, v5;
	v0 =	vld.idx.msk [tilespmem:v0+s2+$0x0], $0xffff  }
0x307: {  	s10 =	sor.u32 $0x180, s29;
	[tilespmem:s26+$0x0] =	vst v13;
	v2 =	vld.idx.msk [tilespmem:v2+s2+$0x0], $0xffff  }
0x308: {  	[tilespmem:s10+$0xA800] =	vst v4;
	v4 =	vld.idx.msk [tilespmem:v6+s2+$0x0], $0xffff;
	v6 =	vor.u32 $0x180, v5  }
0x309: {  	[tilespmem:s13+$0x0] =	vst v11;
	v7 =	vld.idx.msk [tilespmem:v10+s2+$0x0], $0xffff  }
0x30a: {  	s5 =	sor.u32 s5, s11;
	[tilespmem:s12+$0xA800] =	vst v3;
	v3 =	vld.idx.msk [tilespmem:v8+s2+$0x0], $0xffff  }
0x30b: {  	[tilespmem:s5+$0x80] =	vst v0;
	v0 =	vld.idx.msk [tilespmem:v1+s2+$0x0], $0xffff  }
0x30c: {  	[tilespmem:s5+$0x0] =	vst v2;
	v1 =	vld.idx.msk [tilespmem:v5+s2+$0x0], $0xffff  }
0x30d: {  	s11 =	sor.u32 $0x180, s7;
	[tilespmem:s5+$0x100] =	vst v4;
	v2 =	vld.idx.msk [tilespmem:v6+s2+$0x0], $0xffff  }
0x30e: {  	s4 =	sor.u32 s8, s4;
	[tilespmem:s11+$0xA800] =	vst v7  }
0x30f: {  	[tilespmem:s4+$0x80] =	vst v3  }
0x310: {  	[tilespmem:s4+$0x100] =	vst v0  }
0x311: {  	s1 =	sor.u32 $0x180, s1;
	[tilespmem:s4+$0x0] =	vst v1  }
0x312: {  	[tilespmem:s1+$0xA800] =	vst v2  }
0x313: {  	s13 =	simm.s32 $0x3;
	s12 =	simm.s32 $0xA800;
	s1 =	rddreg [dreg:$0x16]  }
0x314: {  	[hbm4b:s1+s30] =	stream.strided.scatter [tilespmem:s12], [sflag:$0x6], $0x2000, s31, s30, $0x38;
	[tilespmem:$0x10800] =	vst v63  }
0x315: {  	_ =	swait.ge [sflag:s13], $0x2000  }
0x316: {  	[sflag:s13] =	ssyncset.done $0x0  }
0x317: {  	s15 =	simm.s32 $0x7;
	s14 =	simm.s32 $0x0;
	[sflag:s13] =	ssyncadd.s32 $0xFFFFE000  }
0x318: {  	s4 =	sand.u32 $0x60, s14;
	_ =	swait.ge [sflag:s15], $0x2000  }
0x319: {  	s17 =	sand.u32 $0x780, s14;
	s16 =	sor.u32 $0x10, s4;
	[sflag:s15] =	ssyncset.done $0x0  }
0x31a: {  	s5 =	sor.u32 s16, s17;
	[sflag:s15] =	ssyncadd.s32 $0xFFFFE000  }
0x31b: {  	v0 =	vld [tilespmem:s5+$0x0]  }
0x31c: {  	s18 =	simm.s32 $0x20  }
0x31d: {  	s11 =	sand.u32 $0x60, s18  }
0x31e: {  	s7 =	sor.u32 $0x10, s11;
	s5 =	sand.u32 $0x780, s18  }
0x31f: {  	s5 =	sor.u32 s7, s5  }
0x320: {  	v2 =	vld [tilespmem:s5+$0x0];
	v1 =	vshll.u32 v0, $0x2  }
0x321: {  	v0 =	vand.u32 $0x7F, v0;
	v1 =	vand.u32 $0xFFFFFE00, v1  }
0x322: {  	v0 =	vor.u32 v0, v1;
	_ =	sdelay $0x1  }
0x323: {  	s20 =	simm.s32 $0x40;
	v1 =	vor.u32 $0x80, v0  }
0x324: {  	s19 =	simm.s32 $0x0;
	s5 =	sand.u32 $0x60, s20;
	v4 =	vshll.u32 v2, $0x2  }
0x325: {  	s25 =	simm.s32 $0x60;
	s10 =	sand.u32 $0x780, s20;
	v5 =	vld [tilespmem:s19+$0x0];
	s6 =	sor.u32 $0x10, s5;
	v2 =	vand.u32 $0x7F, v2;
	v3 =	vor.u32 $0x100, v0;
	v4 =	vand.u32 $0xFFFFFE00, v4  }
0x326: {  	s8 =	sand.u32 $0x60, s25;
	s10 =	sor.u32 s6, s10;
	v6 =	vor.u32 $0x180, v0;
	v7 =	vld.idx.msk [tilespmem:v0+s3+$0x0], $0xffff;
	v0 =	vor.u32 v2, v4  }
0x327: {  	s13 =	sand.u32 $0x780, s25;
	v8 =	vld [tilespmem:s10+$0x0];
	s10 =	sor.u32 $0x10, s8  }
0x328: {  	s13 =	sor.u32 s10, s13;
	v2 =	vld.idx.msk [tilespmem:v1+s3+$0x0], $0xffff;
	v1 =	vor.u32 $0x80, v0  }
0x329: {  	v15 =	vld [tilespmem:s13+$0x0];
	v4 =	vor.u32 $0x100, v0  }
0x32a: {  	v10 =	vshll.u32 v5, $0x2;
	v3 =	vld.idx.msk [tilespmem:v3+s3+$0x0], $0xffff  }
0x32b: {  	s24 =	simm.s32 $0x20;
	v5 =	vand.u32 $0x7F, v5;
	v10 =	vand.u32 $0xFFFFFE00, v10;
	v9 =	vor.u32 $0x180, v0;
	v11 =	vld.idx.msk [tilespmem:v0+s3+$0x0], $0xffff  }
0x32c: {  	v10 =	vor.u32 v5, v10;
	v5 =	vand.u32 $0x7F, v8;
	v0 =	vshll.u32 v8, $0x2;
	v8 =	vld [tilespmem:s24+$0x0]  }
0x32d: {  	v12 =	vld.idx.msk [tilespmem:v1+s3+$0x0], $0xffff;
	v1 =	vor.u32 $0x80, v10  }
0x32e: {  	s23 =	sand.u32 $0x1E00, s14;
	v13 =	vld.idx.msk [tilespmem:v4+s3+$0x0], $0xffff;
	v4 =	vor.u32 $0x100, v10;
	v0 =	vand.u32 $0xFFFFFE00, v0  }
0x32f: {  	s1 =	sand.u32 $0x3, s14;
	s12 =	sadd.s32 $0xC800, s23;
	v6 =	vld.idx.msk [tilespmem:v6+s3+$0x0], $0xffff;
	v5 =	vor.u32 v5, v0  }
0x330: {  	s14 =	simm.s32 $0x80;
	s1 =	sshll.u32 s1, $0x5;
	s26 =	sor.u32 s16, s12;
	v9 =	vld.idx.msk [tilespmem:v9+s3+$0x0], $0xffff;
	v14 =	vor.u32 $0x80, v5  }
0x331: {  	s4 =	sor.u32 s4, s12;
	s1 =	sadd.s32 $0x0, s1;
	s18 =	simm.s32 $0x80;
	[tilespmem:s26+$0x0] =	vst v7;
	v0 =	vld.idx.msk [tilespmem:v10+s3+$0x0], $0xffff;
	v7 =	vor.u32 $0x100, v5  }
0x332: {  	s29 =	sadd.s32 $0x10, s1;
	s19 =	simm.s32 $0x1;
	s16 =	sand.u32 $0x1E00, s18;
	[tilespmem:s26+$0x80] =	vst v2;
	v16 =	vor.u32 $0x180, v5;
	v1 =	vld.idx.msk [tilespmem:v1+s3+$0x0], $0xffff  }
0x333: {  	s17 =	sand.u32 $0x3, s19;
	s20 =	sor.u32 $0x180, s29;
	s23 =	sadd.s32 $0xC800, s16;
	[tilespmem:s26+$0x100] =	vst v3;
	v3 =	vshll.u32 v8, $0x2;
	v2 =	vld.idx.msk [tilespmem:v4+s3+$0x0], $0xffff  }
0x334: {  	s1 =	sor.u32 $0x180, s1;
	s16 =	sor.u32 s7, s23;
	s24 =	sshll.u32 s17, $0x5;
	[tilespmem:s20+$0xC800] =	vst v6;
	v6 =	vand.u32 $0x7F, v8;
	v8 =	vand.u32 $0xFFFFFE00, v3;
	v3 =	vor.u32 $0x180, v10;
	v4 =	vld.idx.msk [tilespmem:v5+s3+$0x0], $0xffff  }
0x335: {  	s15 =	simm.s32 $0x2;
	s29 =	simm.s32 $0x40;
	s25 =	sadd.s32 $0x80, s24;
	[tilespmem:s16+$0x0] =	vst v11;
	v11 =	vor.u32 v6, v8;
	v5 =	vld.idx.msk [tilespmem:v14+s3+$0x0], $0xffff  }
0x336: {  	s7 =	simm.s32 $0x6;
	s17 =	simm.s32 $0x100;
	s26 =	sadd.s32 $0x10, s25;
	[tilespmem:s16+$0x80] =	vst v12;
	v6 =	vld.idx.msk [tilespmem:v7+s3+$0x0], $0xffff;
	v10 =	vor.u32 $0x80, v11  }
0x337: {  	s13 =	sor.u32 s11, s23;
	s19 =	sand.u32 $0x1E00, s17;
	s18 =	sor.u32 $0x180, s26;
	[tilespmem:s16+$0x100] =	vst v13;
	v12 =	vshll.u32 v15, $0x2;
	v13 =	vand.u32 $0x7F, v15;
	v8 =	vld.idx.msk [tilespmem:v16+s3+$0x0], $0xffff  }
0x338: {  	s12 =	sor.u32 $0x180, s25;
	s11 =	sadd.s32 $0xC800, s19;
	s16 =	sand.u32 $0x3, s15;
	[tilespmem:s18+$0xC800] =	vst v9;
	v7 =	vor.u32 $0x100, v11;
	v9 =	vor.u32 $0x180, v11;
	v14 =	vand.u32 $0xFFFFFE00, v12;
	v12 =	vld [tilespmem:s29+$0x0]  }
.LBB2_24:
0x339: {  	s18 =	sand.u32 $0x60, s14;
	v13 =	vor.u32 v13, v14;
	s16 =	sshll.u32 s16, $0x5;
	s6 =	sor.u32 s6, s11;
	v14 =	vld.idx.msk [tilespmem:v3+s3+$0x0], $0xffff;
	[tilespmem:s4+$0x80] =	vst v1;
	v15 =	vmov v2;
	v3 =	vmov v9  }
0x33a: {  	s20 =	sand.u32 $0x780, s14;
	s19 =	sor.u32 $0x10, s18;
	v9 =	vor.u32 $0x80, v13;
	s16 =	sadd.s32 s16, s17;
	[tilespmem:s6+$0x0] =	vst v4;
	v16 =	vld.idx.msk [tilespmem:v11+s3+$0x0], $0xffff  }
0x33b: {  	s7 =	sadd.s32 $0x2, s7;
	v17 =	vor.u32 $0x100, v13;
	s20 =	sor.u32 s19, s20;
	[tilespmem:s6+$0x80] =	vst v5;
	s23 =	sadd.s32 $0x10, s16;
	v1 =	vld.idx.msk [tilespmem:v10+s3+$0x0], $0xffff  }
0x33c: {  	p0 =	slt.u32 s7, $0x7E;
	v19 =	vor.u32 $0x180, v13;
	s16 =	sor.u32 $0x180, s16;
	v18 =	vld [tilespmem:s20+$0x0];
	[tilespmem:s6+$0x100] =	vst v6;
	s6 =	sor.u32 $0x180, s23  }
0x33d: {  	s11 =	sor.u32 s5, s11;
	s5 =	smov.u32 s8;
	s8 =	smov.u32 s18;
	v6 =	vand.u32 $0x7F, v12;
	v5 =	vshll.u32 v12, $0x2;
	[tilespmem:s6+$0xC800] =	vst v8;
	v2 =	vld.idx.msk [tilespmem:v7+s3+$0x0], $0xffff  }
.Ltmp11:
0x33e: {  	s6 =	smov.u32 s10;
	s10 =	smov.u32 s19;
	v4 =	vld.idx.msk [tilespmem:v13+s3+$0x0], $0xffff;
	v7 =	vand.u32 $0xFFFFFE00, v5;
	[tilespmem:s4+$0x100] =	vst v15;
	(pc) =	sbr.rel @p0 .LBB2_24-.Ltmp11, $4  }
0x33f: {  	v5 =	vld.idx.msk [tilespmem:v9+s3+$0x0], $0xffff;
	v11 =	vor.u32 v6, v7;
	[tilespmem:s4+$0x0] =	vst v0;
	s4 =	smov.u32 s13;
	s13 =	smov.u32 s11  }
0x340: {  	s17 =	sadd.s32 $0x80, s17;
	v0 =	vmovc v16;
	v6 =	vld.idx.msk [tilespmem:v17+s3+$0x0], $0xffff;
	v10 =	vor.u32 $0x80, v11;
	v7 =	vor.u32 $0x100, v11;
	v9 =	vor.u32 $0x180, v11;
	[tilespmem:s1+$0xC800] =	vst v14;
	s1 =	smov.u32 s12;
	s12 =	smov.u32 s16  }
0x341: {  	s15 =	sadd.s32 $0x1, s15;
	s18 =	sand.u32 $0x1E00, s17;
	s11 =	sshra.s32 s17, $0x2;
	v12 =	vshll.u32 v18, $0x2;
	v8 =	vld.idx.msk [tilespmem:v19+s3+$0x0], $0xffff  }
0x342: {  	s14 =	sadd.s32 $0x20, s14;
	s16 =	sand.u32 $0x3, s15;
	v13 =	vand.u32 $0x7F, v18;
	v14 =	vand.u32 $0xFFFFFE00, v12;
	v12 =	vld [tilespmem:s11+$0x0];
	s11 =	sadd.s32 $0xC800, s18  }
0x343: {  	_ =	sdelay $0x3  }
0x344: {  	v13 =	vor.u32 v13, v14;
	v3 =	vld.idx.msk [tilespmem:v3+s3+$0x0], $0xffff  }
0x345: {  	v11 =	vld.idx.msk [tilespmem:v11+s3+$0x0], $0xffff;
	s6 =	sor.u32 s6, s11;
	[tilespmem:s4+$0x80] =	vst v1;
	s14 =	sadd.s32 $0x80, s17;
	v14 =	vor.u32 $0x80, v13  }
0x346: {  	s7 =	sshll.u32 s16, $0x5;
	v10 =	vld.idx.msk [tilespmem:v10+s3+$0x0], $0xffff;
	v1 =	vor.u32 $0x100, v13;
	[tilespmem:s6+$0x0] =	vst v4;
	s19 =	sshra.s32 s14, $0x2  }
0x347: {  	s7 =	sadd.s32 s7, s17;
	[tilespmem:s6+$0x80] =	vst v5;
	v5 =	vld [tilespmem:s19+$0x0]  }
0x348: {  	v7 =	vld.idx.msk [tilespmem:v7+s3+$0x0], $0xffff;
	v4 =	vor.u32 $0x180, v13;
	s17 =	sadd.s32 $0x10, s7;
	[tilespmem:s6+$0x100] =	vst v6;
	v6 =	vshll.u32 v12, $0x2  }
0x349: {  	[tilespmem:s4+$0x100] =	vst v2;
	s20 =	sor.u32 $0x180, s17;
	v12 =	vand.u32 $0x7F, v12;
	v13 =	vld.idx.msk [tilespmem:v13+s3+$0x0], $0xffff;
	v6 =	vand.u32 $0xFFFFFE00, v6  }
0x34a: {  	[tilespmem:s20+$0xC800] =	vst v8;
	v8 =	vld.idx.msk [tilespmem:v14+s3+$0x0], $0xffff;
	v2 =	vor.u32 v12, v6  }
0x34b: {  	[tilespmem:s4+$0x0] =	vst v0;
	v1 =	vld.idx.msk [tilespmem:v1+s3+$0x0], $0xffff;
	v0 =	vor.u32 $0x80, v2  }
0x34c: {  	s24 =	sadd.s32 $0x1, s15;
	s23 =	sand.u32 $0x1E00, s14;
	[tilespmem:s1+$0xC800] =	vst v3;
	v3 =	vld.idx.msk [tilespmem:v9+s3+$0x0], $0xffff;
	v9 =	vshll.u32 v5, $0x2  }
0x34d: {  	s25 =	sand.u32 $0x3, s24;
	s4 =	sadd.s32 $0xC800, s23;
	[tilespmem:s13+$0x80] =	vst v10;
	v4 =	vld.idx.msk [tilespmem:v4+s3+$0x0], $0xffff;
	v6 =	vor.u32 $0x100, v2;
	v5 =	vand.u32 $0x7F, v5;
	v9 =	vand.u32 $0xFFFFFE00, v9  }
0x34e: {  	s26 =	sor.u32 s10, s4;
	s1 =	sshll.u32 s25, $0x5;
	[tilespmem:s13+$0x100] =	vst v7;
	v10 =	vor.u32 $0x180, v2;
	v5 =	vor.u32 v5, v9  }
0x34f: {  	s1 =	sadd.s32 s1, s14;
	[tilespmem:s26+$0x80] =	vst v8;
	v8 =	vor.u32 $0x80, v5  }
0x350: {  	s29 =	sadd.s32 $0x10, s1;
	[tilespmem:s26+$0x100] =	vst v1;
	v1 =	vor.u32 $0x100, v5;
	v0 =	vld.idx.msk [tilespmem:v0+s3+$0x0], $0xffff  }
0x351: {  	s10 =	sor.u32 $0x180, s29;
	[tilespmem:s26+$0x0] =	vst v13;
	v2 =	vld.idx.msk [tilespmem:v2+s3+$0x0], $0xffff  }
0x352: {  	[tilespmem:s10+$0xC800] =	vst v4;
	v4 =	vld.idx.msk [tilespmem:v6+s3+$0x0], $0xffff;
	v6 =	vor.u32 $0x180, v5  }
0x353: {  	[tilespmem:s13+$0x0] =	vst v11;
	v7 =	vld.idx.msk [tilespmem:v10+s3+$0x0], $0xffff  }
0x354: {  	s5 =	sor.u32 s5, s11;
	[tilespmem:s12+$0xC800] =	vst v3;
	v3 =	vld.idx.msk [tilespmem:v8+s3+$0x0], $0xffff  }
0x355: {  	[tilespmem:s5+$0x80] =	vst v0;
	v0 =	vld.idx.msk [tilespmem:v1+s3+$0x0], $0xffff  }
0x356: {  	[tilespmem:s5+$0x0] =	vst v2;
	v1 =	vld.idx.msk [tilespmem:v5+s3+$0x0], $0xffff  }
0x357: {  	s12 =	sor.u32 $0x180, s7;
	[tilespmem:s5+$0x100] =	vst v4;
	v2 =	vld.idx.msk [tilespmem:v6+s3+$0x0], $0xffff  }
0x358: {  	s4 =	sor.u32 s8, s4;
	[tilespmem:s12+$0xC800] =	vst v7  }
0x359: {  	[tilespmem:s4+$0x80] =	vst v3  }
0x35a: {  	[tilespmem:s4+$0x100] =	vst v0  }
0x35b: {  	s1 =	sor.u32 $0x180, s1;
	[tilespmem:s4+$0x0] =	vst v1  }
0x35c: {  	[tilespmem:s1+$0xC800] =	vst v2  }
0x35d: {  	s13 =	simm.s32 $0xC800;
	s14 =	simm.s32 $0x4;
	s1 =	rddreg [dreg:$0x17]  }
0x35e: {  	[hbm4b:s1+s30] =	stream.strided.scatter [tilespmem:s13], [sflag:$0x7], $0x2000, s31, s30, $0x38;
	[tilespmem:$0x10800] =	vst v63  }
0x35f: {  	_ =	swait.ge [sflag:s14], $0x2000  }
0x360: {  	[sflag:s14] =	ssyncset.done $0x0  }
0x361: {  	s15 =	simm.s32 $0x0;
	[sflag:s14] =	ssyncadd.s32 $0xFFFFE000  }
0x362: {  	s4 =	sand.u32 $0x60, s15;
	_ =	swait.ge [sflag:s28], $0x2000  }
0x363: {  	s17 =	sand.u32 $0x780, s15;
	s16 =	sor.u32 $0x10, s4;
	[sflag:s28] =	ssyncset.done $0x0  }
0x364: {  	s5 =	sor.u32 s16, s17;
	[sflag:s28] =	ssyncadd.s32 $0xFFFFE000  }
0x365: {  	v0 =	vld [tilespmem:s5+$0x0]  }
0x366: {  	s18 =	simm.s32 $0x20  }
0x367: {  	s7 =	sand.u32 $0x60, s18  }
0x368: {  	s11 =	sor.u32 $0x10, s7;
	s5 =	sand.u32 $0x780, s18  }
0x369: {  	s5 =	sor.u32 s11, s5  }
0x36a: {  	v2 =	vld [tilespmem:s5+$0x0];
	v1 =	vshll.u32 v0, $0x2  }
0x36b: {  	v0 =	vand.u32 $0x7F, v0;
	v1 =	vand.u32 $0xFFFFFE00, v1  }
0x36c: {  	v0 =	vor.u32 v0, v1;
	_ =	sdelay $0x1  }
0x36d: {  	s20 =	simm.s32 $0x40;
	v1 =	vor.u32 $0x80, v0  }
0x36e: {  	s19 =	simm.s32 $0x0;
	s5 =	sand.u32 $0x60, s20;
	v4 =	vshll.u32 v2, $0x2  }
0x36f: {  	s25 =	simm.s32 $0x60;
	s10 =	sand.u32 $0x780, s20;
	v5 =	vld [tilespmem:s19+$0x0];
	s6 =	sor.u32 $0x10, s5;
	v2 =	vand.u32 $0x7F, v2;
	v3 =	vor.u32 $0x100, v0;
	v4 =	vand.u32 $0xFFFFFE00, v4  }
0x370: {  	s8 =	sand.u32 $0x60, s25;
	s10 =	sor.u32 s6, s10;
	v6 =	vor.u32 $0x180, v0;
	v7 =	vld.idx.msk [tilespmem:v0+s9+$0x0], $0xffff;
	v0 =	vor.u32 v2, v4  }
0x371: {  	s13 =	sand.u32 $0x780, s25;
	v8 =	vld [tilespmem:s10+$0x0];
	s10 =	sor.u32 $0x10, s8  }
0x372: {  	s13 =	sor.u32 s10, s13;
	v2 =	vld.idx.msk [tilespmem:v1+s9+$0x0], $0xffff;
	v1 =	vor.u32 $0x80, v0  }
0x373: {  	v15 =	vld [tilespmem:s13+$0x0];
	v4 =	vor.u32 $0x100, v0  }
0x374: {  	v10 =	vshll.u32 v5, $0x2;
	v3 =	vld.idx.msk [tilespmem:v3+s9+$0x0], $0xffff  }
0x375: {  	s24 =	simm.s32 $0x20;
	v5 =	vand.u32 $0x7F, v5;
	v10 =	vand.u32 $0xFFFFFE00, v10;
	v9 =	vor.u32 $0x180, v0;
	v11 =	vld.idx.msk [tilespmem:v0+s9+$0x0], $0xffff  }
0x376: {  	v10 =	vor.u32 v5, v10;
	v5 =	vand.u32 $0x7F, v8;
	v0 =	vshll.u32 v8, $0x2;
	v8 =	vld [tilespmem:s24+$0x0]  }
0x377: {  	v12 =	vld.idx.msk [tilespmem:v1+s9+$0x0], $0xffff;
	v1 =	vor.u32 $0x80, v10  }
0x378: {  	s23 =	sand.u32 $0x1E00, s15;
	v13 =	vld.idx.msk [tilespmem:v4+s9+$0x0], $0xffff;
	v4 =	vor.u32 $0x100, v10;
	v0 =	vand.u32 $0xFFFFFE00, v0  }
0x379: {  	s12 =	sadd.s32 $0xE800, s23;
	s1 =	sand.u32 $0x3, s15;
	v6 =	vld.idx.msk [tilespmem:v6+s9+$0x0], $0xffff;
	v5 =	vor.u32 v5, v0  }
0x37a: {  	s26 =	sor.u32 s16, s12;
	s17 =	simm.s32 $0x80;
	s1 =	sshll.u32 s1, $0x5;
	v9 =	vld.idx.msk [tilespmem:v9+s9+$0x0], $0xffff;
	v14 =	vor.u32 $0x80, v5  }
0x37b: {  	s4 =	sor.u32 s4, s12;
	s16 =	sand.u32 $0x1E00, s17;
	s1 =	sadd.s32 $0x0, s1;
	[tilespmem:s26+$0x0] =	vst v7;
	v0 =	vld.idx.msk [tilespmem:v10+s9+$0x0], $0xffff;
	v7 =	vor.u32 $0x100, v5  }
0x37c: {  	s15 =	simm.s32 $0x2;
	s29 =	sadd.s32 $0x10, s1;
	s18 =	simm.s32 $0x1;
	[tilespmem:s26+$0x80] =	vst v2;
	v16 =	vor.u32 $0x180, v5;
	v1 =	vld.idx.msk [tilespmem:v1+s9+$0x0], $0xffff  }
0x37d: {  	s19 =	sor.u32 $0x180, s29;
	s17 =	sand.u32 $0x3, s18;
	s20 =	sadd.s32 $0xE800, s16;
	[tilespmem:s26+$0x100] =	vst v3;
	v3 =	vshll.u32 v8, $0x2;
	v2 =	vld.idx.msk [tilespmem:v4+s9+$0x0], $0xffff  }
0x37e: {  	s1 =	sor.u32 $0x180, s1;
	s23 =	sshll.u32 s17, $0x5;
	s11 =	sor.u32 s11, s20;
	[tilespmem:s19+$0xE800] =	vst v6;
	v6 =	vand.u32 $0x7F, v8;
	v8 =	vand.u32 $0xFFFFFE00, v3;
	v3 =	vor.u32 $0x180, v10;
	v4 =	vld.idx.msk [tilespmem:v5+s9+$0x0], $0xffff  }
0x37f: {  	s14 =	simm.s32 $0x80;
	s29 =	simm.s32 $0x40;
	s24 =	sadd.s32 $0x80, s23;
	[tilespmem:s11+$0x0] =	vst v11;
	v11 =	vor.u32 v6, v8;
	v5 =	vld.idx.msk [tilespmem:v14+s9+$0x0], $0xffff  }
0x380: {  	s13 =	sor.u32 s7, s20;
	s7 =	simm.s32 $0x100;
	s25 =	sadd.s32 $0x10, s24;
	[tilespmem:s11+$0x80] =	vst v12;
	v6 =	vld.idx.msk [tilespmem:v7+s9+$0x0], $0xffff;
	v10 =	vor.u32 $0x80, v11  }
0x381: {  	s17 =	simm.s32 $0x6;
	s18 =	sand.u32 $0x1E00, s7;
	s26 =	sor.u32 $0x180, s25;
	[tilespmem:s11+$0x100] =	vst v13;
	v12 =	vshll.u32 v15, $0x2;
	v13 =	vand.u32 $0x7F, v15;
	v8 =	vld.idx.msk [tilespmem:v16+s9+$0x0], $0xffff  }
0x382: {  	s12 =	sor.u32 $0x180, s24;
	s19 =	sand.u32 $0x3, s15;
	s11 =	sadd.s32 $0xE800, s18;
	[tilespmem:s26+$0xE800] =	vst v9;
	v7 =	vor.u32 $0x100, v11;
	v9 =	vor.u32 $0x180, v11;
	v14 =	vand.u32 $0xFFFFFE00, v12;
	v12 =	vld [tilespmem:s29+$0x0]  }
.LBB2_26:
0x383: {  	s16 =	sand.u32 $0x60, s14;
	v13 =	vor.u32 v13, v14;
	s18 =	sshll.u32 s19, $0x5;
	s6 =	sor.u32 s6, s11;
	v14 =	vld.idx.msk [tilespmem:v3+s9+$0x0], $0xffff;
	[tilespmem:s4+$0x80] =	vst v1;
	v15 =	vmov v2;
	v3 =	vmov v9  }
0x384: {  	s20 =	sand.u32 $0x780, s14;
	s19 =	sor.u32 $0x10, s16;
	v9 =	vor.u32 $0x80, v13;
	s18 =	sadd.s32 s18, s7;
	[tilespmem:s6+$0x0] =	vst v4;
	v16 =	vld.idx.msk [tilespmem:v11+s9+$0x0], $0xffff  }
0x385: {  	s17 =	sadd.s32 $0x2, s17;
	v17 =	vor.u32 $0x100, v13;
	s20 =	sor.u32 s19, s20;
	[tilespmem:s6+$0x80] =	vst v5;
	s23 =	sadd.s32 $0x10, s18;
	v1 =	vld.idx.msk [tilespmem:v10+s9+$0x0], $0xffff  }
0x386: {  	p0 =	slt.u32 s17, $0x7E;
	v19 =	vor.u32 $0x180, v13;
	s18 =	sor.u32 $0x180, s18;
	v18 =	vld [tilespmem:s20+$0x0];
	[tilespmem:s6+$0x100] =	vst v6;
	s6 =	sor.u32 $0x180, s23  }
0x387: {  	s11 =	sor.u32 s5, s11;
	s5 =	smov.u32 s8;
	s8 =	smov.u32 s16;
	v6 =	vand.u32 $0x7F, v12;
	v5 =	vshll.u32 v12, $0x2;
	[tilespmem:s6+$0xE800] =	vst v8;
	v2 =	vld.idx.msk [tilespmem:v7+s9+$0x0], $0xffff  }
.Ltmp12:
0x388: {  	s6 =	smov.u32 s10;
	s10 =	smov.u32 s19;
	v4 =	vld.idx.msk [tilespmem:v13+s9+$0x0], $0xffff;
	v7 =	vand.u32 $0xFFFFFE00, v5;
	[tilespmem:s4+$0x100] =	vst v15;
	(pc) =	sbr.rel @p0 .LBB2_26-.Ltmp12, $4  }
0x389: {  	v5 =	vld.idx.msk [tilespmem:v9+s9+$0x0], $0xffff;
	v11 =	vor.u32 v6, v7;
	[tilespmem:s4+$0x0] =	vst v0;
	s4 =	smov.u32 s13;
	s13 =	smov.u32 s11  }
0x38a: {  	s7 =	sadd.s32 $0x80, s7;
	v0 =	vmovc v16;
	v6 =	vld.idx.msk [tilespmem:v17+s9+$0x0], $0xffff;
	v10 =	vor.u32 $0x80, v11;
	v7 =	vor.u32 $0x100, v11;
	v9 =	vor.u32 $0x180, v11;
	[tilespmem:s1+$0xE800] =	vst v14;
	s1 =	smov.u32 s12;
	s12 =	smov.u32 s18  }
0x38b: {  	s15 =	sadd.s32 $0x1, s15;
	s16 =	sand.u32 $0x1E00, s7;
	s11 =	sshra.s32 s7, $0x2;
	v12 =	vshll.u32 v18, $0x2;
	v8 =	vld.idx.msk [tilespmem:v19+s9+$0x0], $0xffff  }
0x38c: {  	s14 =	sadd.s32 $0x20, s14;
	s19 =	sand.u32 $0x3, s15;
	v13 =	vand.u32 $0x7F, v18;
	v14 =	vand.u32 $0xFFFFFE00, v12;
	v12 =	vld [tilespmem:s11+$0x0];
	s11 =	sadd.s32 $0xE800, s16  }
0x38d: {  	_ =	sdelay $0x3  }
0x38e: {  	v3 =	vld.idx.msk [tilespmem:v3+s9+$0x0], $0xffff;
	[tilespmem:s4+$0x80] =	vst v1  }
0x38f: {  	s14 =	sadd.s32 $0x80, s7;
	[tilespmem:s4+$0x100] =	vst v2  }
0x390: {  	v13 =	vor.u32 v13, v14;
	s16 =	sshll.u32 s19, $0x5;
	s6 =	sor.u32 s6, s11;
	v10 =	vld.idx.msk [tilespmem:v10+s9+$0x0], $0xffff;
	[tilespmem:s4+$0x0] =	vst v0;
	s17 =	sshra.s32 s14, $0x2  }
0x391: {  	v14 =	vor.u32 $0x80, v13;
	s24 =	sadd.s32 s16, s7;
	[tilespmem:s6+$0x0] =	vst v4;
	v15 =	vld [tilespmem:s17+$0x0]  }
0x392: {  	v44 =	vld.idx.msk [tilespmem:v7+s9+$0x0], $0xffff;
	v42 =	vor.u32 $0x100, v13;
	[tilespmem:s6+$0x80] =	vst v5;
	s16 =	sadd.s32 $0x10, s24;
	v45 =	vshll.u32 v12, $0x2  }
0x393: {  	v11 =	vld.idx.msk [tilespmem:v11+s9+$0x0], $0xffff;
	v43 =	vor.u32 $0x180, v13;
	[tilespmem:s6+$0x100] =	vst v6;
	s25 =	sor.u32 $0x180, s16;
	v47 =	vand.u32 $0x7F, v12;
	v6 =	vand.u32 $0xFFFFFE00, v45  }
0x394: {  	v51 =	vld.idx.msk [tilespmem:v9+s9+$0x0], $0xffff;
	[tilespmem:s25+$0xE800] =	vst v8;
	v49 =	vor.u32 v47, v6  }
0x395: {  	v46 =	vld.idx.msk [tilespmem:v13+s9+$0x0], $0xffff;
	[tilespmem:s1+$0xE800] =	vst v3;
	v50 =	vor.u32 $0x80, v49  }
0x396: {  	[tilespmem:s13+$0x80] =	vst v10;
	v48 =	vld.idx.msk [tilespmem:v14+s9+$0x0], $0xffff;
	v6 =	vor.u32 $0x100, v49;
	v52 =	vshll.u32 v15, $0x2  }
0x397: {  	s29 =	sadd.s32 $0x1, s15;
	s26 =	sand.u32 $0x1E00, s14;
	[tilespmem:s13+$0x100] =	vst v44;
	v1 =	vld.idx.msk [tilespmem:v42+s9+$0x0], $0xffff;
	v53 =	vand.u32 $0x7F, v15;
	v12 =	vor.u32 $0x180, v49;
	v9 =	vand.u32 $0xFFFFFE00, v52  }
0x398: {  	s15 =	sand.u32 $0x3, s29;
	s4 =	sadd.s32 $0xE800, s26;
	[tilespmem:s13+$0x0] =	vst v11;
	v4 =	vld.idx.msk [tilespmem:v43+s9+$0x0], $0xffff;
	v54 =	vor.u32 v53, v9  }
0x399: {  	s16 =	sor.u32 s10, s4;
	s1 =	sshll.u32 s15, $0x5;
	[tilespmem:s12+$0xE800] =	vst v51;
	v55 =	vor.u32 $0x80, v54;
	v2 =	vld.idx.msk [tilespmem:v49+s9+$0x0], $0xffff  }
0x39a: {  	s1 =	sadd.s32 s1, s14;
	[tilespmem:s16+$0x0] =	vst v46;
	v56 =	vor.u32 $0x100, v54;
	v0 =	vld.idx.msk [tilespmem:v50+s9+$0x0], $0xffff  }
0x39b: {  	s17 =	sadd.s32 $0x10, s1;
	v58 =	vor.u32 $0x180, v54;
	[tilespmem:s16+$0x80] =	vst v48;
	v57 =	vld.idx.msk [tilespmem:v6+s9+$0x0], $0xffff  }
0x39c: {  	s18 =	sor.u32 $0x180, s17;
	[tilespmem:s16+$0x100] =	vst v1;
	v59 =	vld.idx.msk [tilespmem:v12+s9+$0x0], $0xffff  }
0x39d: {  	s5 =	sor.u32 s5, s11;
	[tilespmem:s18+$0xE800] =	vst v4;
	v62 =	vld.idx.msk [tilespmem:v54+s9+$0x0], $0xffff  }
0x39e: {  	v60 =	vld.idx.msk [tilespmem:v55+s9+$0x0], $0xffff;
	[tilespmem:s5+$0x0] =	vst v2  }
0x39f: {  	v61 =	vld.idx.msk [tilespmem:v56+s9+$0x0], $0xffff;
	[tilespmem:s5+$0x80] =	vst v0  }
0x3a0: {  	s19 =	sor.u32 $0x180, s24;
	v63 =	vld.idx.msk [tilespmem:v58+s9+$0x0], $0xffff;
	[tilespmem:s5+$0x100] =	vst v57  }
0x3a1: {  	s4 =	sor.u32 s8, s4;
	[tilespmem:s19+$0xE800] =	vst v59  }
0x3a2: {  	[tilespmem:s4+$0x0] =	vst v62  }
0x3a3: {  	[tilespmem:s4+$0x80] =	vst v60  }
0x3a4: {  	s1 =	sor.u32 $0x180, s1;
	[tilespmem:s4+$0x100] =	vst v61  }
0x3a5: {  	[tilespmem:s1+$0xE800] =	vst v63  }
0x3a6: {  	s20 =	simm.s32 $0xE800;
	s23 =	simm.s32 $0x5;
	s1 =	rddreg [dreg:$0x18]  }
0x3a7: {  	[hbm4b:s1+s30] =	stream.strided.scatter [tilespmem:s20], [sflag:$0x8], $0x2000, s31, s30, $0x38;
	[tilespmem:$0x10800] =	vst v63  }
0x3a8: {  	_ =	swait.ge [sflag:s23], $0x2000  }
0x3a9: {  	[sflag:s23] =	ssyncset.done $0x0  }
0x3aa: {  	s24 =	simm.s32 $0x6;
	[sflag:s23] =	ssyncadd.s32 $0xFFFFE000  }
0x3ab: {  	_ =	swait.ge [sflag:s24], $0x2000  }
0x3ac: {  	[sflag:s24] =	ssyncset.done $0x0  }
0x3ad: {  	s25 =	simm.s32 $0x7;
	[sflag:s24] =	ssyncadd.s32 $0xFFFFE000  }
0x3ae: {  	_ =	swait.ge [sflag:s25], $0x2000  }
0x3af: {  	[sflag:s25] =	ssyncset.done $0x0  }
0x3b0: {  	[sflag:s25] =	ssyncadd.s32 $0xFFFFE000  }
0x3b1: {  	_ =	swait.ge [sflag:s28], $0x2000  }
0x3b2: {  	s26 =	rddreg [dreg:$0x19]  }
0x3b3: {  	s29 =	rddreg [dreg:$0x15];
	s4 =	sadd.s32 $0x1, s26  }
0x3b4: {  	p0 =	sne.s32 s4, s29  }
.Ltmp13:
0x3b5: {  	_ = 	snop;
	(pc) =	sbr.rel @p0 .LBB2_1-.Ltmp13, $3  }
0x3b6: {  	_ =	sdelay $0x1  }
0x3b7: {  	[sflag:s28] =	ssyncset.done $0x0  }
0x3b8: {  	[sflag:s28] =	ssyncadd.s32 $0xFFFFE000  }
0x3b9: {  	_ =	sfence.sel $0x180000  }
0x3ba: {  	[bflag:$0x0] =	sbarrier.arrive $0xFFFF  }
0x3bb: {  	_ =	strace $0x90000047  }
0x3bc: {  	s0 =	stileid.u32;
	[bflag:$0x2] =	sbarrier.arrive $0xFFFF  }
0x3bd: {  	p0 =	sne.s32 s0, $0x0;
	s0 =	rddreg [dreg:$0x3]  }
0x3be: {  	s0 =	sadd.s32 @!p0 $0x100000, s0  }
0x3bf: {  	[sflag:s0] =	ssyncadd.tile.s32 @!p0 $0x1;
	_ =	shalt  }
.Lfunc_end2:
_tile_overlayer_lowered:
.L_overlay_start_2:
0x3c0: {  	(tag) =	ssettag $0x2  }
0x3c1: {  	s0 =	rddreg [dreg:$0x0];
	s2 =	stileid.u32  }
0x3c2: {  	s1 =	rddreg [dreg:$0x1];
	p0 =	sne.s32 s2, $0x0  }
0x3c3: {  	s3 =	rddreg [dreg:$0x2];
	[bflag:$0x3] =	sbarrier.arrive $0xFFFF;
	s2 =	simm.s32 @!p0 $0x1C09  }
0x3c4: {  	[timem:s3], [sflag:s2] =	dma.local @!p0 [hbm:s0], s1  }
0x3c5: {  	s0 =	simm.s32 @!p0 $0x9  }
0x3c6: {  	_ =	swait.ge @!p0 [sflag:s0], s1  }
0x3c7: {  	s1 =	ssub.s32 @!p0 $0x0, s1;
	[sflag:s0] =	ssyncset.done @!p0 $0x0  }
0x3c8: {  	[sflag:s0] =	ssyncadd.s32 @!p0 s1  }
0x3c9: {  	[bflag:$0x3] =	sbarrier.arrive $0xFFFF  }
0x3ca: {  	_ =	shalt  }

</sc_bundles>
